<compile_context>
chip_gen: v7x
topology: tpu7x:2x2x1
jax: 0.10.2.dev20260603
libtpu: 0.0.44.dev20260713+nightly
codegen_flags: <defaults>
</compile_context>

<pallas_src>
import functools

import jax
import jax.numpy as jnp
from jax import lax
from jax.experimental import pallas as pl
from jax.experimental.pallas import tpu as pltpu
from jax.experimental.pallas import tpu_sc as plsc

B, C, N, K = 1, 256, 10000, 16
NUM_TILES = 32
CT = C // NUM_TILES
NB = 1024
NBF = N // NB
NTAIL = N - NBF * NB
NSLOTS = NBF + 1
NGF = NB // 16
NGT = NTAIL // 16
IDXW = NB * K
IDXT = NTAIL * K
HVW = CT * NB


def _sc_gather_max(x_flat, idx_flat):
    mesh = plsc.VectorSubcoreMesh(core_axis_name="c", subcore_axis_name="s")

    @functools.partial(
        pl.kernel,
        out_type=jax.ShapeDtypeStruct((NSLOTS * C * NB,), jnp.float32),
        mesh=mesh,
        compiler_params=pltpu.CompilerParams(needs_layout_passes=False),
        scratch_types=[
            pltpu.VMEM((CT * N,), jnp.float32),
            pltpu.VMEM((2 * IDXW,), jnp.int32),
            pltpu.VMEM((2 * HVW,), jnp.float32),
            pltpu.SemaphoreType.DMA,
            pltpu.SemaphoreType.DMA,
        ],
    )
    def sc_kernel(x_hbm, idx_hbm, h_hbm, xv, idxv, hv, sem_in, sem_out):
        num_cores = 2
        wid = lax.axis_index("s") * num_cores + lax.axis_index("c")
        c0 = wid * CT
        pltpu.sync_copy(x_hbm.at[pl.ds(c0 * N, CT * N)], xv)
        lanes = lax.iota(jnp.int32, 16) * K

        def do_groups(ngroups, par, n0, unroll=1):
            ibase = par * IDXW
            hbase = par * HVW

            @plsc.parallel_loop(0, ngroups, unroll=unroll)
            def group(g):
                off = g * 16
                gidx = lanes + (ibase + off * K)
                ivs = [plsc.load_gather(idxv, [gidx + kk]) for kk in range(K)]
                for c in range(CT):
                    cb = jnp.full((16,), c * N, jnp.int32)
                    gs = [plsc.load_gather(xv, [cb + ivs[kk]]) for kk in range(K)]
                    while len(gs) > 1:
                        gs = [jnp.maximum(gs[2 * i], gs[2 * i + 1])
                              for i in range(len(gs) // 2)]
                    hv[pl.ds(hbase + c * NB + off, 16)] = gs[0]

        pltpu.async_copy(idx_hbm.at[pl.ds(0, IDXW)], idxv.at[pl.ds(0, IDXW)],
                         sem_in)

        def node_block(blk, carry):
            par = blk % 2
            npar = 1 - par
            n0 = blk * NB
            pltpu.make_async_copy(idx_hbm.at[pl.ds(0, IDXW)],
                                  idxv.at[pl.ds(par * IDXW, IDXW)],
                                  sem_in).wait()

            @pl.when(blk < NBF - 1)
            def _():
                pltpu.async_copy(idx_hbm.at[pl.ds((blk + 1) * IDXW, IDXW)],
                                 idxv.at[pl.ds(npar * IDXW, IDXW)], sem_in)

            @pl.when(blk == NBF - 1)
            def _():
                pltpu.async_copy(idx_hbm.at[pl.ds(NBF * IDXW, IDXT)],
                                 idxv.at[pl.ds(npar * IDXW, IDXT)], sem_in)

            @pl.when(blk >= 2)
            def _():
                pltpu.make_async_copy(hv.at[pl.ds(par * HVW, HVW)],
                                      h_hbm.at[pl.ds(0, HVW)], sem_out).wait()

            do_groups(NGF, par, n0)
            pltpu.async_copy(hv.at[pl.ds(par * HVW, HVW)],
                             h_hbm.at[pl.ds(blk * C * NB + c0 * NB, HVW)],
                             sem_out)
            return carry

        lax.fori_loop(0, NBF, node_block, 0)

        pltpu.make_async_copy(idx_hbm.at[pl.ds(0, IDXT)],
                              idxv.at[pl.ds(IDXW, IDXT)], sem_in).wait()
        pltpu.make_async_copy(hv.at[pl.ds(0, HVW)], h_hbm.at[pl.ds(0, HVW)],
                              sem_out).wait()
        pltpu.make_async_copy(hv.at[pl.ds(0, HVW)], h_hbm.at[pl.ds(0, HVW)],
                              sem_out).wait()
        do_groups(NGT, 1, NBF * NB)
        pltpu.sync_copy(hv.at[pl.ds(HVW, HVW)],
                        h_hbm.at[pl.ds(NBF * C * NB + c0 * NB, HVW)])

    return sc_kernel(x_flat, idx_flat)


def _tc_mlp(aggr_blocked, x2d, W, b2d):

    def body(w_ref, a_ref, x_ref, b_ref, o_ref):
        h = x_ref[...] + a_ref[0]
        acc = jnp.dot(w_ref[...], h, preferred_element_type=jnp.float32)
        o_ref[...] = jnp.maximum(acc + b_ref[...], 0.0)

    return pl.pallas_call(
        body,
        grid=(NSLOTS,),
        in_specs=[
            pl.BlockSpec((C, C), lambda i: (0, 0)),
            pl.BlockSpec((1, C, NB), lambda i: (i, 0, 0)),
            pl.BlockSpec((C, NB), lambda i: (0, i)),
            pl.BlockSpec((C, 1), lambda i: (0, 0)),
        ],
        out_specs=pl.BlockSpec((C, NB), lambda i: (0, i)),
        out_shape=jax.ShapeDtypeStruct((C, N), jnp.float32),
    )(W, aggr_blocked, x2d, b2d)


def kernel(x, edge_index, W, b):
    x_flat = x.reshape(C * N)
    idx_flat = edge_index[0, 0].astype(jnp.int32).reshape(N * K)
    aggr = _sc_gather_max(x_flat, idx_flat)
    out = _tc_mlp(aggr.reshape(NSLOTS, C, NB), x.reshape(C, N), W, b[:, None])
    return out[None, :, :, None]

# --- scband reference (transcript-rebuilt; emitter-appended) ---
"""Pipeline reference for scband-ginconv2d-60997125538364 (READ-ONLY COPY).

The authoritative reference and input builder live on the scoring server;
editing this copy changes nothing except your own understanding.
"""

import jax, jax.numpy as jnp
import numpy as np

B, C, N, K = 1, 256, 10000, 16
EPS = 0.0  # train_eps=False, buffer value 0


def batched_index_select(x, idx):
    # x: [B, C, N, 1], idx: [B, N, K] -> [B, C, N, K]
    b, c, n, _ = x.shape
    k = idx.shape[-1]
    xb = x[:, :, :, 0]  # [B, C, N]
    flat_idx = idx.reshape(b, 1, n * k)
    flat_idx = jnp.broadcast_to(flat_idx, (b, c, n * k))
    gathered = jnp.take_along_axis(xb, flat_idx, axis=2)  # [B, C, N*K]
    return gathered.reshape(b, c, n, k)


def setup_inputs(seed: int = 0) -> dict:
    key = jax.random.key(seed)
    k1, k2, k3, k4 = jax.random.split(key, 4)
    x = jax.random.normal(k1, (B, C, N, 1), dtype=jnp.float32)
    edge_index = jax.random.randint(k2, (2, B, N, K), 0, N, dtype=jnp.int64)
    # MLP2dLayer = Conv2d(in, out, kernel_size=1, bias=True) + ReLU (norm=None)
    W = jax.random.normal(k3, (C, C), dtype=jnp.float32) * (1.0 / np.sqrt(C))
    b = jax.random.normal(k4, (C,), dtype=jnp.float32) * 0.01
    return {"x": x, "edge_index": edge_index, "W": W, "b": b}


def reference(x, edge_index, W, b):
    # GINConv2d.forward with aggr='max'
    x_j = batched_index_select(x, edge_index[0])            # [B, C, N, K]
    aggr_out = jnp.max(x_j, axis=-1, keepdims=True)         # [B, C, N, 1]
    h = (1.0 + EPS) * x + aggr_out                          # [B, C, N, 1]
    # 1x1 Conv2d (C_in -> C_out) + bias + ReLU
    out = jnp.einsum('oc,bcnk->bonk', W, h) + b[None, :, None, None]
    out = jax.nn.relu(out)
    return out

if __name__ == "__main__":
    import jax
    _d = setup_inputs()
    print(jax.jit(kernel)(*tuple(_d.values())))

</pallas_src>

<mosaic_0001>
#map = affine_map<(d0, d1) -> (0)>
module attributes {stable_mosaic.version = 14 : i64} {
  func.func @sc_kernel(%arg0: i32, %arg1: i32, %arg2: memref<2560000xf32, #tpu.memory_space<hbm>>, %arg3: memref<160000xi32, #tpu.memory_space<hbm>>, %arg4: memref<2621440xf32, #tpu.memory_space<hbm>>, %arg5: memref<80000xf32, #tpu.memory_space<vmem>>, %arg6: memref<32768xi32, #tpu.memory_space<vmem>>, %arg7: memref<16384xf32, #tpu.memory_space<vmem>>, %arg8: memref<!tpu.dma_semaphore, #tpu.memory_space<semaphore_mem>>, %arg9: memref<!tpu.dma_semaphore, #tpu.memory_space<semaphore_mem>>) attributes {dimension_semantics = [#tpu.dimension_semantics<core_parallel>, #tpu.dimension_semantics<subcore_parallel>], iteration_bounds = array<i64: 2, 16>, scalar_prefetch = 0 : i64, scratch_operands = 5 : i64, tpu.core_type = #tpu.core_type<sc_vector_subcore>, window_params = [{transform_indices = #map}, {transform_indices = #map}, {transform_indices = #map}]} {
    %mul3A = arith.constant 2 : i32
    %mul3A_0 = arith.muli %arg1, %mul3A : i32
    %add3A = arith.addi %mul3A_0, %arg0 : i32
    %mul3A_1 = arith.constant 8 : i32
    %mul3A_2 = arith.muli %add3A, %mul3A_1 : i32
    %mul3A_3 = arith.constant 10000 : i32
    %mul3A_4 = arith.muli %mul3A_2, %mul3A_3 : i32
    "tpu.region"() ({
      %run_scoped3A = tpu.sem_alloc : memref<!tpu.dma_semaphore, #tpu.memory_space<semaphore_mem>>
      %dma_start3A_49 = tpu.memref_slice %arg2[%mul3A_4] : memref<2560000xf32, #tpu.memory_space<hbm>> -> memref<80000xf32, #tpu.memory_space<hbm>>
      %dma_start3A_50 = tpu.memref_slice %arg2[%mul3A_4] : memref<2560000xf32, #tpu.memory_space<hbm>> -> memref<80000xf32, #tpu.memory_space<hbm>>
      tpu.enqueue_dma source(%dma_start3A_50 : memref<80000xf32, #tpu.memory_space<hbm>>) target(%arg5 : memref<80000xf32, #tpu.memory_space<vmem>>) target_semaphore(%run_scoped3A : memref<!tpu.dma_semaphore, #tpu.memory_space<semaphore_mem>>)
      %dma_wait3A_51 = tpu.memref_slice %arg2[%mul3A_4] : memref<2560000xf32, #tpu.memory_space<hbm>> -> memref<80000xf32, #tpu.memory_space<hbm>>
      %dma_wait3A_52 = tpu.memref_slice %arg2[%mul3A_4] : memref<2560000xf32, #tpu.memory_space<hbm>> -> memref<80000xf32, #tpu.memory_space<hbm>>
      tpu.wait_dma2 semaphore(%run_scoped3A : memref<!tpu.dma_semaphore, #tpu.memory_space<semaphore_mem>>) src(%dma_wait3A_52 : memref<80000xf32, #tpu.memory_space<hbm>>) dst(%arg5 : memref<80000xf32, #tpu.memory_space<vmem>>)
      tpu.yield
    }) : () -> ()
    %iota3A = tpu.iota {dimensions = array<i32: 0>} : vector<16xi32>
    %mul3A_5 = arith.constant 16 : i32
    %mul3A_6 = vector.broadcast %mul3A_5 : i32 to vector<16xi32>
    %mul3A_7 = arith.muli %iota3A, %mul3A_6 : vector<16xi32>
    %dma_start3A = arith.constant 0 : i32
    %dma_start3A_8 = tpu.memref_slice %arg6[%dma_start3A] : memref<32768xi32, #tpu.memory_space<vmem>> -> memref<16384xi32, #tpu.memory_space<vmem>>
    %dma_start3A_9 = arith.constant 0 : i32
    %dma_start3A_10 = tpu.memref_slice %arg3[%dma_start3A_9] : memref<160000xi32, #tpu.memory_space<hbm>> -> memref<16384xi32, #tpu.memory_space<hbm>>
    %dma_start3A_11 = arith.constant 0 : i32
    %dma_start3A_12 = tpu.memref_slice %arg6[%dma_start3A_11] : memref<32768xi32, #tpu.memory_space<vmem>> -> memref<16384xi32, #tpu.memory_space<vmem>>
    %dma_start3A_13 = arith.constant 0 : i32
    %dma_start3A_14 = tpu.memref_slice %arg3[%dma_start3A_13] : memref<160000xi32, #tpu.memory_space<hbm>> -> memref<16384xi32, #tpu.memory_space<hbm>>
    tpu.enqueue_dma source(%dma_start3A_14 : memref<16384xi32, #tpu.memory_space<hbm>>) target(%dma_start3A_12 : memref<16384xi32, #tpu.memory_space<vmem>>) target_semaphore(%arg8 : memref<!tpu.dma_semaphore, #tpu.memory_space<semaphore_mem>>)
    %scan3A = arith.constant 0 : i32
    %scan3A_15 = arith.constant 0 : i32
    %scan3A_16 = arith.constant 9 : i32
    %scan3A_17 = arith.addi %scan3A_15, %scan3A_16 : i32
    %scan3A_18 = arith.constant 1 : i32
    scf.for %scan3A_49 = %scan3A_15 to %scan3A_17 step %scan3A_18  : i32 {
      %jit3A = arith.constant 2 : i32
      %eq3A = arith.constant 0 : i32
      %eq3A_50 = arith.cmpi eq, %jit3A, %eq3A : i32
      %jit3A_51 = arith.constant 1 : i32
      %select_n3A = arith.select %eq3A_50, %jit3A_51, %jit3A : i32
      %rem3A = arith.remsi %scan3A_49, %select_n3A : i32
      %ne3A = arith.constant 0 : i32
      %ne3A_52 = arith.cmpi ne, %rem3A, %ne3A : i32
      %lt3A = arith.constant 0 : i32
      %lt3A_53 = arith.cmpi slt, %rem3A, %lt3A : i32
      %lt3A_54 = arith.constant 0 : i32
      %lt3A_55 = arith.cmpi slt, %select_n3A, %lt3A_54 : i32
      %ne3A_56 = arith.xori %lt3A_53, %lt3A_55 : i1
      %and3A = arith.andi %ne3A_56, %ne3A_52 : i1
      %add3A_57 = arith.addi %rem3A, %select_n3A : i32
      %select_n3A_58 = arith.select %and3A, %add3A_57, %rem3A : i32
      %sub3A = arith.constant 1 : i32
      %sub3A_59 = arith.subi %sub3A, %select_n3A_58 : i32
      %mul3A_60 = arith.constant 1024 : i32
      %mul3A_61 = arith.muli %scan3A_49, %mul3A_60 : i32
      %mul3A_62 = arith.constant 16384 : i32
      %mul3A_63 = arith.muli %select_n3A_58, %mul3A_62 : i32
      %dma_wait3A_64 = tpu.memref_slice %arg6[%mul3A_63] : memref<32768xi32, #tpu.memory_space<vmem>> -> memref<16384xi32, #tpu.memory_space<vmem>>
      %dma_wait3A_65 = arith.constant 0 : i32
      %dma_wait3A_66 = tpu.memref_slice %arg3[%dma_wait3A_65] : memref<160000xi32, #tpu.memory_space<hbm>> -> memref<16384xi32, #tpu.memory_space<hbm>>
      %dma_wait3A_67 = tpu.memref_slice %arg6[%mul3A_63] : memref<32768xi32, #tpu.memory_space<vmem>> -> memref<16384xi32, #tpu.memory_space<vmem>>
      %dma_wait3A_68 = arith.constant 0 : i32
      %dma_wait3A_69 = tpu.memref_slice %arg3[%dma_wait3A_68] : memref<160000xi32, #tpu.memory_space<hbm>> -> memref<16384xi32, #tpu.memory_space<hbm>>
      tpu.wait_dma2 semaphore(%arg8 : memref<!tpu.dma_semaphore, #tpu.memory_space<semaphore_mem>>) src(%dma_wait3A_69 : memref<16384xi32, #tpu.memory_space<hbm>>) dst(%dma_wait3A_67 : memref<16384xi32, #tpu.memory_space<vmem>>)
      %lt3A_70 = arith.constant 8 : i32
      %lt3A_71 = arith.cmpi slt, %scan3A_49, %lt3A_70 : i32
      %convert_element_type3A = arith.extui %lt3A_71 : i1 to i32
      %cond3A = arith.constant 0 : i32
      %cond3A_72 = arith.cmpi ne, %convert_element_type3A, %cond3A : i32
      scf.if %cond3A_72 {
        %add3A_102 = arith.constant 1 : i32
        %add3A_103 = arith.addi %scan3A_49, %add3A_102 : i32
        %mul3A_104 = arith.constant 16384 : i32
        %mul3A_105 = arith.muli %add3A_103, %mul3A_104 : i32
        %mul3A_106 = arith.constant 16384 : i32
        %mul3A_107 = arith.muli %sub3A_59, %mul3A_106 : i32
        %dma_start3A_108 = tpu.memref_slice %arg6[%mul3A_107] : memref<32768xi32, #tpu.memory_space<vmem>> -> memref<16384xi32, #tpu.memory_space<vmem>>
        %dma_start3A_109 = tpu.memref_slice %arg3[%mul3A_105] : memref<160000xi32, #tpu.memory_space<hbm>> -> memref<16384xi32, #tpu.memory_space<hbm>>
        %dma_start3A_110 = tpu.memref_slice %arg6[%mul3A_107] : memref<32768xi32, #tpu.memory_space<vmem>> -> memref<16384xi32, #tpu.memory_space<vmem>>
        %dma_start3A_111 = tpu.memref_slice %arg3[%mul3A_105] : memref<160000xi32, #tpu.memory_space<hbm>> -> memref<16384xi32, #tpu.memory_space<hbm>>
        tpu.enqueue_dma source(%dma_start3A_111 : memref<16384xi32, #tpu.memory_space<hbm>>) target(%dma_start3A_110 : memref<16384xi32, #tpu.memory_space<vmem>>) target_semaphore(%arg8 : memref<!tpu.dma_semaphore, #tpu.memory_space<semaphore_mem>>)
      } else {
      }
      %eq3A_73 = arith.constant 8 : i32
      %eq3A_74 = arith.cmpi eq, %scan3A_49, %eq3A_73 : i32
      %convert_element_type3A_75 = arith.extui %eq3A_74 : i1 to i32
      %cond3A_76 = arith.constant 0 : i32
      %cond3A_77 = arith.cmpi ne, %convert_element_type3A_75, %cond3A_76 : i32
      scf.if %cond3A_77 {
        %mul3A_102 = arith.constant 16384 : i32
        %mul3A_103 = arith.muli %sub3A_59, %mul3A_102 : i32
        %dma_start3A_104 = tpu.memref_slice %arg6[%mul3A_103] : memref<32768xi32, #tpu.memory_space<vmem>> -> memref<12544xi32, #tpu.memory_space<vmem>>
        %dma_start3A_105 = arith.constant 147456 : i32
        %dma_start3A_106 = tpu.memref_slice %arg3[%dma_start3A_105] : memref<160000xi32, #tpu.memory_space<hbm>> -> memref<12544xi32, #tpu.memory_space<hbm>>
        %dma_start3A_107 = tpu.memref_slice %arg6[%mul3A_103] : memref<32768xi32, #tpu.memory_space<vmem>> -> memref<12544xi32, #tpu.memory_space<vmem>>
        %dma_start3A_108 = arith.constant 147456 : i32
        %dma_start3A_109 = tpu.memref_slice %arg3[%dma_start3A_108] : memref<160000xi32, #tpu.memory_space<hbm>> -> memref<12544xi32, #tpu.memory_space<hbm>>
        tpu.enqueue_dma source(%dma_start3A_109 : memref<12544xi32, #tpu.memory_space<hbm>>) target(%dma_start3A_107 : memref<12544xi32, #tpu.memory_space<vmem>>) target_semaphore(%arg8 : memref<!tpu.dma_semaphore, #tpu.memory_space<semaphore_mem>>)
      } else {
      }
      %ge3A = arith.constant 2 : i32
      %ge3A_78 = arith.cmpi sge, %scan3A_49, %ge3A : i32
      %convert_element_type3A_79 = arith.extui %ge3A_78 : i1 to i32
      %cond3A_80 = arith.constant 0 : i32
      %cond3A_81 = arith.cmpi ne, %convert_element_type3A_79, %cond3A_80 : i32
      scf.if %cond3A_81 {
        %mul3A_102 = arith.constant 8192 : i32
        %mul3A_103 = arith.muli %select_n3A_58, %mul3A_102 : i32
        %dma_wait3A_104 = tpu.memref_slice %arg7[%mul3A_103] : memref<16384xf32, #tpu.memory_space<vmem>> -> memref<8192xf32, #tpu.memory_space<vmem>>
        %dma_wait3A_105 = arith.constant 0 : i32
        %dma_wait3A_106 = tpu.memref_slice %arg4[%dma_wait3A_105] : memref<2621440xf32, #tpu.memory_space<hbm>> -> memref<8192xf32, #tpu.memory_space<hbm>>
        %dma_wait3A_107 = arith.constant 0 : i32
        %dma_wait3A_108 = tpu.memref_slice %arg4[%dma_wait3A_107] : memref<2621440xf32, #tpu.memory_space<hbm>> -> memref<8192xf32, #tpu.memory_space<hbm>>
        %dma_wait3A_109 = tpu.memref_slice %arg7[%mul3A_103] : memref<16384xf32, #tpu.memory_space<vmem>> -> memref<8192xf32, #tpu.memory_space<vmem>>
        tpu.wait_dma2 semaphore(%arg9 : memref<!tpu.dma_semaphore, #tpu.memory_space<semaphore_mem>>) src(%dma_wait3A_109 : memref<8192xf32, #tpu.memory_space<vmem>>) dst(%dma_wait3A_108 : memref<8192xf32, #tpu.memory_space<hbm>>)
      } else {
      }
      %mul3A_82 = arith.constant 16384 : i32
      %mul3A_83 = arith.muli %select_n3A_58, %mul3A_82 : i32
      %mul3A_84 = arith.constant 8192 : i32
      %mul3A_85 = arith.muli %select_n3A_58, %mul3A_84 : i32
      %parallel_loop3A_86 = arith.constant 0 : i32
      %parallel_loop3A_87 = arith.constant 64 : i32
      %parallel_loop3A_88 = arith.constant 1 : i32
      scf.for %parallel_loop3A_102 = %parallel_loop3A_86 to %parallel_loop3A_87 step %parallel_loop3A_88  : i32 {
        %parallel_loop3A_103 = arith.constant 16 : i32
        %parallel_loop3A_104 = arith.muli %parallel_loop3A_102, %parallel_loop3A_103 : i32
        %parallel_loop3A_105 = arith.constant 16 : i32
        %parallel_loop3A_106 = arith.muli %parallel_loop3A_104, %parallel_loop3A_105 : i32
        %parallel_loop3A_107 = arith.addi %mul3A_83, %parallel_loop3A_106 : i32
        %parallel_loop3A_108 = vector.broadcast %parallel_loop3A_107 : i32 to vector<16xi32>
        %parallel_loop3A_109 = arith.addi %mul3A_7, %parallel_loop3A_108 : vector<16xi32>
        %parallel_loop3A_110 = arith.constant 0 : i32
        %parallel_loop3A_111 = vector.broadcast %parallel_loop3A_110 : i32 to vector<16xi32>
        %parallel_loop3A_112 = arith.addi %parallel_loop3A_109, %parallel_loop3A_111 : vector<16xi32>
        %parallel_loop3A_113 = tpu.vector_load_idx %arg6[%parallel_loop3A_112] : memref<32768xi32, #tpu.memory_space<vmem>>[vector<16xi32>], vector<16xi32>,
        %parallel_loop3A_114 = arith.constant 1 : i32
        %parallel_loop3A_115 = vector.broadcast %parallel_loop3A_114 : i32 to vector<16xi32>
        %parallel_loop3A_116 = arith.addi %parallel_loop3A_109, %parallel_loop3A_115 : vector<16xi32>
        %parallel_loop3A_117 = tpu.vector_load_idx %arg6[%parallel_loop3A_116] : memref<32768xi32, #tpu.memory_space<vmem>>[vector<16xi32>], vector<16xi32>,
        %parallel_loop3A_118 = arith.constant 2 : i32
        %parallel_loop3A_119 = vector.broadcast %parallel_loop3A_118 : i32 to vector<16xi32>
        %parallel_loop3A_120 = arith.addi %parallel_loop3A_109, %parallel_loop3A_119 : vector<16xi32>
        %parallel_loop3A_121 = tpu.vector_load_idx %arg6[%parallel_loop3A_120] : memref<32768xi32, #tpu.memory_space<vmem>>[vector<16xi32>], vector<16xi32>,
        %parallel_loop3A_122 = arith.constant 3 : i32
        %parallel_loop3A_123 = vector.broadcast %parallel_loop3A_122 : i32 to vector<16xi32>
        %parallel_loop3A_124 = arith.addi %parallel_loop3A_109, %parallel_loop3A_123 : vector<16xi32>
        %parallel_loop3A_125 = tpu.vector_load_idx %arg6[%parallel_loop3A_124] : memref<32768xi32, #tpu.memory_space<vmem>>[vector<16xi32>], vector<16xi32>,
        %parallel_loop3A_126 = arith.constant 4 : i32
        %parallel_loop3A_127 = vector.broadcast %parallel_loop3A_126 : i32 to vector<16xi32>
        %parallel_loop3A_128 = arith.addi %parallel_loop3A_109, %parallel_loop3A_127 : vector<16xi32>
        %parallel_loop3A_129 = tpu.vector_load_idx %arg6[%parallel_loop3A_128] : memref<32768xi32, #tpu.memory_space<vmem>>[vector<16xi32>], vector<16xi32>,
        %parallel_loop3A_130 = arith.constant 5 : i32
        %parallel_loop3A_131 = vector.broadcast %parallel_loop3A_130 : i32 to vector<16xi32>
        %parallel_loop3A_132 = arith.addi %parallel_loop3A_109, %parallel_loop3A_131 : vector<16xi32>
        %parallel_loop3A_133 = tpu.vector_load_idx %arg6[%parallel_loop3A_132] : memref<32768xi32, #tpu.memory_space<vmem>>[vector<16xi32>], vector<16xi32>,
        %parallel_loop3A_134 = arith.constant 6 : i32
        %parallel_loop3A_135 = vector.broadcast %parallel_loop3A_134 : i32 to vector<16xi32>
        %parallel_loop3A_136 = arith.addi %parallel_loop3A_109, %parallel_loop3A_135 : vector<16xi32>
        %parallel_loop3A_137 = tpu.vector_load_idx %arg6[%parallel_loop3A_136] : memref<32768xi32, #tpu.memory_space<vmem>>[vector<16xi32>], vector<16xi32>,
        %parallel_loop3A_138 = arith.constant 7 : i32
        %parallel_loop3A_139 = vector.broadcast %parallel_loop3A_138 : i32 to vector<16xi32>
        %parallel_loop3A_140 = arith.addi %parallel_loop3A_109, %parallel_loop3A_139 : vector<16xi32>
        %parallel_loop3A_141 = tpu.vector_load_idx %arg6[%parallel_loop3A_140] : memref<32768xi32, #tpu.memory_space<vmem>>[vector<16xi32>], vector<16xi32>,
        %parallel_loop3A_142 = arith.constant 8 : i32
        %parallel_loop3A_143 = vector.broadcast %parallel_loop3A_142 : i32 to vector<16xi32>
        %parallel_loop3A_144 = arith.addi %parallel_loop3A_109, %parallel_loop3A_143 : vector<16xi32>
        %parallel_loop3A_145 = tpu.vector_load_idx %arg6[%parallel_loop3A_144] : memref<32768xi32, #tpu.memory_space<vmem>>[vector<16xi32>], vector<16xi32>,
        %parallel_loop3A_146 = arith.constant 9 : i32
        %parallel_loop3A_147 = vector.broadcast %parallel_loop3A_146 : i32 to vector<16xi32>
        %parallel_loop3A_148 = arith.addi %parallel_loop3A_109, %parallel_loop3A_147 : vector<16xi32>
        %parallel_loop3A_149 = tpu.vector_load_idx %arg6[%parallel_loop3A_148] : memref<32768xi32, #tpu.memory_space<vmem>>[vector<16xi32>], vector<16xi32>,
        %parallel_loop3A_150 = arith.constant 10 : i32
        %parallel_loop3A_151 = vector.broadcast %parallel_loop3A_150 : i32 to vector<16xi32>
        %parallel_loop3A_152 = arith.addi %parallel_loop3A_109, %parallel_loop3A_151 : vector<16xi32>
        %parallel_loop3A_153 = tpu.vector_load_idx %arg6[%parallel_loop3A_152] : memref<32768xi32, #tpu.memory_space<vmem>>[vector<16xi32>], vector<16xi32>,
        %parallel_loop3A_154 = arith.constant 11 : i32
        %parallel_loop3A_155 = vector.broadcast %parallel_loop3A_154 : i32 to vector<16xi32>
        %parallel_loop3A_156 = arith.addi %parallel_loop3A_109, %parallel_loop3A_155 : vector<16xi32>
        %parallel_loop3A_157 = tpu.vector_load_idx %arg6[%parallel_loop3A_156] : memref<32768xi32, #tpu.memory_space<vmem>>[vector<16xi32>], vector<16xi32>,
        %parallel_loop3A_158 = arith.constant 12 : i32
        %parallel_loop3A_159 = vector.broadcast %parallel_loop3A_158 : i32 to vector<16xi32>
        %parallel_loop3A_160 = arith.addi %parallel_loop3A_109, %parallel_loop3A_159 : vector<16xi32>
        %parallel_loop3A_161 = tpu.vector_load_idx %arg6[%parallel_loop3A_160] : memref<32768xi32, #tpu.memory_space<vmem>>[vector<16xi32>], vector<16xi32>,
        %parallel_loop3A_162 = arith.constant 13 : i32
        %parallel_loop3A_163 = vector.broadcast %parallel_loop3A_162 : i32 to vector<16xi32>
        %parallel_loop3A_164 = arith.addi %parallel_loop3A_109, %parallel_loop3A_163 : vector<16xi32>
        %parallel_loop3A_165 = tpu.vector_load_idx %arg6[%parallel_loop3A_164] : memref<32768xi32, #tpu.memory_space<vmem>>[vector<16xi32>], vector<16xi32>,
        %parallel_loop3A_166 = arith.constant 14 : i32
        %parallel_loop3A_167 = vector.broadcast %parallel_loop3A_166 : i32 to vector<16xi32>
        %parallel_loop3A_168 = arith.addi %parallel_loop3A_109, %parallel_loop3A_167 : vector<16xi32>
        %parallel_loop3A_169 = tpu.vector_load_idx %arg6[%parallel_loop3A_168] : memref<32768xi32, #tpu.memory_space<vmem>>[vector<16xi32>], vector<16xi32>,
        %parallel_loop3A_170 = arith.constant 15 : i32
        %parallel_loop3A_171 = vector.broadcast %parallel_loop3A_170 : i32 to vector<16xi32>
        %parallel_loop3A_172 = arith.addi %parallel_loop3A_109, %parallel_loop3A_171 : vector<16xi32>
        %parallel_loop3A_173 = tpu.vector_load_idx %arg6[%parallel_loop3A_172] : memref<32768xi32, #tpu.memory_space<vmem>>[vector<16xi32>], vector<16xi32>,
        %parallel_loop3A_174 = arith.constant 0 : i32
        %parallel_loop3A_175 = vector.broadcast %parallel_loop3A_174 : i32 to vector<16xi32>
        %parallel_loop3A_176 = arith.addi %parallel_loop3A_175, %parallel_loop3A_113 : vector<16xi32>
        %parallel_loop3A_177 = tpu.vector_load_idx %arg5[%parallel_loop3A_176] : memref<80000xf32, #tpu.memory_space<vmem>>[vector<16xi32>], vector<16xf32>,
        %parallel_loop3A_178 = arith.addi %parallel_loop3A_175, %parallel_loop3A_117 : vector<16xi32>
        %parallel_loop3A_179 = tpu.vector_load_idx %arg5[%parallel_loop3A_178] : memref<80000xf32, #tpu.memory_space<vmem>>[vector<16xi32>], vector<16xf32>,
        %parallel_loop3A_180 = arith.addi %parallel_loop3A_175, %parallel_loop3A_121 : vector<16xi32>
        %parallel_loop3A_181 = tpu.vector_load_idx %arg5[%parallel_loop3A_180] : memref<80000xf32, #tpu.memory_space<vmem>>[vector<16xi32>], vector<16xf32>,
        %parallel_loop3A_182 = arith.addi %parallel_loop3A_175, %parallel_loop3A_125 : vector<16xi32>
        %parallel_loop3A_183 = tpu.vector_load_idx %arg5[%parallel_loop3A_182] : memref<80000xf32, #tpu.memory_space<vmem>>[vector<16xi32>], vector<16xf32>,
        %parallel_loop3A_184 = arith.addi %parallel_loop3A_175, %parallel_loop3A_129 : vector<16xi32>
        %parallel_loop3A_185 = tpu.vector_load_idx %arg5[%parallel_loop3A_184] : memref<80000xf32, #tpu.memory_space<vmem>>[vector<16xi32>], vector<16xf32>,
        %parallel_loop3A_186 = arith.addi %parallel_loop3A_175, %parallel_loop3A_133 : vector<16xi32>
        %parallel_loop3A_187 = tpu.vector_load_idx %arg5[%parallel_loop3A_186] : memref<80000xf32, #tpu.memory_space<vmem>>[vector<16xi32>], vector<16xf32>,
        %parallel_loop3A_188 = arith.addi %parallel_loop3A_175, %parallel_loop3A_137 : vector<16xi32>
        %parallel_loop3A_189 = tpu.vector_load_idx %arg5[%parallel_loop3A_188] : memref<80000xf32, #tpu.memory_space<vmem>>[vector<16xi32>], vector<16xf32>,
        %parallel_loop3A_190 = arith.addi %parallel_loop3A_175, %parallel_loop3A_141 : vector<16xi32>
        %parallel_loop3A_191 = tpu.vector_load_idx %arg5[%parallel_loop3A_190] : memref<80000xf32, #tpu.memory_space<vmem>>[vector<16xi32>], vector<16xf32>,
        %parallel_loop3A_192 = arith.addi %parallel_loop3A_175, %parallel_loop3A_145 : vector<16xi32>
        %parallel_loop3A_193 = tpu.vector_load_idx %arg5[%parallel_loop3A_192] : memref<80000xf32, #tpu.memory_space<vmem>>[vector<16xi32>], vector<16xf32>,
        %parallel_loop3A_194 = arith.addi %parallel_loop3A_175, %parallel_loop3A_149 : vector<16xi32>
        %parallel_loop3A_195 = tpu.vector_load_idx %arg5[%parallel_loop3A_194] : memref<80000xf32, #tpu.memory_space<vmem>>[vector<16xi32>], vector<16xf32>,
        %parallel_loop3A_196 = arith.addi %parallel_loop3A_175, %parallel_loop3A_153 : vector<16xi32>
        %parallel_loop3A_197 = tpu.vector_load_idx %arg5[%parallel_loop3A_196] : memref<80000xf32, #tpu.memory_space<vmem>>[vector<16xi32>], vector<16xf32>,
        %parallel_loop3A_198 = arith.addi %parallel_loop3A_175, %parallel_loop3A_157 : vector<16xi32>
        %parallel_loop3A_199 = tpu.vector_load_idx %arg5[%parallel_loop3A_198] : memref<80000xf32, #tpu.memory_space<vmem>>[vector<16xi32>], vector<16xf32>,
        %parallel_loop3A_200 = arith.addi %parallel_loop3A_175, %parallel_loop3A_161 : vector<16xi32>
        %parallel_loop3A_201 = tpu.vector_load_idx %arg5[%parallel_loop3A_200] : memref<80000xf32, #tpu.memory_space<vmem>>[vector<16xi32>], vector<16xf32>,
        %parallel_loop3A_202 = arith.addi %parallel_loop3A_175, %parallel_loop3A_165 : vector<16xi32>
        %parallel_loop3A_203 = tpu.vector_load_idx %arg5[%parallel_loop3A_202] : memref<80000xf32, #tpu.memory_space<vmem>>[vector<16xi32>], vector<16xf32>,
        %parallel_loop3A_204 = arith.addi %parallel_loop3A_175, %parallel_loop3A_169 : vector<16xi32>
        %parallel_loop3A_205 = tpu.vector_load_idx %arg5[%parallel_loop3A_204] : memref<80000xf32, #tpu.memory_space<vmem>>[vector<16xi32>], vector<16xf32>,
        %parallel_loop3A_206 = arith.addi %parallel_loop3A_175, %parallel_loop3A_173 : vector<16xi32>
        %parallel_loop3A_207 = tpu.vector_load_idx %arg5[%parallel_loop3A_206] : memref<80000xf32, #tpu.memory_space<vmem>>[vector<16xi32>], vector<16xf32>,
        %parallel_loop3A_208 = arith.maximumf %parallel_loop3A_177, %parallel_loop3A_179 : vector<16xf32>
        %parallel_loop3A_209 = arith.maximumf %parallel_loop3A_181, %parallel_loop3A_183 : vector<16xf32>
        %parallel_loop3A_210 = arith.maximumf %parallel_loop3A_185, %parallel_loop3A_187 : vector<16xf32>
        %parallel_loop3A_211 = arith.maximumf %parallel_loop3A_189, %parallel_loop3A_191 : vector<16xf32>
        %parallel_loop3A_212 = arith.maximumf %parallel_loop3A_193, %parallel_loop3A_195 : vector<16xf32>
        %parallel_loop3A_213 = arith.maximumf %parallel_loop3A_197, %parallel_loop3A_199 : vector<16xf32>
        %parallel_loop3A_214 = arith.maximumf %parallel_loop3A_201, %parallel_loop3A_203 : vector<16xf32>
        %parallel_loop3A_215 = arith.maximumf %parallel_loop3A_205, %parallel_loop3A_207 : vector<16xf32>
        %parallel_loop3A_216 = arith.maximumf %parallel_loop3A_208, %parallel_loop3A_209 : vector<16xf32>
        %parallel_loop3A_217 = arith.maximumf %parallel_loop3A_210, %parallel_loop3A_211 : vector<16xf32>
        %parallel_loop3A_218 = arith.maximumf %parallel_loop3A_212, %parallel_loop3A_213 : vector<16xf32>
        %parallel_loop3A_219 = arith.maximumf %parallel_loop3A_214, %parallel_loop3A_215 : vector<16xf32>
        %parallel_loop3A_220 = arith.maximumf %parallel_loop3A_216, %parallel_loop3A_217 : vector<16xf32>
        %parallel_loop3A_221 = arith.maximumf %parallel_loop3A_218, %parallel_loop3A_219 : vector<16xf32>
        %parallel_loop3A_222 = arith.maximumf %parallel_loop3A_220, %parallel_loop3A_221 : vector<16xf32>
        %parallel_loop3A_223 = arith.constant 0 : i32
        %parallel_loop3A_224 = arith.addi %mul3A_85, %parallel_loop3A_223 : i32
        %parallel_loop3A_225 = arith.addi %parallel_loop3A_224, %parallel_loop3A_104 : i32
        %parallel_loop3A_226 = arith.index_cast %parallel_loop3A_225 : i32 to index
        %parallel_loop3A_227 = tpu.vector_load %arg7[%parallel_loop3A_226] {strides = array<i32>} : memref<16384xf32, #tpu.memory_space<vmem>>, vector<16xf32>,
        tpu.vector_store %arg7[%parallel_loop3A_226], %parallel_loop3A_222 {strides = array<i32>} : memref<16384xf32, #tpu.memory_space<vmem>>, vector<16xf32>,
        %parallel_loop3A_228 = arith.constant 10000 : i32
        %parallel_loop3A_229 = vector.broadcast %parallel_loop3A_228 : i32 to vector<16xi32>
        %parallel_loop3A_230 = arith.addi %parallel_loop3A_229, %parallel_loop3A_113 : vector<16xi32>
        %parallel_loop3A_231 = tpu.vector_load_idx %arg5[%parallel_loop3A_230] : memref<80000xf32, #tpu.memory_space<vmem>>[vector<16xi32>], vector<16xf32>,
        %parallel_loop3A_232 = arith.addi %parallel_loop3A_229, %parallel_loop3A_117 : vector<16xi32>
        %parallel_loop3A_233 = tpu.vector_load_idx %arg5[%parallel_loop3A_232] : memref<80000xf32, #tpu.memory_space<vmem>>[vector<16xi32>], vector<16xf32>,
        %parallel_loop3A_234 = arith.addi %parallel_loop3A_229, %parallel_loop3A_121 : vector<16xi32>
        %parallel_loop3A_235 = tpu.vector_load_idx %arg5[%parallel_loop3A_234] : memref<80000xf32, #tpu.memory_space<vmem>>[vector<16xi32>], vector<16xf32>,
        %parallel_loop3A_236 = arith.addi %parallel_loop3A_229, %parallel_loop3A_125 : vector<16xi32>
        %parallel_loop3A_237 = tpu.vector_load_idx %arg5[%parallel_loop3A_236] : memref<80000xf32, #tpu.memory_space<vmem>>[vector<16xi32>], vector<16xf32>,
        %parallel_loop3A_238 = arith.addi %parallel_loop3A_229, %parallel_loop3A_129 : vector<16xi32>
        %parallel_loop3A_239 = tpu.vector_load_idx %arg5[%parallel_loop3A_238] : memref<80000xf32, #tpu.memory_space<vmem>>[vector<16xi32>], vector<16xf32>,
        %parallel_loop3A_240 = arith.addi %parallel_loop3A_229, %parallel_loop3A_133 : vector<16xi32>
        %parallel_loop3A_241 = tpu.vector_load_idx %arg5[%parallel_loop3A_240] : memref<80000xf32, #tpu.memory_space<vmem>>[vector<16xi32>], vector<16xf32>,
        %parallel_loop3A_242 = arith.addi %parallel_loop3A_229, %parallel_loop3A_137 : vector<16xi32>
        %parallel_loop3A_243 = tpu.vector_load_idx %arg5[%parallel_loop3A_242] : memref<80000xf32, #tpu.memory_space<vmem>>[vector<16xi32>], vector<16xf32>,
        %parallel_loop3A_244 = arith.addi %parallel_loop3A_229, %parallel_loop3A_141 : vector<16xi32>
        %parallel_loop3A_245 = tpu.vector_load_idx %arg5[%parallel_loop3A_244] : memref<80000xf32, #tpu.memory_space<vmem>>[vector<16xi32>], vector<16xf32>,
        %parallel_loop3A_246 = arith.addi %parallel_loop3A_229, %parallel_loop3A_145 : vector<16xi32>
        %parallel_loop3A_247 = tpu.vector_load_idx %arg5[%parallel_loop3A_246] : memref<80000xf32, #tpu.memory_space<vmem>>[vector<16xi32>], vector<16xf32>,
        %parallel_loop3A_248 = arith.addi %parallel_loop3A_229, %parallel_loop3A_149 : vector<16xi32>
        %parallel_loop3A_249 = tpu.vector_load_idx %arg5[%parallel_loop3A_248] : memref<80000xf32, #tpu.memory_space<vmem>>[vector<16xi32>], vector<16xf32>,
        %parallel_loop3A_250 = arith.addi %parallel_loop3A_229, %parallel_loop3A_153 : vector<16xi32>
        %parallel_loop3A_251 = tpu.vector_load_idx %arg5[%parallel_loop3A_250] : memref<80000xf32, #tpu.memory_space<vmem>>[vector<16xi32>], vector<16xf32>,
        %parallel_loop3A_252 = arith.addi %parallel_loop3A_229, %parallel_loop3A_157 : vector<16xi32>
        %parallel_loop3A_253 = tpu.vector_load_idx %arg5[%parallel_loop3A_252] : memref<80000xf32, #tpu.memory_space<vmem>>[vector<16xi32>], vector<16xf32>,
        %parallel_loop3A_254 = arith.addi %parallel_loop3A_229, %parallel_loop3A_161 : vector<16xi32>
        %parallel_loop3A_255 = tpu.vector_load_idx %arg5[%parallel_loop3A_254] : memref<80000xf32, #tpu.memory_space<vmem>>[vector<16xi32>], vector<16xf32>,
        %parallel_loop3A_256 = arith.addi %parallel_loop3A_229, %parallel_loop3A_165 : vector<16xi32>
        %parallel_loop3A_257 = tpu.vector_load_idx %arg5[%parallel_loop3A_256] : memref<80000xf32, #tpu.memory_space<vmem>>[vector<16xi32>], vector<16xf32>,
        %parallel_loop3A_258 = arith.addi %parallel_loop3A_229, %parallel_loop3A_169 : vector<16xi32>
        %parallel_loop3A_259 = tpu.vector_load_idx %arg5[%parallel_loop3A_258] : memref<80000xf32, #tpu.memory_space<vmem>>[vector<16xi32>], vector<16xf32>,
        %parallel_loop3A_260 = arith.addi %parallel_loop3A_229, %parallel_loop3A_173 : vector<16xi32>
        %parallel_loop3A_261 = tpu.vector_load_idx %arg5[%parallel_loop3A_260] : memref<80000xf32, #tpu.memory_space<vmem>>[vector<16xi32>], vector<16xf32>,
        %parallel_loop3A_262 = arith.maximumf %parallel_loop3A_231, %parallel_loop3A_233 : vector<16xf32>
        %parallel_loop3A_263 = arith.maximumf %parallel_loop3A_235, %parallel_loop3A_237 : vector<16xf32>
        %parallel_loop3A_264 = arith.maximumf %parallel_loop3A_239, %parallel_loop3A_241 : vector<16xf32>
        %parallel_loop3A_265 = arith.maximumf %parallel_loop3A_243, %parallel_loop3A_245 : vector<16xf32>
        %parallel_loop3A_266 = arith.maximumf %parallel_loop3A_247, %parallel_loop3A_249 : vector<16xf32>
        %parallel_loop3A_267 = arith.maximumf %parallel_loop3A_251, %parallel_loop3A_253 : vector<16xf32>
        %parallel_loop3A_268 = arith.maximumf %parallel_loop3A_255, %parallel_loop3A_257 : vector<16xf32>
        %parallel_loop3A_269 = arith.maximumf %parallel_loop3A_259, %parallel_loop3A_261 : vector<16xf32>
        %parallel_loop3A_270 = arith.maximumf %parallel_loop3A_262, %parallel_loop3A_263 : vector<16xf32>
        %parallel_loop3A_271 = arith.maximumf %parallel_loop3A_264, %parallel_loop3A_265 : vector<16xf32>
        %parallel_loop3A_272 = arith.maximumf %parallel_loop3A_266, %parallel_loop3A_267 : vector<16xf32>
        %parallel_loop3A_273 = arith.maximumf %parallel_loop3A_268, %parallel_loop3A_269 : vector<16xf32>
        %parallel_loop3A_274 = arith.maximumf %parallel_loop3A_270, %parallel_loop3A_271 : vector<16xf32>
        %parallel_loop3A_275 = arith.maximumf %parallel_loop3A_272, %parallel_loop3A_273 : vector<16xf32>
        %parallel_loop3A_276 = arith.maximumf %parallel_loop3A_274, %parallel_loop3A_275 : vector<16xf32>
        %parallel_loop3A_277 = arith.constant 1024 : i32
        %parallel_loop3A_278 = arith.addi %mul3A_85, %parallel_loop3A_277 : i32
        %parallel_loop3A_279 = arith.addi %parallel_loop3A_278, %parallel_loop3A_104 : i32
        %parallel_loop3A_280 = arith.index_cast %parallel_loop3A_279 : i32 to index
        %parallel_loop3A_281 = tpu.vector_load %arg7[%parallel_loop3A_280] {strides = array<i32>} : memref<16384xf32, #tpu.memory_space<vmem>>, vector<16xf32>,
        tpu.vector_store %arg7[%parallel_loop3A_280], %parallel_loop3A_276 {strides = array<i32>} : memref<16384xf32, #tpu.memory_space<vmem>>, vector<16xf32>,
        %parallel_loop3A_282 = arith.constant 20000 : i32
        %parallel_loop3A_283 = vector.broadcast %parallel_loop3A_282 : i32 to vector<16xi32>
        %parallel_loop3A_284 = arith.addi %parallel_loop3A_283, %parallel_loop3A_113 : vector<16xi32>
        %parallel_loop3A_285 = tpu.vector_load_idx %arg5[%parallel_loop3A_284] : memref<80000xf32, #tpu.memory_space<vmem>>[vector<16xi32>], vector<16xf32>,
        %parallel_loop3A_286 = arith.addi %parallel_loop3A_283, %parallel_loop3A_117 : vector<16xi32>
        %parallel_loop3A_287 = tpu.vector_load_idx %arg5[%parallel_loop3A_286] : memref<80000xf32, #tpu.memory_space<vmem>>[vector<16xi32>], vector<16xf32>,
        %parallel_loop3A_288 = arith.addi %parallel_loop3A_283, %parallel_loop3A_121 : vector<16xi32>
        %parallel_loop3A_289 = tpu.vector_load_idx %arg5[%parallel_loop3A_288] : memref<80000xf32, #tpu.memory_space<vmem>>[vector<16xi32>], vector<16xf32>,
        %parallel_loop3A_290 = arith.addi %parallel_loop3A_283, %parallel_loop3A_125 : vector<16xi32>
        %parallel_loop3A_291 = tpu.vector_load_idx %arg5[%parallel_loop3A_290] : memref<80000xf32, #tpu.memory_space<vmem>>[vector<16xi32>], vector<16xf32>,
        %parallel_loop3A_292 = arith.addi %parallel_loop3A_283, %parallel_loop3A_129 : vector<16xi32>
        %parallel_loop3A_293 = tpu.vector_load_idx %arg5[%parallel_loop3A_292] : memref<80000xf32, #tpu.memory_space<vmem>>[vector<16xi32>], vector<16xf32>,
        %parallel_loop3A_294 = arith.addi %parallel_loop3A_283, %parallel_loop3A_133 : vector<16xi32>
        %parallel_loop3A_295 = tpu.vector_load_idx %arg5[%parallel_loop3A_294] : memref<80000xf32, #tpu.memory_space<vmem>>[vector<16xi32>], vector<16xf32>,
        %parallel_loop3A_296 = arith.addi %parallel_loop3A_283, %parallel_loop3A_137 : vector<16xi32>
        %parallel_loop3A_297 = tpu.vector_load_idx %arg5[%parallel_loop3A_296] : memref<80000xf32, #tpu.memory_space<vmem>>[vector<16xi32>], vector<16xf32>,
        %parallel_loop3A_298 = arith.addi %parallel_loop3A_283, %parallel_loop3A_141 : vector<16xi32>
        %parallel_loop3A_299 = tpu.vector_load_idx %arg5[%parallel_loop3A_298] : memref<80000xf32, #tpu.memory_space<vmem>>[vector<16xi32>], vector<16xf32>,
        %parallel_loop3A_300 = arith.addi %parallel_loop3A_283, %parallel_loop3A_145 : vector<16xi32>
        %parallel_loop3A_301 = tpu.vector_load_idx %arg5[%parallel_loop3A_300] : memref<80000xf32, #tpu.memory_space<vmem>>[vector<16xi32>], vector<16xf32>,
        %parallel_loop3A_302 = arith.addi %parallel_loop3A_283, %parallel_loop3A_149 : vector<16xi32>
        %parallel_loop3A_303 = tpu.vector_load_idx %arg5[%parallel_loop3A_302] : memref<80000xf32, #tpu.memory_space<vmem>>[vector<16xi32>], vector<16xf32>,
        %parallel_loop3A_304 = arith.addi %parallel_loop3A_283, %parallel_loop3A_153 : vector<16xi32>
        %parallel_loop3A_305 = tpu.vector_load_idx %arg5[%parallel_loop3A_304] : memref<80000xf32, #tpu.memory_space<vmem>>[vector<16xi32>], vector<16xf32>,
        %parallel_loop3A_306 = arith.addi %parallel_loop3A_283, %parallel_loop3A_157 : vector<16xi32>
        %parallel_loop3A_307 = tpu.vector_load_idx %arg5[%parallel_loop3A_306] : memref<80000xf32, #tpu.memory_space<vmem>>[vector<16xi32>], vector<16xf32>,
        %parallel_loop3A_308 = arith.addi %parallel_loop3A_283, %parallel_loop3A_161 : vector<16xi32>
        %parallel_loop3A_309 = tpu.vector_load_idx %arg5[%parallel_loop3A_308] : memref<80000xf32, #tpu.memory_space<vmem>>[vector<16xi32>], vector<16xf32>,
        %parallel_loop3A_310 = arith.addi %parallel_loop3A_283, %parallel_loop3A_165 : vector<16xi32>
        %parallel_loop3A_311 = tpu.vector_load_idx %arg5[%parallel_loop3A_310] : memref<80000xf32, #tpu.memory_space<vmem>>[vector<16xi32>], vector<16xf32>,
        %parallel_loop3A_312 = arith.addi %parallel_loop3A_283, %parallel_loop3A_169 : vector<16xi32>
        %parallel_loop3A_313 = tpu.vector_load_idx %arg5[%parallel_loop3A_312] : memref<80000xf32, #tpu.memory_space<vmem>>[vector<16xi32>], vector<16xf32>,
        %parallel_loop3A_314 = arith.addi %parallel_loop3A_283, %parallel_loop3A_173 : vector<16xi32>
        %parallel_loop3A_315 = tpu.vector_load_idx %arg5[%parallel_loop3A_314] : memref<80000xf32, #tpu.memory_space<vmem>>[vector<16xi32>], vector<16xf32>,
        %parallel_loop3A_316 = arith.maximumf %parallel_loop3A_285, %parallel_loop3A_287 : vector<16xf32>
        %parallel_loop3A_317 = arith.maximumf %parallel_loop3A_289, %parallel_loop3A_291 : vector<16xf32>
        %parallel_loop3A_318 = arith.maximumf %parallel_loop3A_293, %parallel_loop3A_295 : vector<16xf32>
        %parallel_loop3A_319 = arith.maximumf %parallel_loop3A_297, %parallel_loop3A_299 : vector<16xf32>
        %parallel_loop3A_320 = arith.maximumf %parallel_loop3A_301, %parallel_loop3A_303 : vector<16xf32>
        %parallel_loop3A_321 = arith.maximumf %parallel_loop3A_305, %parallel_loop3A_307 : vector<16xf32>
        %parallel_loop3A_322 = arith.maximumf %parallel_loop3A_309, %parallel_loop3A_311 : vector<16xf32>
        %parallel_loop3A_323 = arith.maximumf %parallel_loop3A_313, %parallel_loop3A_315 : vector<16xf32>
        %parallel_loop3A_324 = arith.maximumf %parallel_loop3A_316, %parallel_loop3A_317 : vector<16xf32>
        %parallel_loop3A_325 = arith.maximumf %parallel_loop3A_318, %parallel_loop3A_319 : vector<16xf32>
        %parallel_loop3A_326 = arith.maximumf %parallel_loop3A_320, %parallel_loop3A_321 : vector<16xf32>
        %parallel_loop3A_327 = arith.maximumf %parallel_loop3A_322, %parallel_loop3A_323 : vector<16xf32>
        %parallel_loop3A_328 = arith.maximumf %parallel_loop3A_324, %parallel_loop3A_325 : vector<16xf32>
        %parallel_loop3A_329 = arith.maximumf %parallel_loop3A_326, %parallel_loop3A_327 : vector<16xf32>
        %parallel_loop3A_330 = arith.maximumf %parallel_loop3A_328, %parallel_loop3A_329 : vector<16xf32>
        %parallel_loop3A_331 = arith.constant 2048 : i32
        %parallel_loop3A_332 = arith.addi %mul3A_85, %parallel_loop3A_331 : i32
        %parallel_loop3A_333 = arith.addi %parallel_loop3A_332, %parallel_loop3A_104 : i32
        %parallel_loop3A_334 = arith.index_cast %parallel_loop3A_333 : i32 to index
        %parallel_loop3A_335 = tpu.vector_load %arg7[%parallel_loop3A_334] {strides = array<i32>} : memref<16384xf32, #tpu.memory_space<vmem>>, vector<16xf32>,
        tpu.vector_store %arg7[%parallel_loop3A_334], %parallel_loop3A_330 {strides = array<i32>} : memref<16384xf32, #tpu.memory_space<vmem>>, vector<16xf32>,
        %parallel_loop3A_336 = arith.constant 30000 : i32
        %parallel_loop3A_337 = vector.broadcast %parallel_loop3A_336 : i32 to vector<16xi32>
        %parallel_loop3A_338 = arith.addi %parallel_loop3A_337, %parallel_loop3A_113 : vector<16xi32>
        %parallel_loop3A_339 = tpu.vector_load_idx %arg5[%parallel_loop3A_338] : memref<80000xf32, #tpu.memory_space<vmem>>[vector<16xi32>], vector<16xf32>,
        %parallel_loop3A_340 = arith.addi %parallel_loop3A_337, %parallel_loop3A_117 : vector<16xi32>
        %parallel_loop3A_341 = tpu.vector_load_idx %arg5[%parallel_loop3A_340] : memref<80000xf32, #tpu.memory_space<vmem>>[vector<16xi32>], vector<16xf32>,
        %parallel_loop3A_342 = arith.addi %parallel_loop3A_337, %parallel_loop3A_121 : vector<16xi32>
        %parallel_loop3A_343 = tpu.vector_load_idx %arg5[%parallel_loop3A_342] : memref<80000xf32, #tpu.memory_space<vmem>>[vector<16xi32>], vector<16xf32>,
        %parallel_loop3A_344 = arith.addi %parallel_loop3A_337, %parallel_loop3A_125 : vector<16xi32>
        %parallel_loop3A_345 = tpu.vector_load_idx %arg5[%parallel_loop3A_344] : memref<80000xf32, #tpu.memory_space<vmem>>[vector<16xi32>], vector<16xf32>,
        %parallel_loop3A_346 = arith.addi %parallel_loop3A_337, %parallel_loop3A_129 : vector<16xi32>
        %parallel_loop3A_347 = tpu.vector_load_idx %arg5[%parallel_loop3A_346] : memref<80000xf32, #tpu.memory_space<vmem>>[vector<16xi32>], vector<16xf32>,
        %parallel_loop3A_348 = arith.addi %parallel_loop3A_337, %parallel_loop3A_133 : vector<16xi32>
        %parallel_loop3A_349 = tpu.vector_load_idx %arg5[%parallel_loop3A_348] : memref<80000xf32, #tpu.memory_space<vmem>>[vector<16xi32>], vector<16xf32>,
        %parallel_loop3A_350 = arith.addi %parallel_loop3A_337, %parallel_loop3A_137 : vector<16xi32>
        %parallel_loop3A_351 = tpu.vector_load_idx %arg5[%parallel_loop3A_350] : memref<80000xf32, #tpu.memory_space<vmem>>[vector<16xi32>], vector<16xf32>,
        %parallel_loop3A_352 = arith.addi %parallel_loop3A_337, %parallel_loop3A_141 : vector<16xi32>
        %parallel_loop3A_353 = tpu.vector_load_idx %arg5[%parallel_loop3A_352] : memref<80000xf32, #tpu.memory_space<vmem>>[vector<16xi32>], vector<16xf32>,
        %parallel_loop3A_354 = arith.addi %parallel_loop3A_337, %parallel_loop3A_145 : vector<16xi32>
        %parallel_loop3A_355 = tpu.vector_load_idx %arg5[%parallel_loop3A_354] : memref<80000xf32, #tpu.memory_space<vmem>>[vector<16xi32>], vector<16xf32>,
        %parallel_loop3A_356 = arith.addi %parallel_loop3A_337, %parallel_loop3A_149 : vector<16xi32>
        %parallel_loop3A_357 = tpu.vector_load_idx %arg5[%parallel_loop3A_356] : memref<80000xf32, #tpu.memory_space<vmem>>[vector<16xi32>], vector<16xf32>,
        %parallel_loop3A_358 = arith.addi %parallel_loop3A_337, %parallel_loop3A_153 : vector<16xi32>
        %parallel_loop3A_359 = tpu.vector_load_idx %arg5[%parallel_loop3A_358] : memref<80000xf32, #tpu.memory_space<vmem>>[vector<16xi32>], vector<16xf32>,
        %parallel_loop3A_360 = arith.addi %parallel_loop3A_337, %parallel_loop3A_157 : vector<16xi32>
        %parallel_loop3A_361 = tpu.vector_load_idx %arg5[%parallel_loop3A_360] : memref<80000xf32, #tpu.memory_space<vmem>>[vector<16xi32>], vector<16xf32>,
        %parallel_loop3A_362 = arith.addi %parallel_loop3A_337, %parallel_loop3A_161 : vector<16xi32>
        %parallel_loop3A_363 = tpu.vector_load_idx %arg5[%parallel_loop3A_362] : memref<80000xf32, #tpu.memory_space<vmem>>[vector<16xi32>], vector<16xf32>,
        %parallel_loop3A_364 = arith.addi %parallel_loop3A_337, %parallel_loop3A_165 : vector<16xi32>
        %parallel_loop3A_365 = tpu.vector_load_idx %arg5[%parallel_loop3A_364] : memref<80000xf32, #tpu.memory_space<vmem>>[vector<16xi32>], vector<16xf32>,
        %parallel_loop3A_366 = arith.addi %parallel_loop3A_337, %parallel_loop3A_169 : vector<16xi32>
        %parallel_loop3A_367 = tpu.vector_load_idx %arg5[%parallel_loop3A_366] : memref<80000xf32, #tpu.memory_space<vmem>>[vector<16xi32>], vector<16xf32>,
        %parallel_loop3A_368 = arith.addi %parallel_loop3A_337, %parallel_loop3A_173 : vector<16xi32>
        %parallel_loop3A_369 = tpu.vector_load_idx %arg5[%parallel_loop3A_368] : memref<80000xf32, #tpu.memory_space<vmem>>[vector<16xi32>], vector<16xf32>,
        %parallel_loop3A_370 = arith.maximumf %parallel_loop3A_339, %parallel_loop3A_341 : vector<16xf32>
        %parallel_loop3A_371 = arith.maximumf %parallel_loop3A_343, %parallel_loop3A_345 : vector<16xf32>
        %parallel_loop3A_372 = arith.maximumf %parallel_loop3A_347, %parallel_loop3A_349 : vector<16xf32>
        %parallel_loop3A_373 = arith.maximumf %parallel_loop3A_351, %parallel_loop3A_353 : vector<16xf32>
        %parallel_loop3A_374 = arith.maximumf %parallel_loop3A_355, %parallel_loop3A_357 : vector<16xf32>
        %parallel_loop3A_375 = arith.maximumf %parallel_loop3A_359, %parallel_loop3A_361 : vector<16xf32>
        %parallel_loop3A_376 = arith.maximumf %parallel_loop3A_363, %parallel_loop3A_365 : vector<16xf32>
        %parallel_loop3A_377 = arith.maximumf %parallel_loop3A_367, %parallel_loop3A_369 : vector<16xf32>
        %parallel_loop3A_378 = arith.maximumf %parallel_loop3A_370, %parallel_loop3A_371 : vector<16xf32>
        %parallel_loop3A_379 = arith.maximumf %parallel_loop3A_372, %parallel_loop3A_373 : vector<16xf32>
        %parallel_loop3A_380 = arith.maximumf %parallel_loop3A_374, %parallel_loop3A_375 : vector<16xf32>
        %parallel_loop3A_381 = arith.maximumf %parallel_loop3A_376, %parallel_loop3A_377 : vector<16xf32>
        %parallel_loop3A_382 = arith.maximumf %parallel_loop3A_378, %parallel_loop3A_379 : vector<16xf32>
        %parallel_loop3A_383 = arith.maximumf %parallel_loop3A_380, %parallel_loop3A_381 : vector<16xf32>
        %parallel_loop3A_384 = arith.maximumf %parallel_loop3A_382, %parallel_loop3A_383 : vector<16xf32>
        %parallel_loop3A_385 = arith.constant 3072 : i32
        %parallel_loop3A_386 = arith.addi %mul3A_85, %parallel_loop3A_385 : i32
        %parallel_loop3A_387 = arith.addi %parallel_loop3A_386, %parallel_loop3A_104 : i32
        %parallel_loop3A_388 = arith.index_cast %parallel_loop3A_387 : i32 to index
        %parallel_loop3A_389 = tpu.vector_load %arg7[%parallel_loop3A_388] {strides = array<i32>} : memref<16384xf32, #tpu.memory_space<vmem>>, vector<16xf32>,
        tpu.vector_store %arg7[%parallel_loop3A_388], %parallel_loop3A_384 {strides = array<i32>} : memref<16384xf32, #tpu.memory_space<vmem>>, vector<16xf32>,
        %parallel_loop3A_390 = arith.constant 40000 : i32
        %parallel_loop3A_391 = vector.broadcast %parallel_loop3A_390 : i32 to vector<16xi32>
        %parallel_loop3A_392 = arith.addi %parallel_loop3A_391, %parallel_loop3A_113 : vector<16xi32>
        %parallel_loop3A_393 = tpu.vector_load_idx %arg5[%parallel_loop3A_392] : memref<80000xf32, #tpu.memory_space<vmem>>[vector<16xi32>], vector<16xf32>,
        %parallel_loop3A_394 = arith.addi %parallel_loop3A_391, %parallel_loop3A_117 : vector<16xi32>
        %parallel_loop3A_395 = tpu.vector_load_idx %arg5[%parallel_loop3A_394] : memref<80000xf32, #tpu.memory_space<vmem>>[vector<16xi32>], vector<16xf32>,
        %parallel_loop3A_396 = arith.addi %parallel_loop3A_391, %parallel_loop3A_121 : vector<16xi32>
        %parallel_loop3A_397 = tpu.vector_load_idx %arg5[%parallel_loop3A_396] : memref<80000xf32, #tpu.memory_space<vmem>>[vector<16xi32>], vector<16xf32>,
        %parallel_loop3A_398 = arith.addi %parallel_loop3A_391, %parallel_loop3A_125 : vector<16xi32>
        %parallel_loop3A_399 = tpu.vector_load_idx %arg5[%parallel_loop3A_398] : memref<80000xf32, #tpu.memory_space<vmem>>[vector<16xi32>], vector<16xf32>,
        %parallel_loop3A_400 = arith.addi %parallel_loop3A_391, %parallel_loop3A_129 : vector<16xi32>
        %parallel_loop3A_401 = tpu.vector_load_idx %arg5[%parallel_loop3A_400] : memref<80000xf32, #tpu.memory_space<vmem>>[vector<16xi32>], vector<16xf32>,
        %parallel_loop3A_402 = arith.addi %parallel_loop3A_391, %parallel_loop3A_133 : vector<16xi32>
        %parallel_loop3A_403 = tpu.vector_load_idx %arg5[%parallel_loop3A_402] : memref<80000xf32, #tpu.memory_space<vmem>>[vector<16xi32>], vector<16xf32>,
        %parallel_loop3A_404 = arith.addi %parallel_loop3A_391, %parallel_loop3A_137 : vector<16xi32>
        %parallel_loop3A_405 = tpu.vector_load_idx %arg5[%parallel_loop3A_404] : memref<80000xf32, #tpu.memory_space<vmem>>[vector<16xi32>], vector<16xf32>,
        %parallel_loop3A_406 = arith.addi %parallel_loop3A_391, %parallel_loop3A_141 : vector<16xi32>
        %parallel_loop3A_407 = tpu.vector_load_idx %arg5[%parallel_loop3A_406] : memref<80000xf32, #tpu.memory_space<vmem>>[vector<16xi32>], vector<16xf32>,
        %parallel_loop3A_408 = arith.addi %parallel_loop3A_391, %parallel_loop3A_145 : vector<16xi32>
        %parallel_loop3A_409 = tpu.vector_load_idx %arg5[%parallel_loop3A_408] : memref<80000xf32, #tpu.memory_space<vmem>>[vector<16xi32>], vector<16xf32>,
        %parallel_loop3A_410 = arith.addi %parallel_loop3A_391, %parallel_loop3A_149 : vector<16xi32>
        %parallel_loop3A_411 = tpu.vector_load_idx %arg5[%parallel_loop3A_410] : memref<80000xf32, #tpu.memory_space<vmem>>[vector<16xi32>], vector<16xf32>,
        %parallel_loop3A_412 = arith.addi %parallel_loop3A_391, %parallel_loop3A_153 : vector<16xi32>
        %parallel_loop3A_413 = tpu.vector_load_idx %arg5[%parallel_loop3A_412] : memref<80000xf32, #tpu.memory_space<vmem>>[vector<16xi32>], vector<16xf32>,
        %parallel_loop3A_414 = arith.addi %parallel_loop3A_391, %parallel_loop3A_157 : vector<16xi32>
        %parallel_loop3A_415 = tpu.vector_load_idx %arg5[%parallel_loop3A_414] : memref<80000xf32, #tpu.memory_space<vmem>>[vector<16xi32>], vector<16xf32>,
        %parallel_loop3A_416 = arith.addi %parallel_loop3A_391, %parallel_loop3A_161 : vector<16xi32>
        %parallel_loop3A_417 = tpu.vector_load_idx %arg5[%parallel_loop3A_416] : memref<80000xf32, #tpu.memory_space<vmem>>[vector<16xi32>], vector<16xf32>,
        %parallel_loop3A_418 = arith.addi %parallel_loop3A_391, %parallel_loop3A_165 : vector<16xi32>
        %parallel_loop3A_419 = tpu.vector_load_idx %arg5[%parallel_loop3A_418] : memref<80000xf32, #tpu.memory_space<vmem>>[vector<16xi32>], vector<16xf32>,
        %parallel_loop3A_420 = arith.addi %parallel_loop3A_391, %parallel_loop3A_169 : vector<16xi32>
        %parallel_loop3A_421 = tpu.vector_load_idx %arg5[%parallel_loop3A_420] : memref<80000xf32, #tpu.memory_space<vmem>>[vector<16xi32>], vector<16xf32>,
        %parallel_loop3A_422 = arith.addi %parallel_loop3A_391, %parallel_loop3A_173 : vector<16xi32>
        %parallel_loop3A_423 = tpu.vector_load_idx %arg5[%parallel_loop3A_422] : memref<80000xf32, #tpu.memory_space<vmem>>[vector<16xi32>], vector<16xf32>,
        %parallel_loop3A_424 = arith.maximumf %parallel_loop3A_393, %parallel_loop3A_395 : vector<16xf32>
        %parallel_loop3A_425 = arith.maximumf %parallel_loop3A_397, %parallel_loop3A_399 : vector<16xf32>
        %parallel_loop3A_426 = arith.maximumf %parallel_loop3A_401, %parallel_loop3A_403 : vector<16xf32>
        %parallel_loop3A_427 = arith.maximumf %parallel_loop3A_405, %parallel_loop3A_407 : vector<16xf32>
        %parallel_loop3A_428 = arith.maximumf %parallel_loop3A_409, %parallel_loop3A_411 : vector<16xf32>
        %parallel_loop3A_429 = arith.maximumf %parallel_loop3A_413, %parallel_loop3A_415 : vector<16xf32>
        %parallel_loop3A_430 = arith.maximumf %parallel_loop3A_417, %parallel_loop3A_419 : vector<16xf32>
        %parallel_loop3A_431 = arith.maximumf %parallel_loop3A_421, %parallel_loop3A_423 : vector<16xf32>
        %parallel_loop3A_432 = arith.maximumf %parallel_loop3A_424, %parallel_loop3A_425 : vector<16xf32>
        %parallel_loop3A_433 = arith.maximumf %parallel_loop3A_426, %parallel_loop3A_427 : vector<16xf32>
        %parallel_loop3A_434 = arith.maximumf %parallel_loop3A_428, %parallel_loop3A_429 : vector<16xf32>
        %parallel_loop3A_435 = arith.maximumf %parallel_loop3A_430, %parallel_loop3A_431 : vector<16xf32>
        %parallel_loop3A_436 = arith.maximumf %parallel_loop3A_432, %parallel_loop3A_433 : vector<16xf32>
        %parallel_loop3A_437 = arith.maximumf %parallel_loop3A_434, %parallel_loop3A_435 : vector<16xf32>
        %parallel_loop3A_438 = arith.maximumf %parallel_loop3A_436, %parallel_loop3A_437 : vector<16xf32>
        %parallel_loop3A_439 = arith.constant 4096 : i32
        %parallel_loop3A_440 = arith.addi %mul3A_85, %parallel_loop3A_439 : i32
        %parallel_loop3A_441 = arith.addi %parallel_loop3A_440, %parallel_loop3A_104 : i32
        %parallel_loop3A_442 = arith.index_cast %parallel_loop3A_441 : i32 to index
        %parallel_loop3A_443 = tpu.vector_load %arg7[%parallel_loop3A_442] {strides = array<i32>} : memref<16384xf32, #tpu.memory_space<vmem>>, vector<16xf32>,
        tpu.vector_store %arg7[%parallel_loop3A_442], %parallel_loop3A_438 {strides = array<i32>} : memref<16384xf32, #tpu.memory_space<vmem>>, vector<16xf32>,
        %parallel_loop3A_444 = arith.constant 50000 : i32
        %parallel_loop3A_445 = vector.broadcast %parallel_loop3A_444 : i32 to vector<16xi32>
        %parallel_loop3A_446 = arith.addi %parallel_loop3A_445, %parallel_loop3A_113 : vector<16xi32>
        %parallel_loop3A_447 = tpu.vector_load_idx %arg5[%parallel_loop3A_446] : memref<80000xf32, #tpu.memory_space<vmem>>[vector<16xi32>], vector<16xf32>,
        %parallel_loop3A_448 = arith.addi %parallel_loop3A_445, %parallel_loop3A_117 : vector<16xi32>
        %parallel_loop3A_449 = tpu.vector_load_idx %arg5[%parallel_loop3A_448] : memref<80000xf32, #tpu.memory_space<vmem>>[vector<16xi32>], vector<16xf32>,
        %parallel_loop3A_450 = arith.addi %parallel_loop3A_445, %parallel_loop3A_121 : vector<16xi32>
        %parallel_loop3A_451 = tpu.vector_load_idx %arg5[%parallel_loop3A_450] : memref<80000xf32, #tpu.memory_space<vmem>>[vector<16xi32>], vector<16xf32>,
        %parallel_loop3A_452 = arith.addi %parallel_loop3A_445, %parallel_loop3A_125 : vector<16xi32>
        %parallel_loop3A_453 = tpu.vector_load_idx %arg5[%parallel_loop3A_452] : memref<80000xf32, #tpu.memory_space<vmem>>[vector<16xi32>], vector<16xf32>,
        %parallel_loop3A_454 = arith.addi %parallel_loop3A_445, %parallel_loop3A_129 : vector<16xi32>
        %parallel_loop3A_455 = tpu.vector_load_idx %arg5[%parallel_loop3A_454] : memref<80000xf32, #tpu.memory_space<vmem>>[vector<16xi32>], vector<16xf32>,
        %parallel_loop3A_456 = arith.addi %parallel_loop3A_445, %parallel_loop3A_133 : vector<16xi32>
        %parallel_loop3A_457 = tpu.vector_load_idx %arg5[%parallel_loop3A_456] : memref<80000xf32, #tpu.memory_space<vmem>>[vector<16xi32>], vector<16xf32>,
        %parallel_loop3A_458 = arith.addi %parallel_loop3A_445, %parallel_loop3A_137 : vector<16xi32>
        %parallel_loop3A_459 = tpu.vector_load_idx %arg5[%parallel_loop3A_458] : memref<80000xf32, #tpu.memory_space<vmem>>[vector<16xi32>], vector<16xf32>,
        %parallel_loop3A_460 = arith.addi %parallel_loop3A_445, %parallel_loop3A_141 : vector<16xi32>
        %parallel_loop3A_461 = tpu.vector_load_idx %arg5[%parallel_loop3A_460] : memref<80000xf32, #tpu.memory_space<vmem>>[vector<16xi32>], vector<16xf32>,
        %parallel_loop3A_462 = arith.addi %parallel_loop3A_445, %parallel_loop3A_145 : vector<16xi32>
        %parallel_loop3A_463 = tpu.vector_load_idx %arg5[%parallel_loop3A_462] : memref<80000xf32, #tpu.memory_space<vmem>>[vector<16xi32>], vector<16xf32>,
        %parallel_loop3A_464 = arith.addi %parallel_loop3A_445, %parallel_loop3A_149 : vector<16xi32>
        %parallel_loop3A_465 = tpu.vector_load_idx %arg5[%parallel_loop3A_464] : memref<80000xf32, #tpu.memory_space<vmem>>[vector<16xi32>], vector<16xf32>,
        %parallel_loop3A_466 = arith.addi %parallel_loop3A_445, %parallel_loop3A_153 : vector<16xi32>
        %parallel_loop3A_467 = tpu.vector_load_idx %arg5[%parallel_loop3A_466] : memref<80000xf32, #tpu.memory_space<vmem>>[vector<16xi32>], vector<16xf32>,
        %parallel_loop3A_468 = arith.addi %parallel_loop3A_445, %parallel_loop3A_157 : vector<16xi32>
        %parallel_loop3A_469 = tpu.vector_load_idx %arg5[%parallel_loop3A_468] : memref<80000xf32, #tpu.memory_space<vmem>>[vector<16xi32>], vector<16xf32>,
        %parallel_loop3A_470 = arith.addi %parallel_loop3A_445, %parallel_loop3A_161 : vector<16xi32>
        %parallel_loop3A_471 = tpu.vector_load_idx %arg5[%parallel_loop3A_470] : memref<80000xf32, #tpu.memory_space<vmem>>[vector<16xi32>], vector<16xf32>,
        %parallel_loop3A_472 = arith.addi %parallel_loop3A_445, %parallel_loop3A_165 : vector<16xi32>
        %parallel_loop3A_473 = tpu.vector_load_idx %arg5[%parallel_loop3A_472] : memref<80000xf32, #tpu.memory_space<vmem>>[vector<16xi32>], vector<16xf32>,
        %parallel_loop3A_474 = arith.addi %parallel_loop3A_445, %parallel_loop3A_169 : vector<16xi32>
        %parallel_loop3A_475 = tpu.vector_load_idx %arg5[%parallel_loop3A_474] : memref<80000xf32, #tpu.memory_space<vmem>>[vector<16xi32>], vector<16xf32>,
        %parallel_loop3A_476 = arith.addi %parallel_loop3A_445, %parallel_loop3A_173 : vector<16xi32>
        %parallel_loop3A_477 = tpu.vector_load_idx %arg5[%parallel_loop3A_476] : memref<80000xf32, #tpu.memory_space<vmem>>[vector<16xi32>], vector<16xf32>,
        %parallel_loop3A_478 = arith.maximumf %parallel_loop3A_447, %parallel_loop3A_449 : vector<16xf32>
        %parallel_loop3A_479 = arith.maximumf %parallel_loop3A_451, %parallel_loop3A_453 : vector<16xf32>
        %parallel_loop3A_480 = arith.maximumf %parallel_loop3A_455, %parallel_loop3A_457 : vector<16xf32>
        %parallel_loop3A_481 = arith.maximumf %parallel_loop3A_459, %parallel_loop3A_461 : vector<16xf32>
        %parallel_loop3A_482 = arith.maximumf %parallel_loop3A_463, %parallel_loop3A_465 : vector<16xf32>
        %parallel_loop3A_483 = arith.maximumf %parallel_loop3A_467, %parallel_loop3A_469 : vector<16xf32>
        %parallel_loop3A_484 = arith.maximumf %parallel_loop3A_471, %parallel_loop3A_473 : vector<16xf32>
        %parallel_loop3A_485 = arith.maximumf %parallel_loop3A_475, %parallel_loop3A_477 : vector<16xf32>
        %parallel_loop3A_486 = arith.maximumf %parallel_loop3A_478, %parallel_loop3A_479 : vector<16xf32>
        %parallel_loop3A_487 = arith.maximumf %parallel_loop3A_480, %parallel_loop3A_481 : vector<16xf32>
        %parallel_loop3A_488 = arith.maximumf %parallel_loop3A_482, %parallel_loop3A_483 : vector<16xf32>
        %parallel_loop3A_489 = arith.maximumf %parallel_loop3A_484, %parallel_loop3A_485 : vector<16xf32>
        %parallel_loop3A_490 = arith.maximumf %parallel_loop3A_486, %parallel_loop3A_487 : vector<16xf32>
        %parallel_loop3A_491 = arith.maximumf %parallel_loop3A_488, %parallel_loop3A_489 : vector<16xf32>
        %parallel_loop3A_492 = arith.maximumf %parallel_loop3A_490, %parallel_loop3A_491 : vector<16xf32>
        %parallel_loop3A_493 = arith.constant 5120 : i32
        %parallel_loop3A_494 = arith.addi %mul3A_85, %parallel_loop3A_493 : i32
        %parallel_loop3A_495 = arith.addi %parallel_loop3A_494, %parallel_loop3A_104 : i32
        %parallel_loop3A_496 = arith.index_cast %parallel_loop3A_495 : i32 to index
        %parallel_loop3A_497 = tpu.vector_load %arg7[%parallel_loop3A_496] {strides = array<i32>} : memref<16384xf32, #tpu.memory_space<vmem>>, vector<16xf32>,
        tpu.vector_store %arg7[%parallel_loop3A_496], %parallel_loop3A_492 {strides = array<i32>} : memref<16384xf32, #tpu.memory_space<vmem>>, vector<16xf32>,
        %parallel_loop3A_498 = arith.constant 60000 : i32
        %parallel_loop3A_499 = vector.broadcast %parallel_loop3A_498 : i32 to vector<16xi32>
        %parallel_loop3A_500 = arith.addi %parallel_loop3A_499, %parallel_loop3A_113 : vector<16xi32>
        %parallel_loop3A_501 = tpu.vector_load_idx %arg5[%parallel_loop3A_500] : memref<80000xf32, #tpu.memory_space<vmem>>[vector<16xi32>], vector<16xf32>,
        %parallel_loop3A_502 = arith.addi %parallel_loop3A_499, %parallel_loop3A_117 : vector<16xi32>
        %parallel_loop3A_503 = tpu.vector_load_idx %arg5[%parallel_loop3A_502] : memref<80000xf32, #tpu.memory_space<vmem>>[vector<16xi32>], vector<16xf32>,
        %parallel_loop3A_504 = arith.addi %parallel_loop3A_499, %parallel_loop3A_121 : vector<16xi32>
        %parallel_loop3A_505 = tpu.vector_load_idx %arg5[%parallel_loop3A_504] : memref<80000xf32, #tpu.memory_space<vmem>>[vector<16xi32>], vector<16xf32>,
        %parallel_loop3A_506 = arith.addi %parallel_loop3A_499, %parallel_loop3A_125 : vector<16xi32>
        %parallel_loop3A_507 = tpu.vector_load_idx %arg5[%parallel_loop3A_506] : memref<80000xf32, #tpu.memory_space<vmem>>[vector<16xi32>], vector<16xf32>,
        %parallel_loop3A_508 = arith.addi %parallel_loop3A_499, %parallel_loop3A_129 : vector<16xi32>
        %parallel_loop3A_509 = tpu.vector_load_idx %arg5[%parallel_loop3A_508] : memref<80000xf32, #tpu.memory_space<vmem>>[vector<16xi32>], vector<16xf32>,
        %parallel_loop3A_510 = arith.addi %parallel_loop3A_499, %parallel_loop3A_133 : vector<16xi32>
        %parallel_loop3A_511 = tpu.vector_load_idx %arg5[%parallel_loop3A_510] : memref<80000xf32, #tpu.memory_space<vmem>>[vector<16xi32>], vector<16xf32>,
        %parallel_loop3A_512 = arith.addi %parallel_loop3A_499, %parallel_loop3A_137 : vector<16xi32>
        %parallel_loop3A_513 = tpu.vector_load_idx %arg5[%parallel_loop3A_512] : memref<80000xf32, #tpu.memory_space<vmem>>[vector<16xi32>], vector<16xf32>,
        %parallel_loop3A_514 = arith.addi %parallel_loop3A_499, %parallel_loop3A_141 : vector<16xi32>
        %parallel_loop3A_515 = tpu.vector_load_idx %arg5[%parallel_loop3A_514] : memref<80000xf32, #tpu.memory_space<vmem>>[vector<16xi32>], vector<16xf32>,
        %parallel_loop3A_516 = arith.addi %parallel_loop3A_499, %parallel_loop3A_145 : vector<16xi32>
        %parallel_loop3A_517 = tpu.vector_load_idx %arg5[%parallel_loop3A_516] : memref<80000xf32, #tpu.memory_space<vmem>>[vector<16xi32>], vector<16xf32>,
        %parallel_loop3A_518 = arith.addi %parallel_loop3A_499, %parallel_loop3A_149 : vector<16xi32>
        %parallel_loop3A_519 = tpu.vector_load_idx %arg5[%parallel_loop3A_518] : memref<80000xf32, #tpu.memory_space<vmem>>[vector<16xi32>], vector<16xf32>,
        %parallel_loop3A_520 = arith.addi %parallel_loop3A_499, %parallel_loop3A_153 : vector<16xi32>
        %parallel_loop3A_521 = tpu.vector_load_idx %arg5[%parallel_loop3A_520] : memref<80000xf32, #tpu.memory_space<vmem>>[vector<16xi32>], vector<16xf32>,
        %parallel_loop3A_522 = arith.addi %parallel_loop3A_499, %parallel_loop3A_157 : vector<16xi32>
        %parallel_loop3A_523 = tpu.vector_load_idx %arg5[%parallel_loop3A_522] : memref<80000xf32, #tpu.memory_space<vmem>>[vector<16xi32>], vector<16xf32>,
        %parallel_loop3A_524 = arith.addi %parallel_loop3A_499, %parallel_loop3A_161 : vector<16xi32>
        %parallel_loop3A_525 = tpu.vector_load_idx %arg5[%parallel_loop3A_524] : memref<80000xf32, #tpu.memory_space<vmem>>[vector<16xi32>], vector<16xf32>,
        %parallel_loop3A_526 = arith.addi %parallel_loop3A_499, %parallel_loop3A_165 : vector<16xi32>
        %parallel_loop3A_527 = tpu.vector_load_idx %arg5[%parallel_loop3A_526] : memref<80000xf32, #tpu.memory_space<vmem>>[vector<16xi32>], vector<16xf32>,
        %parallel_loop3A_528 = arith.addi %parallel_loop3A_499, %parallel_loop3A_169 : vector<16xi32>
        %parallel_loop3A_529 = tpu.vector_load_idx %arg5[%parallel_loop3A_528] : memref<80000xf32, #tpu.memory_space<vmem>>[vector<16xi32>], vector<16xf32>,
        %parallel_loop3A_530 = arith.addi %parallel_loop3A_499, %parallel_loop3A_173 : vector<16xi32>
        %parallel_loop3A_531 = tpu.vector_load_idx %arg5[%parallel_loop3A_530] : memref<80000xf32, #tpu.memory_space<vmem>>[vector<16xi32>], vector<16xf32>,
        %parallel_loop3A_532 = arith.maximumf %parallel_loop3A_501, %parallel_loop3A_503 : vector<16xf32>
        %parallel_loop3A_533 = arith.maximumf %parallel_loop3A_505, %parallel_loop3A_507 : vector<16xf32>
        %parallel_loop3A_534 = arith.maximumf %parallel_loop3A_509, %parallel_loop3A_511 : vector<16xf32>
        %parallel_loop3A_535 = arith.maximumf %parallel_loop3A_513, %parallel_loop3A_515 : vector<16xf32>
        %parallel_loop3A_536 = arith.maximumf %parallel_loop3A_517, %parallel_loop3A_519 : vector<16xf32>
        %parallel_loop3A_537 = arith.maximumf %parallel_loop3A_521, %parallel_loop3A_523 : vector<16xf32>
        %parallel_loop3A_538 = arith.maximumf %parallel_loop3A_525, %parallel_loop3A_527 : vector<16xf32>
        %parallel_loop3A_539 = arith.maximumf %parallel_loop3A_529, %parallel_loop3A_531 : vector<16xf32>
        %parallel_loop3A_540 = arith.maximumf %parallel_loop3A_532, %parallel_loop3A_533 : vector<16xf32>
        %parallel_loop3A_541 = arith.maximumf %parallel_loop3A_534, %parallel_loop3A_535 : vector<16xf32>
        %parallel_loop3A_542 = arith.maximumf %parallel_loop3A_536, %parallel_loop3A_537 : vector<16xf32>
        %parallel_loop3A_543 = arith.maximumf %parallel_loop3A_538, %parallel_loop3A_539 : vector<16xf32>
        %parallel_loop3A_544 = arith.maximumf %parallel_loop3A_540, %parallel_loop3A_541 : vector<16xf32>
        %parallel_loop3A_545 = arith.maximumf %parallel_loop3A_542, %parallel_loop3A_543 : vector<16xf32>
        %parallel_loop3A_546 = arith.maximumf %parallel_loop3A_544, %parallel_loop3A_545 : vector<16xf32>
        %parallel_loop3A_547 = arith.constant 6144 : i32
        %parallel_loop3A_548 = arith.addi %mul3A_85, %parallel_loop3A_547 : i32
        %parallel_loop3A_549 = arith.addi %parallel_loop3A_548, %parallel_loop3A_104 : i32
        %parallel_loop3A_550 = arith.index_cast %parallel_loop3A_549 : i32 to index
        %parallel_loop3A_551 = tpu.vector_load %arg7[%parallel_loop3A_550] {strides = array<i32>} : memref<16384xf32, #tpu.memory_space<vmem>>, vector<16xf32>,
        tpu.vector_store %arg7[%parallel_loop3A_550], %parallel_loop3A_546 {strides = array<i32>} : memref<16384xf32, #tpu.memory_space<vmem>>, vector<16xf32>,
        %parallel_loop3A_552 = arith.constant 70000 : i32
        %parallel_loop3A_553 = vector.broadcast %parallel_loop3A_552 : i32 to vector<16xi32>
        %parallel_loop3A_554 = arith.addi %parallel_loop3A_553, %parallel_loop3A_113 : vector<16xi32>
        %parallel_loop3A_555 = tpu.vector_load_idx %arg5[%parallel_loop3A_554] : memref<80000xf32, #tpu.memory_space<vmem>>[vector<16xi32>], vector<16xf32>,
        %parallel_loop3A_556 = arith.addi %parallel_loop3A_553, %parallel_loop3A_117 : vector<16xi32>
        %parallel_loop3A_557 = tpu.vector_load_idx %arg5[%parallel_loop3A_556] : memref<80000xf32, #tpu.memory_space<vmem>>[vector<16xi32>], vector<16xf32>,
        %parallel_loop3A_558 = arith.addi %parallel_loop3A_553, %parallel_loop3A_121 : vector<16xi32>
        %parallel_loop3A_559 = tpu.vector_load_idx %arg5[%parallel_loop3A_558] : memref<80000xf32, #tpu.memory_space<vmem>>[vector<16xi32>], vector<16xf32>,
        %parallel_loop3A_560 = arith.addi %parallel_loop3A_553, %parallel_loop3A_125 : vector<16xi32>
        %parallel_loop3A_561 = tpu.vector_load_idx %arg5[%parallel_loop3A_560] : memref<80000xf32, #tpu.memory_space<vmem>>[vector<16xi32>], vector<16xf32>,
        %parallel_loop3A_562 = arith.addi %parallel_loop3A_553, %parallel_loop3A_129 : vector<16xi32>
        %parallel_loop3A_563 = tpu.vector_load_idx %arg5[%parallel_loop3A_562] : memref<80000xf32, #tpu.memory_space<vmem>>[vector<16xi32>], vector<16xf32>,
        %parallel_loop3A_564 = arith.addi %parallel_loop3A_553, %parallel_loop3A_133 : vector<16xi32>
        %parallel_loop3A_565 = tpu.vector_load_idx %arg5[%parallel_loop3A_564] : memref<80000xf32, #tpu.memory_space<vmem>>[vector<16xi32>], vector<16xf32>,
        %parallel_loop3A_566 = arith.addi %parallel_loop3A_553, %parallel_loop3A_137 : vector<16xi32>
        %parallel_loop3A_567 = tpu.vector_load_idx %arg5[%parallel_loop3A_566] : memref<80000xf32, #tpu.memory_space<vmem>>[vector<16xi32>], vector<16xf32>,
        %parallel_loop3A_568 = arith.addi %parallel_loop3A_553, %parallel_loop3A_141 : vector<16xi32>
        %parallel_loop3A_569 = tpu.vector_load_idx %arg5[%parallel_loop3A_568] : memref<80000xf32, #tpu.memory_space<vmem>>[vector<16xi32>], vector<16xf32>,
        %parallel_loop3A_570 = arith.addi %parallel_loop3A_553, %parallel_loop3A_145 : vector<16xi32>
        %parallel_loop3A_571 = tpu.vector_load_idx %arg5[%parallel_loop3A_570] : memref<80000xf32, #tpu.memory_space<vmem>>[vector<16xi32>], vector<16xf32>,
        %parallel_loop3A_572 = arith.addi %parallel_loop3A_553, %parallel_loop3A_149 : vector<16xi32>
        %parallel_loop3A_573 = tpu.vector_load_idx %arg5[%parallel_loop3A_572] : memref<80000xf32, #tpu.memory_space<vmem>>[vector<16xi32>], vector<16xf32>,
        %parallel_loop3A_574 = arith.addi %parallel_loop3A_553, %parallel_loop3A_153 : vector<16xi32>
        %parallel_loop3A_575 = tpu.vector_load_idx %arg5[%parallel_loop3A_574] : memref<80000xf32, #tpu.memory_space<vmem>>[vector<16xi32>], vector<16xf32>,
        %parallel_loop3A_576 = arith.addi %parallel_loop3A_553, %parallel_loop3A_157 : vector<16xi32>
        %parallel_loop3A_577 = tpu.vector_load_idx %arg5[%parallel_loop3A_576] : memref<80000xf32, #tpu.memory_space<vmem>>[vector<16xi32>], vector<16xf32>,
        %parallel_loop3A_578 = arith.addi %parallel_loop3A_553, %parallel_loop3A_161 : vector<16xi32>
        %parallel_loop3A_579 = tpu.vector_load_idx %arg5[%parallel_loop3A_578] : memref<80000xf32, #tpu.memory_space<vmem>>[vector<16xi32>], vector<16xf32>,
        %parallel_loop3A_580 = arith.addi %parallel_loop3A_553, %parallel_loop3A_165 : vector<16xi32>
        %parallel_loop3A_581 = tpu.vector_load_idx %arg5[%parallel_loop3A_580] : memref<80000xf32, #tpu.memory_space<vmem>>[vector<16xi32>], vector<16xf32>,
        %parallel_loop3A_582 = arith.addi %parallel_loop3A_553, %parallel_loop3A_169 : vector<16xi32>
        %parallel_loop3A_583 = tpu.vector_load_idx %arg5[%parallel_loop3A_582] : memref<80000xf32, #tpu.memory_space<vmem>>[vector<16xi32>], vector<16xf32>,
        %parallel_loop3A_584 = arith.addi %parallel_loop3A_553, %parallel_loop3A_173 : vector<16xi32>
        %parallel_loop3A_585 = tpu.vector_load_idx %arg5[%parallel_loop3A_584] : memref<80000xf32, #tpu.memory_space<vmem>>[vector<16xi32>], vector<16xf32>,
        %parallel_loop3A_586 = arith.maximumf %parallel_loop3A_555, %parallel_loop3A_557 : vector<16xf32>
        %parallel_loop3A_587 = arith.maximumf %parallel_loop3A_559, %parallel_loop3A_561 : vector<16xf32>
        %parallel_loop3A_588 = arith.maximumf %parallel_loop3A_563, %parallel_loop3A_565 : vector<16xf32>
        %parallel_loop3A_589 = arith.maximumf %parallel_loop3A_567, %parallel_loop3A_569 : vector<16xf32>
        %parallel_loop3A_590 = arith.maximumf %parallel_loop3A_571, %parallel_loop3A_573 : vector<16xf32>
        %parallel_loop3A_591 = arith.maximumf %parallel_loop3A_575, %parallel_loop3A_577 : vector<16xf32>
        %parallel_loop3A_592 = arith.maximumf %parallel_loop3A_579, %parallel_loop3A_581 : vector<16xf32>
        %parallel_loop3A_593 = arith.maximumf %parallel_loop3A_583, %parallel_loop3A_585 : vector<16xf32>
        %parallel_loop3A_594 = arith.maximumf %parallel_loop3A_586, %parallel_loop3A_587 : vector<16xf32>
        %parallel_loop3A_595 = arith.maximumf %parallel_loop3A_588, %parallel_loop3A_589 : vector<16xf32>
        %parallel_loop3A_596 = arith.maximumf %parallel_loop3A_590, %parallel_loop3A_591 : vector<16xf32>
        %parallel_loop3A_597 = arith.maximumf %parallel_loop3A_592, %parallel_loop3A_593 : vector<16xf32>
        %parallel_loop3A_598 = arith.maximumf %parallel_loop3A_594, %parallel_loop3A_595 : vector<16xf32>
        %parallel_loop3A_599 = arith.maximumf %parallel_loop3A_596, %parallel_loop3A_597 : vector<16xf32>
        %parallel_loop3A_600 = arith.maximumf %parallel_loop3A_598, %parallel_loop3A_599 : vector<16xf32>
        %parallel_loop3A_601 = arith.constant 7168 : i32
        %parallel_loop3A_602 = arith.addi %mul3A_85, %parallel_loop3A_601 : i32
        %parallel_loop3A_603 = arith.addi %parallel_loop3A_602, %parallel_loop3A_104 : i32
        %parallel_loop3A_604 = arith.index_cast %parallel_loop3A_603 : i32 to index
        %parallel_loop3A_605 = tpu.vector_load %arg7[%parallel_loop3A_604] {strides = array<i32>} : memref<16384xf32, #tpu.memory_space<vmem>>, vector<16xf32>,
        tpu.vector_store %arg7[%parallel_loop3A_604], %parallel_loop3A_600 {strides = array<i32>} : memref<16384xf32, #tpu.memory_space<vmem>>, vector<16xf32>,
      } {sc.loop_unroll_factor = 1 : i64, sc.parallel_access}
      %mul3A_89 = arith.constant 8192 : i32
      %mul3A_90 = arith.muli %select_n3A_58, %mul3A_89 : i32
      %mul3A_91 = arith.constant 256 : i32
      %mul3A_92 = arith.muli %scan3A_49, %mul3A_91 : i32
      %mul3A_93 = arith.constant 1024 : i32
      %mul3A_94 = arith.muli %mul3A_92, %mul3A_93 : i32
      %mul3A_95 = arith.constant 1024 : i32
      %mul3A_96 = arith.muli %mul3A_2, %mul3A_95 : i32
      %add3A_97 = arith.addi %mul3A_94, %mul3A_96 : i32
      %dma_start3A_98 = tpu.memref_slice %arg7[%mul3A_90] : memref<16384xf32, #tpu.memory_space<vmem>> -> memref<8192xf32, #tpu.memory_space<vmem>>
      %dma_start3A_99 = tpu.memref_slice %arg4[%add3A_97] : memref<2621440xf32, #tpu.memory_space<hbm>> -> memref<8192xf32, #tpu.memory_space<hbm>>
      %dma_start3A_100 = tpu.memref_slice %arg4[%add3A_97] : memref<2621440xf32, #tpu.memory_space<hbm>> -> memref<8192xf32, #tpu.memory_space<hbm>>
      %dma_start3A_101 = tpu.memref_slice %arg7[%mul3A_90] : memref<16384xf32, #tpu.memory_space<vmem>> -> memref<8192xf32, #tpu.memory_space<vmem>>
      tpu.enqueue_dma source(%dma_start3A_101 : memref<8192xf32, #tpu.memory_space<vmem>>) target(%dma_start3A_100 : memref<8192xf32, #tpu.memory_space<hbm>>) target_semaphore(%arg9 : memref<!tpu.dma_semaphore, #tpu.memory_space<semaphore_mem>>)
    }
    %scan3A_19 = arith.constant 9 : i32
    %dma_wait3A = arith.constant 16384 : i32
    %dma_wait3A_20 = tpu.memref_slice %arg6[%dma_wait3A] : memref<32768xi32, #tpu.memory_space<vmem>> -> memref<12544xi32, #tpu.memory_space<vmem>>
    %dma_wait3A_21 = arith.constant 0 : i32
    %dma_wait3A_22 = tpu.memref_slice %arg3[%dma_wait3A_21] : memref<160000xi32, #tpu.memory_space<hbm>> -> memref<12544xi32, #tpu.memory_space<hbm>>
    %dma_wait3A_23 = arith.constant 16384 : i32
    %dma_wait3A_24 = tpu.memref_slice %arg6[%dma_wait3A_23] : memref<32768xi32, #tpu.memory_space<vmem>> -> memref<12544xi32, #tpu.memory_space<vmem>>
    %dma_wait3A_25 = arith.constant 0 : i32
    %dma_wait3A_26 = tpu.memref_slice %arg3[%dma_wait3A_25] : memref<160000xi32, #tpu.memory_space<hbm>> -> memref<12544xi32, #tpu.memory_space<hbm>>
    tpu.wait_dma2 semaphore(%arg8 : memref<!tpu.dma_semaphore, #tpu.memory_space<semaphore_mem>>) src(%dma_wait3A_26 : memref<12544xi32, #tpu.memory_space<hbm>>) dst(%dma_wait3A_24 : memref<12544xi32, #tpu.memory_space<vmem>>)
    %dma_wait3A_27 = arith.constant 0 : i32
    %dma_wait3A_28 = tpu.memref_slice %arg7[%dma_wait3A_27] : memref<16384xf32, #tpu.memory_space<vmem>> -> memref<8192xf32, #tpu.memory_space<vmem>>
    %dma_wait3A_29 = arith.constant 0 : i32
    %dma_wait3A_30 = tpu.memref_slice %arg4[%dma_wait3A_29] : memref<2621440xf32, #tpu.memory_space<hbm>> -> memref<8192xf32, #tpu.memory_space<hbm>>
    %dma_wait3A_31 = arith.constant 0 : i32
    %dma_wait3A_32 = tpu.memref_slice %arg4[%dma_wait3A_31] : memref<2621440xf32, #tpu.memory_space<hbm>> -> memref<8192xf32, #tpu.memory_space<hbm>>
    %dma_wait3A_33 = arith.constant 0 : i32
    %dma_wait3A_34 = tpu.memref_slice %arg7[%dma_wait3A_33] : memref<16384xf32, #tpu.memory_space<vmem>> -> memref<8192xf32, #tpu.memory_space<vmem>>
    tpu.wait_dma2 semaphore(%arg9 : memref<!tpu.dma_semaphore, #tpu.memory_space<semaphore_mem>>) src(%dma_wait3A_34 : memref<8192xf32, #tpu.memory_space<vmem>>) dst(%dma_wait3A_32 : memref<8192xf32, #tpu.memory_space<hbm>>)
    %dma_wait3A_35 = arith.constant 0 : i32
    %dma_wait3A_36 = tpu.memref_slice %arg7[%dma_wait3A_35] : memref<16384xf32, #tpu.memory_space<vmem>> -> memref<8192xf32, #tpu.memory_space<vmem>>
    %dma_wait3A_37 = arith.constant 0 : i32
    %dma_wait3A_38 = tpu.memref_slice %arg4[%dma_wait3A_37] : memref<2621440xf32, #tpu.memory_space<hbm>> -> memref<8192xf32, #tpu.memory_space<hbm>>
    %dma_wait3A_39 = arith.constant 0 : i32
    %dma_wait3A_40 = tpu.memref_slice %arg4[%dma_wait3A_39] : memref<2621440xf32, #tpu.memory_space<hbm>> -> memref<8192xf32, #tpu.memory_space<hbm>>
    %dma_wait3A_41 = arith.constant 0 : i32
    %dma_wait3A_42 = tpu.memref_slice %arg7[%dma_wait3A_41] : memref<16384xf32, #tpu.memory_space<vmem>> -> memref<8192xf32, #tpu.memory_space<vmem>>
    tpu.wait_dma2 semaphore(%arg9 : memref<!tpu.dma_semaphore, #tpu.memory_space<semaphore_mem>>) src(%dma_wait3A_42 : memref<8192xf32, #tpu.memory_space<vmem>>) dst(%dma_wait3A_40 : memref<8192xf32, #tpu.memory_space<hbm>>)
    %parallel_loop3A = arith.constant 0 : i32
    %parallel_loop3A_43 = arith.constant 49 : i32
    %parallel_loop3A_44 = arith.constant 1 : i32
    scf.for %parallel_loop3A_49 = %parallel_loop3A to %parallel_loop3A_43 step %parallel_loop3A_44  : i32 {
      %parallel_loop3A_50 = arith.constant 16 : i32
      %parallel_loop3A_51 = arith.muli %parallel_loop3A_49, %parallel_loop3A_50 : i32
      %parallel_loop3A_52 = arith.constant 16 : i32
      %parallel_loop3A_53 = arith.muli %parallel_loop3A_51, %parallel_loop3A_52 : i32
      %parallel_loop3A_54 = arith.constant 16384 : i32
      %parallel_loop3A_55 = arith.addi %parallel_loop3A_54, %parallel_loop3A_53 : i32
      %parallel_loop3A_56 = vector.broadcast %parallel_loop3A_55 : i32 to vector<16xi32>
      %parallel_loop3A_57 = arith.addi %mul3A_7, %parallel_loop3A_56 : vector<16xi32>
      %parallel_loop3A_58 = arith.constant 0 : i32
      %parallel_loop3A_59 = vector.broadcast %parallel_loop3A_58 : i32 to vector<16xi32>
      %parallel_loop3A_60 = arith.addi %parallel_loop3A_57, %parallel_loop3A_59 : vector<16xi32>
      %parallel_loop3A_61 = tpu.vector_load_idx %arg6[%parallel_loop3A_60] : memref<32768xi32, #tpu.memory_space<vmem>>[vector<16xi32>], vector<16xi32>,
      %parallel_loop3A_62 = arith.constant 1 : i32
      %parallel_loop3A_63 = vector.broadcast %parallel_loop3A_62 : i32 to vector<16xi32>
      %parallel_loop3A_64 = arith.addi %parallel_loop3A_57, %parallel_loop3A_63 : vector<16xi32>
      %parallel_loop3A_65 = tpu.vector_load_idx %arg6[%parallel_loop3A_64] : memref<32768xi32, #tpu.memory_space<vmem>>[vector<16xi32>], vector<16xi32>,
      %parallel_loop3A_66 = arith.constant 2 : i32
      %parallel_loop3A_67 = vector.broadcast %parallel_loop3A_66 : i32 to vector<16xi32>
      %parallel_loop3A_68 = arith.addi %parallel_loop3A_57, %parallel_loop3A_67 : vector<16xi32>
      %parallel_loop3A_69 = tpu.vector_load_idx %arg6[%parallel_loop3A_68] : memref<32768xi32, #tpu.memory_space<vmem>>[vector<16xi32>], vector<16xi32>,
      %parallel_loop3A_70 = arith.constant 3 : i32
      %parallel_loop3A_71 = vector.broadcast %parallel_loop3A_70 : i32 to vector<16xi32>
      %parallel_loop3A_72 = arith.addi %parallel_loop3A_57, %parallel_loop3A_71 : vector<16xi32>
      %parallel_loop3A_73 = tpu.vector_load_idx %arg6[%parallel_loop3A_72] : memref<32768xi32, #tpu.memory_space<vmem>>[vector<16xi32>], vector<16xi32>,
      %parallel_loop3A_74 = arith.constant 4 : i32
      %parallel_loop3A_75 = vector.broadcast %parallel_loop3A_74 : i32 to vector<16xi32>
      %parallel_loop3A_76 = arith.addi %parallel_loop3A_57, %parallel_loop3A_75 : vector<16xi32>
      %parallel_loop3A_77 = tpu.vector_load_idx %arg6[%parallel_loop3A_76] : memref<32768xi32, #tpu.memory_space<vmem>>[vector<16xi32>], vector<16xi32>,
      %parallel_loop3A_78 = arith.constant 5 : i32
      %parallel_loop3A_79 = vector.broadcast %parallel_loop3A_78 : i32 to vector<16xi32>
      %parallel_loop3A_80 = arith.addi %parallel_loop3A_57, %parallel_loop3A_79 : vector<16xi32>
      %parallel_loop3A_81 = tpu.vector_load_idx %arg6[%parallel_loop3A_80] : memref<32768xi32, #tpu.memory_space<vmem>>[vector<16xi32>], vector<16xi32>,
      %parallel_loop3A_82 = arith.constant 6 : i32
      %parallel_loop3A_83 = vector.broadcast %parallel_loop3A_82 : i32 to vector<16xi32>
      %parallel_loop3A_84 = arith.addi %parallel_loop3A_57, %parallel_loop3A_83 : vector<16xi32>
      %parallel_loop3A_85 = tpu.vector_load_idx %arg6[%parallel_loop3A_84] : memref<32768xi32, #tpu.memory_space<vmem>>[vector<16xi32>], vector<16xi32>,
      %parallel_loop3A_86 = arith.constant 7 : i32
      %parallel_loop3A_87 = vector.broadcast %parallel_loop3A_86 : i32 to vector<16xi32>
      %parallel_loop3A_88 = arith.addi %parallel_loop3A_57, %parallel_loop3A_87 : vector<16xi32>
      %parallel_loop3A_89 = tpu.vector_load_idx %arg6[%parallel_loop3A_88] : memref<32768xi32, #tpu.memory_space<vmem>>[vector<16xi32>], vector<16xi32>,
      %parallel_loop3A_90 = arith.constant 8 : i32
      %parallel_loop3A_91 = vector.broadcast %parallel_loop3A_90 : i32 to vector<16xi32>
      %parallel_loop3A_92 = arith.addi %parallel_loop3A_57, %parallel_loop3A_91 : vector<16xi32>
      %parallel_loop3A_93 = tpu.vector_load_idx %arg6[%parallel_loop3A_92] : memref<32768xi32, #tpu.memory_space<vmem>>[vector<16xi32>], vector<16xi32>,
      %parallel_loop3A_94 = arith.constant 9 : i32
      %parallel_loop3A_95 = vector.broadcast %parallel_loop3A_94 : i32 to vector<16xi32>
      %parallel_loop3A_96 = arith.addi %parallel_loop3A_57, %parallel_loop3A_95 : vector<16xi32>
      %parallel_loop3A_97 = tpu.vector_load_idx %arg6[%parallel_loop3A_96] : memref<32768xi32, #tpu.memory_space<vmem>>[vector<16xi32>], vector<16xi32>,
      %parallel_loop3A_98 = arith.constant 10 : i32
      %parallel_loop3A_99 = vector.broadcast %parallel_loop3A_98 : i32 to vector<16xi32>
      %parallel_loop3A_100 = arith.addi %parallel_loop3A_57, %parallel_loop3A_99 : vector<16xi32>
      %parallel_loop3A_101 = tpu.vector_load_idx %arg6[%parallel_loop3A_100] : memref<32768xi32, #tpu.memory_space<vmem>>[vector<16xi32>], vector<16xi32>,
      %parallel_loop3A_102 = arith.constant 11 : i32
      %parallel_loop3A_103 = vector.broadcast %parallel_loop3A_102 : i32 to vector<16xi32>
      %parallel_loop3A_104 = arith.addi %parallel_loop3A_57, %parallel_loop3A_103 : vector<16xi32>
      %parallel_loop3A_105 = tpu.vector_load_idx %arg6[%parallel_loop3A_104] : memref<32768xi32, #tpu.memory_space<vmem>>[vector<16xi32>], vector<16xi32>,
      %parallel_loop3A_106 = arith.constant 12 : i32
      %parallel_loop3A_107 = vector.broadcast %parallel_loop3A_106 : i32 to vector<16xi32>
      %parallel_loop3A_108 = arith.addi %parallel_loop3A_57, %parallel_loop3A_107 : vector<16xi32>
      %parallel_loop3A_109 = tpu.vector_load_idx %arg6[%parallel_loop3A_108] : memref<32768xi32, #tpu.memory_space<vmem>>[vector<16xi32>], vector<16xi32>,
      %parallel_loop3A_110 = arith.constant 13 : i32
      %parallel_loop3A_111 = vector.broadcast %parallel_loop3A_110 : i32 to vector<16xi32>
      %parallel_loop3A_112 = arith.addi %parallel_loop3A_57, %parallel_loop3A_111 : vector<16xi32>
      %parallel_loop3A_113 = tpu.vector_load_idx %arg6[%parallel_loop3A_112] : memref<32768xi32, #tpu.memory_space<vmem>>[vector<16xi32>], vector<16xi32>,
      %parallel_loop3A_114 = arith.constant 14 : i32
      %parallel_loop3A_115 = vector.broadcast %parallel_loop3A_114 : i32 to vector<16xi32>
      %parallel_loop3A_116 = arith.addi %parallel_loop3A_57, %parallel_loop3A_115 : vector<16xi32>
      %parallel_loop3A_117 = tpu.vector_load_idx %arg6[%parallel_loop3A_116] : memref<32768xi32, #tpu.memory_space<vmem>>[vector<16xi32>], vector<16xi32>,
      %parallel_loop3A_118 = arith.constant 15 : i32
      %parallel_loop3A_119 = vector.broadcast %parallel_loop3A_118 : i32 to vector<16xi32>
      %parallel_loop3A_120 = arith.addi %parallel_loop3A_57, %parallel_loop3A_119 : vector<16xi32>
      %parallel_loop3A_121 = tpu.vector_load_idx %arg6[%parallel_loop3A_120] : memref<32768xi32, #tpu.memory_space<vmem>>[vector<16xi32>], vector<16xi32>,
      %parallel_loop3A_122 = arith.constant 0 : i32
      %parallel_loop3A_123 = vector.broadcast %parallel_loop3A_122 : i32 to vector<16xi32>
      %parallel_loop3A_124 = arith.addi %parallel_loop3A_123, %parallel_loop3A_61 : vector<16xi32>
      %parallel_loop3A_125 = tpu.vector_load_idx %arg5[%parallel_loop3A_124] : memref<80000xf32, #tpu.memory_space<vmem>>[vector<16xi32>], vector<16xf32>,
      %parallel_loop3A_126 = arith.addi %parallel_loop3A_123, %parallel_loop3A_65 : vector<16xi32>
      %parallel_loop3A_127 = tpu.vector_load_idx %arg5[%parallel_loop3A_126] : memref<80000xf32, #tpu.memory_space<vmem>>[vector<16xi32>], vector<16xf32>,
      %parallel_loop3A_128 = arith.addi %parallel_loop3A_123, %parallel_loop3A_69 : vector<16xi32>
      %parallel_loop3A_129 = tpu.vector_load_idx %arg5[%parallel_loop3A_128] : memref<80000xf32, #tpu.memory_space<vmem>>[vector<16xi32>], vector<16xf32>,
      %parallel_loop3A_130 = arith.addi %parallel_loop3A_123, %parallel_loop3A_73 : vector<16xi32>
      %parallel_loop3A_131 = tpu.vector_load_idx %arg5[%parallel_loop3A_130] : memref<80000xf32, #tpu.memory_space<vmem>>[vector<16xi32>], vector<16xf32>,
      %parallel_loop3A_132 = arith.addi %parallel_loop3A_123, %parallel_loop3A_77 : vector<16xi32>
      %parallel_loop3A_133 = tpu.vector_load_idx %arg5[%parallel_loop3A_132] : memref<80000xf32, #tpu.memory_space<vmem>>[vector<16xi32>], vector<16xf32>,
      %parallel_loop3A_134 = arith.addi %parallel_loop3A_123, %parallel_loop3A_81 : vector<16xi32>
      %parallel_loop3A_135 = tpu.vector_load_idx %arg5[%parallel_loop3A_134] : memref<80000xf32, #tpu.memory_space<vmem>>[vector<16xi32>], vector<16xf32>,
      %parallel_loop3A_136 = arith.addi %parallel_loop3A_123, %parallel_loop3A_85 : vector<16xi32>
      %parallel_loop3A_137 = tpu.vector_load_idx %arg5[%parallel_loop3A_136] : memref<80000xf32, #tpu.memory_space<vmem>>[vector<16xi32>], vector<16xf32>,
      %parallel_loop3A_138 = arith.addi %parallel_loop3A_123, %parallel_loop3A_89 : vector<16xi32>
      %parallel_loop3A_139 = tpu.vector_load_idx %arg5[%parallel_loop3A_138] : memref<80000xf32, #tpu.memory_space<vmem>>[vector<16xi32>], vector<16xf32>,
      %parallel_loop3A_140 = arith.addi %parallel_loop3A_123, %parallel_loop3A_93 : vector<16xi32>
      %parallel_loop3A_141 = tpu.vector_load_idx %arg5[%parallel_loop3A_140] : memref<80000xf32, #tpu.memory_space<vmem>>[vector<16xi32>], vector<16xf32>,
      %parallel_loop3A_142 = arith.addi %parallel_loop3A_123, %parallel_loop3A_97 : vector<16xi32>
      %parallel_loop3A_143 = tpu.vector_load_idx %arg5[%parallel_loop3A_142] : memref<80000xf32, #tpu.memory_space<vmem>>[vector<16xi32>], vector<16xf32>,
      %parallel_loop3A_144 = arith.addi %parallel_loop3A_123, %parallel_loop3A_101 : vector<16xi32>
      %parallel_loop3A_145 = tpu.vector_load_idx %arg5[%parallel_loop3A_144] : memref<80000xf32, #tpu.memory_space<vmem>>[vector<16xi32>], vector<16xf32>,
      %parallel_loop3A_146 = arith.addi %parallel_loop3A_123, %parallel_loop3A_105 : vector<16xi32>
      %parallel_loop3A_147 = tpu.vector_load_idx %arg5[%parallel_loop3A_146] : memref<80000xf32, #tpu.memory_space<vmem>>[vector<16xi32>], vector<16xf32>,
      %parallel_loop3A_148 = arith.addi %parallel_loop3A_123, %parallel_loop3A_109 : vector<16xi32>
      %parallel_loop3A_149 = tpu.vector_load_idx %arg5[%parallel_loop3A_148] : memref<80000xf32, #tpu.memory_space<vmem>>[vector<16xi32>], vector<16xf32>,
      %parallel_loop3A_150 = arith.addi %parallel_loop3A_123, %parallel_loop3A_113 : vector<16xi32>
      %parallel_loop3A_151 = tpu.vector_load_idx %arg5[%parallel_loop3A_150] : memref<80000xf32, #tpu.memory_space<vmem>>[vector<16xi32>], vector<16xf32>,
      %parallel_loop3A_152 = arith.addi %parallel_loop3A_123, %parallel_loop3A_117 : vector<16xi32>
      %parallel_loop3A_153 = tpu.vector_load_idx %arg5[%parallel_loop3A_152] : memref<80000xf32, #tpu.memory_space<vmem>>[vector<16xi32>], vector<16xf32>,
      %parallel_loop3A_154 = arith.addi %parallel_loop3A_123, %parallel_loop3A_121 : vector<16xi32>
      %parallel_loop3A_155 = tpu.vector_load_idx %arg5[%parallel_loop3A_154] : memref<80000xf32, #tpu.memory_space<vmem>>[vector<16xi32>], vector<16xf32>,
      %parallel_loop3A_156 = arith.maximumf %parallel_loop3A_125, %parallel_loop3A_127 : vector<16xf32>
      %parallel_loop3A_157 = arith.maximumf %parallel_loop3A_129, %parallel_loop3A_131 : vector<16xf32>
      %parallel_loop3A_158 = arith.maximumf %parallel_loop3A_133, %parallel_loop3A_135 : vector<16xf32>
      %parallel_loop3A_159 = arith.maximumf %parallel_loop3A_137, %parallel_loop3A_139 : vector<16xf32>
      %parallel_loop3A_160 = arith.maximumf %parallel_loop3A_141, %parallel_loop3A_143 : vector<16xf32>
      %parallel_loop3A_161 = arith.maximumf %parallel_loop3A_145, %parallel_loop3A_147 : vector<16xf32>
      %parallel_loop3A_162 = arith.maximumf %parallel_loop3A_149, %parallel_loop3A_151 : vector<16xf32>
      %parallel_loop3A_163 = arith.maximumf %parallel_loop3A_153, %parallel_loop3A_155 : vector<16xf32>
      %parallel_loop3A_164 = arith.maximumf %parallel_loop3A_156, %parallel_loop3A_157 : vector<16xf32>
      %parallel_loop3A_165 = arith.maximumf %parallel_loop3A_158, %parallel_loop3A_159 : vector<16xf32>
      %parallel_loop3A_166 = arith.maximumf %parallel_loop3A_160, %parallel_loop3A_161 : vector<16xf32>
      %parallel_loop3A_167 = arith.maximumf %parallel_loop3A_162, %parallel_loop3A_163 : vector<16xf32>
      %parallel_loop3A_168 = arith.maximumf %parallel_loop3A_164, %parallel_loop3A_165 : vector<16xf32>
      %parallel_loop3A_169 = arith.maximumf %parallel_loop3A_166, %parallel_loop3A_167 : vector<16xf32>
      %parallel_loop3A_170 = arith.maximumf %parallel_loop3A_168, %parallel_loop3A_169 : vector<16xf32>
      %parallel_loop3A_171 = arith.constant 8192 : i32
      %parallel_loop3A_172 = arith.addi %parallel_loop3A_171, %parallel_loop3A_51 : i32
      %parallel_loop3A_173 = arith.index_cast %parallel_loop3A_172 : i32 to index
      %parallel_loop3A_174 = tpu.vector_load %arg7[%parallel_loop3A_173] {strides = array<i32>} : memref<16384xf32, #tpu.memory_space<vmem>>, vector<16xf32>,
      tpu.vector_store %arg7[%parallel_loop3A_173], %parallel_loop3A_170 {strides = array<i32>} : memref<16384xf32, #tpu.memory_space<vmem>>, vector<16xf32>,
      %parallel_loop3A_175 = arith.constant 10000 : i32
      %parallel_loop3A_176 = vector.broadcast %parallel_loop3A_175 : i32 to vector<16xi32>
      %parallel_loop3A_177 = arith.addi %parallel_loop3A_176, %parallel_loop3A_61 : vector<16xi32>
      %parallel_loop3A_178 = tpu.vector_load_idx %arg5[%parallel_loop3A_177] : memref<80000xf32, #tpu.memory_space<vmem>>[vector<16xi32>], vector<16xf32>,
      %parallel_loop3A_179 = arith.addi %parallel_loop3A_176, %parallel_loop3A_65 : vector<16xi32>
      %parallel_loop3A_180 = tpu.vector_load_idx %arg5[%parallel_loop3A_179] : memref<80000xf32, #tpu.memory_space<vmem>>[vector<16xi32>], vector<16xf32>,
      %parallel_loop3A_181 = arith.addi %parallel_loop3A_176, %parallel_loop3A_69 : vector<16xi32>
      %parallel_loop3A_182 = tpu.vector_load_idx %arg5[%parallel_loop3A_181] : memref<80000xf32, #tpu.memory_space<vmem>>[vector<16xi32>], vector<16xf32>,
      %parallel_loop3A_183 = arith.addi %parallel_loop3A_176, %parallel_loop3A_73 : vector<16xi32>
      %parallel_loop3A_184 = tpu.vector_load_idx %arg5[%parallel_loop3A_183] : memref<80000xf32, #tpu.memory_space<vmem>>[vector<16xi32>], vector<16xf32>,
      %parallel_loop3A_185 = arith.addi %parallel_loop3A_176, %parallel_loop3A_77 : vector<16xi32>
      %parallel_loop3A_186 = tpu.vector_load_idx %arg5[%parallel_loop3A_185] : memref<80000xf32, #tpu.memory_space<vmem>>[vector<16xi32>], vector<16xf32>,
      %parallel_loop3A_187 = arith.addi %parallel_loop3A_176, %parallel_loop3A_81 : vector<16xi32>
      %parallel_loop3A_188 = tpu.vector_load_idx %arg5[%parallel_loop3A_187] : memref<80000xf32, #tpu.memory_space<vmem>>[vector<16xi32>], vector<16xf32>,
      %parallel_loop3A_189 = arith.addi %parallel_loop3A_176, %parallel_loop3A_85 : vector<16xi32>
      %parallel_loop3A_190 = tpu.vector_load_idx %arg5[%parallel_loop3A_189] : memref<80000xf32, #tpu.memory_space<vmem>>[vector<16xi32>], vector<16xf32>,
      %parallel_loop3A_191 = arith.addi %parallel_loop3A_176, %parallel_loop3A_89 : vector<16xi32>
      %parallel_loop3A_192 = tpu.vector_load_idx %arg5[%parallel_loop3A_191] : memref<80000xf32, #tpu.memory_space<vmem>>[vector<16xi32>], vector<16xf32>,
      %parallel_loop3A_193 = arith.addi %parallel_loop3A_176, %parallel_loop3A_93 : vector<16xi32>
      %parallel_loop3A_194 = tpu.vector_load_idx %arg5[%parallel_loop3A_193] : memref<80000xf32, #tpu.memory_space<vmem>>[vector<16xi32>], vector<16xf32>,
      %parallel_loop3A_195 = arith.addi %parallel_loop3A_176, %parallel_loop3A_97 : vector<16xi32>
      %parallel_loop3A_196 = tpu.vector_load_idx %arg5[%parallel_loop3A_195] : memref<80000xf32, #tpu.memory_space<vmem>>[vector<16xi32>], vector<16xf32>,
      %parallel_loop3A_197 = arith.addi %parallel_loop3A_176, %parallel_loop3A_101 : vector<16xi32>
      %parallel_loop3A_198 = tpu.vector_load_idx %arg5[%parallel_loop3A_197] : memref<80000xf32, #tpu.memory_space<vmem>>[vector<16xi32>], vector<16xf32>,
      %parallel_loop3A_199 = arith.addi %parallel_loop3A_176, %parallel_loop3A_105 : vector<16xi32>
      %parallel_loop3A_200 = tpu.vector_load_idx %arg5[%parallel_loop3A_199] : memref<80000xf32, #tpu.memory_space<vmem>>[vector<16xi32>], vector<16xf32>,
      %parallel_loop3A_201 = arith.addi %parallel_loop3A_176, %parallel_loop3A_109 : vector<16xi32>
      %parallel_loop3A_202 = tpu.vector_load_idx %arg5[%parallel_loop3A_201] : memref<80000xf32, #tpu.memory_space<vmem>>[vector<16xi32>], vector<16xf32>,
      %parallel_loop3A_203 = arith.addi %parallel_loop3A_176, %parallel_loop3A_113 : vector<16xi32>
      %parallel_loop3A_204 = tpu.vector_load_idx %arg5[%parallel_loop3A_203] : memref<80000xf32, #tpu.memory_space<vmem>>[vector<16xi32>], vector<16xf32>,
      %parallel_loop3A_205 = arith.addi %parallel_loop3A_176, %parallel_loop3A_117 : vector<16xi32>
      %parallel_loop3A_206 = tpu.vector_load_idx %arg5[%parallel_loop3A_205] : memref<80000xf32, #tpu.memory_space<vmem>>[vector<16xi32>], vector<16xf32>,
      %parallel_loop3A_207 = arith.addi %parallel_loop3A_176, %parallel_loop3A_121 : vector<16xi32>
      %parallel_loop3A_208 = tpu.vector_load_idx %arg5[%parallel_loop3A_207] : memref<80000xf32, #tpu.memory_space<vmem>>[vector<16xi32>], vector<16xf32>,
      %parallel_loop3A_209 = arith.maximumf %parallel_loop3A_178, %parallel_loop3A_180 : vector<16xf32>
      %parallel_loop3A_210 = arith.maximumf %parallel_loop3A_182, %parallel_loop3A_184 : vector<16xf32>
      %parallel_loop3A_211 = arith.maximumf %parallel_loop3A_186, %parallel_loop3A_188 : vector<16xf32>
      %parallel_loop3A_212 = arith.maximumf %parallel_loop3A_190, %parallel_loop3A_192 : vector<16xf32>
      %parallel_loop3A_213 = arith.maximumf %parallel_loop3A_194, %parallel_loop3A_196 : vector<16xf32>
      %parallel_loop3A_214 = arith.maximumf %parallel_loop3A_198, %parallel_loop3A_200 : vector<16xf32>
      %parallel_loop3A_215 = arith.maximumf %parallel_loop3A_202, %parallel_loop3A_204 : vector<16xf32>
      %parallel_loop3A_216 = arith.maximumf %parallel_loop3A_206, %parallel_loop3A_208 : vector<16xf32>
      %parallel_loop3A_217 = arith.maximumf %parallel_loop3A_209, %parallel_loop3A_210 : vector<16xf32>
      %parallel_loop3A_218 = arith.maximumf %parallel_loop3A_211, %parallel_loop3A_212 : vector<16xf32>
      %parallel_loop3A_219 = arith.maximumf %parallel_loop3A_213, %parallel_loop3A_214 : vector<16xf32>
      %parallel_loop3A_220 = arith.maximumf %parallel_loop3A_215, %parallel_loop3A_216 : vector<16xf32>
      %parallel_loop3A_221 = arith.maximumf %parallel_loop3A_217, %parallel_loop3A_218 : vector<16xf32>
      %parallel_loop3A_222 = arith.maximumf %parallel_loop3A_219, %parallel_loop3A_220 : vector<16xf32>
      %parallel_loop3A_223 = arith.maximumf %parallel_loop3A_221, %parallel_loop3A_222 : vector<16xf32>
      %parallel_loop3A_224 = arith.constant 9216 : i32
      %parallel_loop3A_225 = arith.addi %parallel_loop3A_224, %parallel_loop3A_51 : i32
      %parallel_loop3A_226 = arith.index_cast %parallel_loop3A_225 : i32 to index
      %parallel_loop3A_227 = tpu.vector_load %arg7[%parallel_loop3A_226] {strides = array<i32>} : memref<16384xf32, #tpu.memory_space<vmem>>, vector<16xf32>,
      tpu.vector_store %arg7[%parallel_loop3A_226], %parallel_loop3A_223 {strides = array<i32>} : memref<16384xf32, #tpu.memory_space<vmem>>, vector<16xf32>,
      %parallel_loop3A_228 = arith.constant 20000 : i32
      %parallel_loop3A_229 = vector.broadcast %parallel_loop3A_228 : i32 to vector<16xi32>
      %parallel_loop3A_230 = arith.addi %parallel_loop3A_229, %parallel_loop3A_61 : vector<16xi32>
      %parallel_loop3A_231 = tpu.vector_load_idx %arg5[%parallel_loop3A_230] : memref<80000xf32, #tpu.memory_space<vmem>>[vector<16xi32>], vector<16xf32>,
      %parallel_loop3A_232 = arith.addi %parallel_loop3A_229, %parallel_loop3A_65 : vector<16xi32>
      %parallel_loop3A_233 = tpu.vector_load_idx %arg5[%parallel_loop3A_232] : memref<80000xf32, #tpu.memory_space<vmem>>[vector<16xi32>], vector<16xf32>,
      %parallel_loop3A_234 = arith.addi %parallel_loop3A_229, %parallel_loop3A_69 : vector<16xi32>
      %parallel_loop3A_235 = tpu.vector_load_idx %arg5[%parallel_loop3A_234] : memref<80000xf32, #tpu.memory_space<vmem>>[vector<16xi32>], vector<16xf32>,
      %parallel_loop3A_236 = arith.addi %parallel_loop3A_229, %parallel_loop3A_73 : vector<16xi32>
      %parallel_loop3A_237 = tpu.vector_load_idx %arg5[%parallel_loop3A_236] : memref<80000xf32, #tpu.memory_space<vmem>>[vector<16xi32>], vector<16xf32>,
      %parallel_loop3A_238 = arith.addi %parallel_loop3A_229, %parallel_loop3A_77 : vector<16xi32>
      %parallel_loop3A_239 = tpu.vector_load_idx %arg5[%parallel_loop3A_238] : memref<80000xf32, #tpu.memory_space<vmem>>[vector<16xi32>], vector<16xf32>,
      %parallel_loop3A_240 = arith.addi %parallel_loop3A_229, %parallel_loop3A_81 : vector<16xi32>
      %parallel_loop3A_241 = tpu.vector_load_idx %arg5[%parallel_loop3A_240] : memref<80000xf32, #tpu.memory_space<vmem>>[vector<16xi32>], vector<16xf32>,
      %parallel_loop3A_242 = arith.addi %parallel_loop3A_229, %parallel_loop3A_85 : vector<16xi32>
      %parallel_loop3A_243 = tpu.vector_load_idx %arg5[%parallel_loop3A_242] : memref<80000xf32, #tpu.memory_space<vmem>>[vector<16xi32>], vector<16xf32>,
      %parallel_loop3A_244 = arith.addi %parallel_loop3A_229, %parallel_loop3A_89 : vector<16xi32>
      %parallel_loop3A_245 = tpu.vector_load_idx %arg5[%parallel_loop3A_244] : memref<80000xf32, #tpu.memory_space<vmem>>[vector<16xi32>], vector<16xf32>,
      %parallel_loop3A_246 = arith.addi %parallel_loop3A_229, %parallel_loop3A_93 : vector<16xi32>
      %parallel_loop3A_247 = tpu.vector_load_idx %arg5[%parallel_loop3A_246] : memref<80000xf32, #tpu.memory_space<vmem>>[vector<16xi32>], vector<16xf32>,
      %parallel_loop3A_248 = arith.addi %parallel_loop3A_229, %parallel_loop3A_97 : vector<16xi32>
      %parallel_loop3A_249 = tpu.vector_load_idx %arg5[%parallel_loop3A_248] : memref<80000xf32, #tpu.memory_space<vmem>>[vector<16xi32>], vector<16xf32>,
      %parallel_loop3A_250 = arith.addi %parallel_loop3A_229, %parallel_loop3A_101 : vector<16xi32>
      %parallel_loop3A_251 = tpu.vector_load_idx %arg5[%parallel_loop3A_250] : memref<80000xf32, #tpu.memory_space<vmem>>[vector<16xi32>], vector<16xf32>,
      %parallel_loop3A_252 = arith.addi %parallel_loop3A_229, %parallel_loop3A_105 : vector<16xi32>
      %parallel_loop3A_253 = tpu.vector_load_idx %arg5[%parallel_loop3A_252] : memref<80000xf32, #tpu.memory_space<vmem>>[vector<16xi32>], vector<16xf32>,
      %parallel_loop3A_254 = arith.addi %parallel_loop3A_229, %parallel_loop3A_109 : vector<16xi32>
      %parallel_loop3A_255 = tpu.vector_load_idx %arg5[%parallel_loop3A_254] : memref<80000xf32, #tpu.memory_space<vmem>>[vector<16xi32>], vector<16xf32>,
      %parallel_loop3A_256 = arith.addi %parallel_loop3A_229, %parallel_loop3A_113 : vector<16xi32>
      %parallel_loop3A_257 = tpu.vector_load_idx %arg5[%parallel_loop3A_256] : memref<80000xf32, #tpu.memory_space<vmem>>[vector<16xi32>], vector<16xf32>,
      %parallel_loop3A_258 = arith.addi %parallel_loop3A_229, %parallel_loop3A_117 : vector<16xi32>
      %parallel_loop3A_259 = tpu.vector_load_idx %arg5[%parallel_loop3A_258] : memref<80000xf32, #tpu.memory_space<vmem>>[vector<16xi32>], vector<16xf32>,
      %parallel_loop3A_260 = arith.addi %parallel_loop3A_229, %parallel_loop3A_121 : vector<16xi32>
      %parallel_loop3A_261 = tpu.vector_load_idx %arg5[%parallel_loop3A_260] : memref<80000xf32, #tpu.memory_space<vmem>>[vector<16xi32>], vector<16xf32>,
      %parallel_loop3A_262 = arith.maximumf %parallel_loop3A_231, %parallel_loop3A_233 : vector<16xf32>
      %parallel_loop3A_263 = arith.maximumf %parallel_loop3A_235, %parallel_loop3A_237 : vector<16xf32>
      %parallel_loop3A_264 = arith.maximumf %parallel_loop3A_239, %parallel_loop3A_241 : vector<16xf32>
      %parallel_loop3A_265 = arith.maximumf %parallel_loop3A_243, %parallel_loop3A_245 : vector<16xf32>
      %parallel_loop3A_266 = arith.maximumf %parallel_loop3A_247, %parallel_loop3A_249 : vector<16xf32>
      %parallel_loop3A_267 = arith.maximumf %parallel_loop3A_251, %parallel_loop3A_253 : vector<16xf32>
      %parallel_loop3A_268 = arith.maximumf %parallel_loop3A_255, %parallel_loop3A_257 : vector<16xf32>
      %parallel_loop3A_269 = arith.maximumf %parallel_loop3A_259, %parallel_loop3A_261 : vector<16xf32>
      %parallel_loop3A_270 = arith.maximumf %parallel_loop3A_262, %parallel_loop3A_263 : vector<16xf32>
      %parallel_loop3A_271 = arith.maximumf %parallel_loop3A_264, %parallel_loop3A_265 : vector<16xf32>
      %parallel_loop3A_272 = arith.maximumf %parallel_loop3A_266, %parallel_loop3A_267 : vector<16xf32>
      %parallel_loop3A_273 = arith.maximumf %parallel_loop3A_268, %parallel_loop3A_269 : vector<16xf32>
      %parallel_loop3A_274 = arith.maximumf %parallel_loop3A_270, %parallel_loop3A_271 : vector<16xf32>
      %parallel_loop3A_275 = arith.maximumf %parallel_loop3A_272, %parallel_loop3A_273 : vector<16xf32>
      %parallel_loop3A_276 = arith.maximumf %parallel_loop3A_274, %parallel_loop3A_275 : vector<16xf32>
      %parallel_loop3A_277 = arith.constant 10240 : i32
      %parallel_loop3A_278 = arith.addi %parallel_loop3A_277, %parallel_loop3A_51 : i32
      %parallel_loop3A_279 = arith.index_cast %parallel_loop3A_278 : i32 to index
      %parallel_loop3A_280 = tpu.vector_load %arg7[%parallel_loop3A_279] {strides = array<i32>} : memref<16384xf32, #tpu.memory_space<vmem>>, vector<16xf32>,
      tpu.vector_store %arg7[%parallel_loop3A_279], %parallel_loop3A_276 {strides = array<i32>} : memref<16384xf32, #tpu.memory_space<vmem>>, vector<16xf32>,
      %parallel_loop3A_281 = arith.constant 30000 : i32
      %parallel_loop3A_282 = vector.broadcast %parallel_loop3A_281 : i32 to vector<16xi32>
      %parallel_loop3A_283 = arith.addi %parallel_loop3A_282, %parallel_loop3A_61 : vector<16xi32>
      %parallel_loop3A_284 = tpu.vector_load_idx %arg5[%parallel_loop3A_283] : memref<80000xf32, #tpu.memory_space<vmem>>[vector<16xi32>], vector<16xf32>,
      %parallel_loop3A_285 = arith.addi %parallel_loop3A_282, %parallel_loop3A_65 : vector<16xi32>
      %parallel_loop3A_286 = tpu.vector_load_idx %arg5[%parallel_loop3A_285] : memref<80000xf32, #tpu.memory_space<vmem>>[vector<16xi32>], vector<16xf32>,
      %parallel_loop3A_287 = arith.addi %parallel_loop3A_282, %parallel_loop3A_69 : vector<16xi32>
      %parallel_loop3A_288 = tpu.vector_load_idx %arg5[%parallel_loop3A_287] : memref<80000xf32, #tpu.memory_space<vmem>>[vector<16xi32>], vector<16xf32>,
      %parallel_loop3A_289 = arith.addi %parallel_loop3A_282, %parallel_loop3A_73 : vector<16xi32>
      %parallel_loop3A_290 = tpu.vector_load_idx %arg5[%parallel_loop3A_289] : memref<80000xf32, #tpu.memory_space<vmem>>[vector<16xi32>], vector<16xf32>,
      %parallel_loop3A_291 = arith.addi %parallel_loop3A_282, %parallel_loop3A_77 : vector<16xi32>
      %parallel_loop3A_292 = tpu.vector_load_idx %arg5[%parallel_loop3A_291] : memref<80000xf32, #tpu.memory_space<vmem>>[vector<16xi32>], vector<16xf32>,
      %parallel_loop3A_293 = arith.addi %parallel_loop3A_282, %parallel_loop3A_81 : vector<16xi32>
      %parallel_loop3A_294 = tpu.vector_load_idx %arg5[%parallel_loop3A_293] : memref<80000xf32, #tpu.memory_space<vmem>>[vector<16xi32>], vector<16xf32>,
      %parallel_loop3A_295 = arith.addi %parallel_loop3A_282, %parallel_loop3A_85 : vector<16xi32>
      %parallel_loop3A_296 = tpu.vector_load_idx %arg5[%parallel_loop3A_295] : memref<80000xf32, #tpu.memory_space<vmem>>[vector<16xi32>], vector<16xf32>,
      %parallel_loop3A_297 = arith.addi %parallel_loop3A_282, %parallel_loop3A_89 : vector<16xi32>
      %parallel_loop3A_298 = tpu.vector_load_idx %arg5[%parallel_loop3A_297] : memref<80000xf32, #tpu.memory_space<vmem>>[vector<16xi32>], vector<16xf32>,
      %parallel_loop3A_299 = arith.addi %parallel_loop3A_282, %parallel_loop3A_93 : vector<16xi32>
      %parallel_loop3A_300 = tpu.vector_load_idx %arg5[%parallel_loop3A_299] : memref<80000xf32, #tpu.memory_space<vmem>>[vector<16xi32>], vector<16xf32>,
      %parallel_loop3A_301 = arith.addi %parallel_loop3A_282, %parallel_loop3A_97 : vector<16xi32>
      %parallel_loop3A_302 = tpu.vector_load_idx %arg5[%parallel_loop3A_301] : memref<80000xf32, #tpu.memory_space<vmem>>[vector<16xi32>], vector<16xf32>,
      %parallel_loop3A_303 = arith.addi %parallel_loop3A_282, %parallel_loop3A_101 : vector<16xi32>
      %parallel_loop3A_304 = tpu.vector_load_idx %arg5[%parallel_loop3A_303] : memref<80000xf32, #tpu.memory_space<vmem>>[vector<16xi32>], vector<16xf32>,
      %parallel_loop3A_305 = arith.addi %parallel_loop3A_282, %parallel_loop3A_105 : vector<16xi32>
      %parallel_loop3A_306 = tpu.vector_load_idx %arg5[%parallel_loop3A_305] : memref<80000xf32, #tpu.memory_space<vmem>>[vector<16xi32>], vector<16xf32>,
      %parallel_loop3A_307 = arith.addi %parallel_loop3A_282, %parallel_loop3A_109 : vector<16xi32>
      %parallel_loop3A_308 = tpu.vector_load_idx %arg5[%parallel_loop3A_307] : memref<80000xf32, #tpu.memory_space<vmem>>[vector<16xi32>], vector<16xf32>,
      %parallel_loop3A_309 = arith.addi %parallel_loop3A_282, %parallel_loop3A_113 : vector<16xi32>
      %parallel_loop3A_310 = tpu.vector_load_idx %arg5[%parallel_loop3A_309] : memref<80000xf32, #tpu.memory_space<vmem>>[vector<16xi32>], vector<16xf32>,
      %parallel_loop3A_311 = arith.addi %parallel_loop3A_282, %parallel_loop3A_117 : vector<16xi32>
      %parallel_loop3A_312 = tpu.vector_load_idx %arg5[%parallel_loop3A_311] : memref<80000xf32, #tpu.memory_space<vmem>>[vector<16xi32>], vector<16xf32>,
      %parallel_loop3A_313 = arith.addi %parallel_loop3A_282, %parallel_loop3A_121 : vector<16xi32>
      %parallel_loop3A_314 = tpu.vector_load_idx %arg5[%parallel_loop3A_313] : memref<80000xf32, #tpu.memory_space<vmem>>[vector<16xi32>], vector<16xf32>,
      %parallel_loop3A_315 = arith.maximumf %parallel_loop3A_284, %parallel_loop3A_286 : vector<16xf32>
      %parallel_loop3A_316 = arith.maximumf %parallel_loop3A_288, %parallel_loop3A_290 : vector<16xf32>
      %parallel_loop3A_317 = arith.maximumf %parallel_loop3A_292, %parallel_loop3A_294 : vector<16xf32>
      %parallel_loop3A_318 = arith.maximumf %parallel_loop3A_296, %parallel_loop3A_298 : vector<16xf32>
      %parallel_loop3A_319 = arith.maximumf %parallel_loop3A_300, %parallel_loop3A_302 : vector<16xf32>
      %parallel_loop3A_320 = arith.maximumf %parallel_loop3A_304, %parallel_loop3A_306 : vector<16xf32>
      %parallel_loop3A_321 = arith.maximumf %parallel_loop3A_308, %parallel_loop3A_310 : vector<16xf32>
      %parallel_loop3A_322 = arith.maximumf %parallel_loop3A_312, %parallel_loop3A_314 : vector<16xf32>
      %parallel_loop3A_323 = arith.maximumf %parallel_loop3A_315, %parallel_loop3A_316 : vector<16xf32>
      %parallel_loop3A_324 = arith.maximumf %parallel_loop3A_317, %parallel_loop3A_318 : vector<16xf32>
      %parallel_loop3A_325 = arith.maximumf %parallel_loop3A_319, %parallel_loop3A_320 : vector<16xf32>
      %parallel_loop3A_326 = arith.maximumf %parallel_loop3A_321, %parallel_loop3A_322 : vector<16xf32>
      %parallel_loop3A_327 = arith.maximumf %parallel_loop3A_323, %parallel_loop3A_324 : vector<16xf32>
      %parallel_loop3A_328 = arith.maximumf %parallel_loop3A_325, %parallel_loop3A_326 : vector<16xf32>
      %parallel_loop3A_329 = arith.maximumf %parallel_loop3A_327, %parallel_loop3A_328 : vector<16xf32>
      %parallel_loop3A_330 = arith.constant 11264 : i32
      %parallel_loop3A_331 = arith.addi %parallel_loop3A_330, %parallel_loop3A_51 : i32
      %parallel_loop3A_332 = arith.index_cast %parallel_loop3A_331 : i32 to index
      %parallel_loop3A_333 = tpu.vector_load %arg7[%parallel_loop3A_332] {strides = array<i32>} : memref<16384xf32, #tpu.memory_space<vmem>>, vector<16xf32>,
      tpu.vector_store %arg7[%parallel_loop3A_332], %parallel_loop3A_329 {strides = array<i32>} : memref<16384xf32, #tpu.memory_space<vmem>>, vector<16xf32>,
      %parallel_loop3A_334 = arith.constant 40000 : i32
      %parallel_loop3A_335 = vector.broadcast %parallel_loop3A_334 : i32 to vector<16xi32>
      %parallel_loop3A_336 = arith.addi %parallel_loop3A_335, %parallel_loop3A_61 : vector<16xi32>
      %parallel_loop3A_337 = tpu.vector_load_idx %arg5[%parallel_loop3A_336] : memref<80000xf32, #tpu.memory_space<vmem>>[vector<16xi32>], vector<16xf32>,
      %parallel_loop3A_338 = arith.addi %parallel_loop3A_335, %parallel_loop3A_65 : vector<16xi32>
      %parallel_loop3A_339 = tpu.vector_load_idx %arg5[%parallel_loop3A_338] : memref<80000xf32, #tpu.memory_space<vmem>>[vector<16xi32>], vector<16xf32>,
      %parallel_loop3A_340 = arith.addi %parallel_loop3A_335, %parallel_loop3A_69 : vector<16xi32>
      %parallel_loop3A_341 = tpu.vector_load_idx %arg5[%parallel_loop3A_340] : memref<80000xf32, #tpu.memory_space<vmem>>[vector<16xi32>], vector<16xf32>,
      %parallel_loop3A_342 = arith.addi %parallel_loop3A_335, %parallel_loop3A_73 : vector<16xi32>
      %parallel_loop3A_343 = tpu.vector_load_idx %arg5[%parallel_loop3A_342] : memref<80000xf32, #tpu.memory_space<vmem>>[vector<16xi32>], vector<16xf32>,
      %parallel_loop3A_344 = arith.addi %parallel_loop3A_335, %parallel_loop3A_77 : vector<16xi32>
      %parallel_loop3A_345 = tpu.vector_load_idx %arg5[%parallel_loop3A_344] : memref<80000xf32, #tpu.memory_space<vmem>>[vector<16xi32>], vector<16xf32>,
      %parallel_loop3A_346 = arith.addi %parallel_loop3A_335, %parallel_loop3A_81 : vector<16xi32>
      %parallel_loop3A_347 = tpu.vector_load_idx %arg5[%parallel_loop3A_346] : memref<80000xf32, #tpu.memory_space<vmem>>[vector<16xi32>], vector<16xf32>,
      %parallel_loop3A_348 = arith.addi %parallel_loop3A_335, %parallel_loop3A_85 : vector<16xi32>
      %parallel_loop3A_349 = tpu.vector_load_idx %arg5[%parallel_loop3A_348] : memref<80000xf32, #tpu.memory_space<vmem>>[vector<16xi32>], vector<16xf32>,
      %parallel_loop3A_350 = arith.addi %parallel_loop3A_335, %parallel_loop3A_89 : vector<16xi32>
      %parallel_loop3A_351 = tpu.vector_load_idx %arg5[%parallel_loop3A_350] : memref<80000xf32, #tpu.memory_space<vmem>>[vector<16xi32>], vector<16xf32>,
      %parallel_loop3A_352 = arith.addi %parallel_loop3A_335, %parallel_loop3A_93 : vector<16xi32>
      %parallel_loop3A_353 = tpu.vector_load_idx %arg5[%parallel_loop3A_352] : memref<80000xf32, #tpu.memory_space<vmem>>[vector<16xi32>], vector<16xf32>,
      %parallel_loop3A_354 = arith.addi %parallel_loop3A_335, %parallel_loop3A_97 : vector<16xi32>
      %parallel_loop3A_355 = tpu.vector_load_idx %arg5[%parallel_loop3A_354] : memref<80000xf32, #tpu.memory_space<vmem>>[vector<16xi32>], vector<16xf32>,
      %parallel_loop3A_356 = arith.addi %parallel_loop3A_335, %parallel_loop3A_101 : vector<16xi32>
      %parallel_loop3A_357 = tpu.vector_load_idx %arg5[%parallel_loop3A_356] : memref<80000xf32, #tpu.memory_space<vmem>>[vector<16xi32>], vector<16xf32>,
      %parallel_loop3A_358 = arith.addi %parallel_loop3A_335, %parallel_loop3A_105 : vector<16xi32>
      %parallel_loop3A_359 = tpu.vector_load_idx %arg5[%parallel_loop3A_358] : memref<80000xf32, #tpu.memory_space<vmem>>[vector<16xi32>], vector<16xf32>,
      %parallel_loop3A_360 = arith.addi %parallel_loop3A_335, %parallel_loop3A_109 : vector<16xi32>
      %parallel_loop3A_361 = tpu.vector_load_idx %arg5[%parallel_loop3A_360] : memref<80000xf32, #tpu.memory_space<vmem>>[vector<16xi32>], vector<16xf32>,
      %parallel_loop3A_362 = arith.addi %parallel_loop3A_335, %parallel_loop3A_113 : vector<16xi32>
      %parallel_loop3A_363 = tpu.vector_load_idx %arg5[%parallel_loop3A_362] : memref<80000xf32, #tpu.memory_space<vmem>>[vector<16xi32>], vector<16xf32>,
      %parallel_loop3A_364 = arith.addi %parallel_loop3A_335, %parallel_loop3A_117 : vector<16xi32>
      %parallel_loop3A_365 = tpu.vector_load_idx %arg5[%parallel_loop3A_364] : memref<80000xf32, #tpu.memory_space<vmem>>[vector<16xi32>], vector<16xf32>,
      %parallel_loop3A_366 = arith.addi %parallel_loop3A_335, %parallel_loop3A_121 : vector<16xi32>
      %parallel_loop3A_367 = tpu.vector_load_idx %arg5[%parallel_loop3A_366] : memref<80000xf32, #tpu.memory_space<vmem>>[vector<16xi32>], vector<16xf32>,
      %parallel_loop3A_368 = arith.maximumf %parallel_loop3A_337, %parallel_loop3A_339 : vector<16xf32>
      %parallel_loop3A_369 = arith.maximumf %parallel_loop3A_341, %parallel_loop3A_343 : vector<16xf32>
      %parallel_loop3A_370 = arith.maximumf %parallel_loop3A_345, %parallel_loop3A_347 : vector<16xf32>
      %parallel_loop3A_371 = arith.maximumf %parallel_loop3A_349, %parallel_loop3A_351 : vector<16xf32>
      %parallel_loop3A_372 = arith.maximumf %parallel_loop3A_353, %parallel_loop3A_355 : vector<16xf32>
      %parallel_loop3A_373 = arith.maximumf %parallel_loop3A_357, %parallel_loop3A_359 : vector<16xf32>
      %parallel_loop3A_374 = arith.maximumf %parallel_loop3A_361, %parallel_loop3A_363 : vector<16xf32>
      %parallel_loop3A_375 = arith.maximumf %parallel_loop3A_365, %parallel_loop3A_367 : vector<16xf32>
      %parallel_loop3A_376 = arith.maximumf %parallel_loop3A_368, %parallel_loop3A_369 : vector<16xf32>
      %parallel_loop3A_377 = arith.maximumf %parallel_loop3A_370, %parallel_loop3A_371 : vector<16xf32>
      %parallel_loop3A_378 = arith.maximumf %parallel_loop3A_372, %parallel_loop3A_373 : vector<16xf32>
      %parallel_loop3A_379 = arith.maximumf %parallel_loop3A_374, %parallel_loop3A_375 : vector<16xf32>
      %parallel_loop3A_380 = arith.maximumf %parallel_loop3A_376, %parallel_loop3A_377 : vector<16xf32>
      %parallel_loop3A_381 = arith.maximumf %parallel_loop3A_378, %parallel_loop3A_379 : vector<16xf32>
      %parallel_loop3A_382 = arith.maximumf %parallel_loop3A_380, %parallel_loop3A_381 : vector<16xf32>
      %parallel_loop3A_383 = arith.constant 12288 : i32
      %parallel_loop3A_384 = arith.addi %parallel_loop3A_383, %parallel_loop3A_51 : i32
      %parallel_loop3A_385 = arith.index_cast %parallel_loop3A_384 : i32 to index
      %parallel_loop3A_386 = tpu.vector_load %arg7[%parallel_loop3A_385] {strides = array<i32>} : memref<16384xf32, #tpu.memory_space<vmem>>, vector<16xf32>,
      tpu.vector_store %arg7[%parallel_loop3A_385], %parallel_loop3A_382 {strides = array<i32>} : memref<16384xf32, #tpu.memory_space<vmem>>, vector<16xf32>,
      %parallel_loop3A_387 = arith.constant 50000 : i32
      %parallel_loop3A_388 = vector.broadcast %parallel_loop3A_387 : i32 to vector<16xi32>
      %parallel_loop3A_389 = arith.addi %parallel_loop3A_388, %parallel_loop3A_61 : vector<16xi32>
      %parallel_loop3A_390 = tpu.vector_load_idx %arg5[%parallel_loop3A_389] : memref<80000xf32, #tpu.memory_space<vmem>>[vector<16xi32>], vector<16xf32>,
      %parallel_loop3A_391 = arith.addi %parallel_loop3A_388, %parallel_loop3A_65 : vector<16xi32>
      %parallel_loop3A_392 = tpu.vector_load_idx %arg5[%parallel_loop3A_391] : memref<80000xf32, #tpu.memory_space<vmem>>[vector<16xi32>], vector<16xf32>,
      %parallel_loop3A_393 = arith.addi %parallel_loop3A_388, %parallel_loop3A_69 : vector<16xi32>
      %parallel_loop3A_394 = tpu.vector_load_idx %arg5[%parallel_loop3A_393] : memref<80000xf32, #tpu.memory_space<vmem>>[vector<16xi32>], vector<16xf32>,
      %parallel_loop3A_395 = arith.addi %parallel_loop3A_388, %parallel_loop3A_73 : vector<16xi32>
      %parallel_loop3A_396 = tpu.vector_load_idx %arg5[%parallel_loop3A_395] : memref<80000xf32, #tpu.memory_space<vmem>>[vector<16xi32>], vector<16xf32>,
      %parallel_loop3A_397 = arith.addi %parallel_loop3A_388, %parallel_loop3A_77 : vector<16xi32>
      %parallel_loop3A_398 = tpu.vector_load_idx %arg5[%parallel_loop3A_397] : memref<80000xf32, #tpu.memory_space<vmem>>[vector<16xi32>], vector<16xf32>,
      %parallel_loop3A_399 = arith.addi %parallel_loop3A_388, %parallel_loop3A_81 : vector<16xi32>
      %parallel_loop3A_400 = tpu.vector_load_idx %arg5[%parallel_loop3A_399] : memref<80000xf32, #tpu.memory_space<vmem>>[vector<16xi32>], vector<16xf32>,
      %parallel_loop3A_401 = arith.addi %parallel_loop3A_388, %parallel_loop3A_85 : vector<16xi32>
      %parallel_loop3A_402 = tpu.vector_load_idx %arg5[%parallel_loop3A_401] : memref<80000xf32, #tpu.memory_space<vmem>>[vector<16xi32>], vector<16xf32>,
      %parallel_loop3A_403 = arith.addi %parallel_loop3A_388, %parallel_loop3A_89 : vector<16xi32>
      %parallel_loop3A_404 = tpu.vector_load_idx %arg5[%parallel_loop3A_403] : memref<80000xf32, #tpu.memory_space<vmem>>[vector<16xi32>], vector<16xf32>,
      %parallel_loop3A_405 = arith.addi %parallel_loop3A_388, %parallel_loop3A_93 : vector<16xi32>
      %parallel_loop3A_406 = tpu.vector_load_idx %arg5[%parallel_loop3A_405] : memref<80000xf32, #tpu.memory_space<vmem>>[vector<16xi32>], vector<16xf32>,
      %parallel_loop3A_407 = arith.addi %parallel_loop3A_388, %parallel_loop3A_97 : vector<16xi32>
      %parallel_loop3A_408 = tpu.vector_load_idx %arg5[%parallel_loop3A_407] : memref<80000xf32, #tpu.memory_space<vmem>>[vector<16xi32>], vector<16xf32>,
      %parallel_loop3A_409 = arith.addi %parallel_loop3A_388, %parallel_loop3A_101 : vector<16xi32>
      %parallel_loop3A_410 = tpu.vector_load_idx %arg5[%parallel_loop3A_409] : memref<80000xf32, #tpu.memory_space<vmem>>[vector<16xi32>], vector<16xf32>,
      %parallel_loop3A_411 = arith.addi %parallel_loop3A_388, %parallel_loop3A_105 : vector<16xi32>
      %parallel_loop3A_412 = tpu.vector_load_idx %arg5[%parallel_loop3A_411] : memref<80000xf32, #tpu.memory_space<vmem>>[vector<16xi32>], vector<16xf32>,
      %parallel_loop3A_413 = arith.addi %parallel_loop3A_388, %parallel_loop3A_109 : vector<16xi32>
      %parallel_loop3A_414 = tpu.vector_load_idx %arg5[%parallel_loop3A_413] : memref<80000xf32, #tpu.memory_space<vmem>>[vector<16xi32>], vector<16xf32>,
      %parallel_loop3A_415 = arith.addi %parallel_loop3A_388, %parallel_loop3A_113 : vector<16xi32>
      %parallel_loop3A_416 = tpu.vector_load_idx %arg5[%parallel_loop3A_415] : memref<80000xf32, #tpu.memory_space<vmem>>[vector<16xi32>], vector<16xf32>,
      %parallel_loop3A_417 = arith.addi %parallel_loop3A_388, %parallel_loop3A_117 : vector<16xi32>
      %parallel_loop3A_418 = tpu.vector_load_idx %arg5[%parallel_loop3A_417] : memref<80000xf32, #tpu.memory_space<vmem>>[vector<16xi32>], vector<16xf32>,
      %parallel_loop3A_419 = arith.addi %parallel_loop3A_388, %parallel_loop3A_121 : vector<16xi32>
      %parallel_loop3A_420 = tpu.vector_load_idx %arg5[%parallel_loop3A_419] : memref<80000xf32, #tpu.memory_space<vmem>>[vector<16xi32>], vector<16xf32>,
      %parallel_loop3A_421 = arith.maximumf %parallel_loop3A_390, %parallel_loop3A_392 : vector<16xf32>
      %parallel_loop3A_422 = arith.maximumf %parallel_loop3A_394, %parallel_loop3A_396 : vector<16xf32>
      %parallel_loop3A_423 = arith.maximumf %parallel_loop3A_398, %parallel_loop3A_400 : vector<16xf32>
      %parallel_loop3A_424 = arith.maximumf %parallel_loop3A_402, %parallel_loop3A_404 : vector<16xf32>
      %parallel_loop3A_425 = arith.maximumf %parallel_loop3A_406, %parallel_loop3A_408 : vector<16xf32>
      %parallel_loop3A_426 = arith.maximumf %parallel_loop3A_410, %parallel_loop3A_412 : vector<16xf32>
      %parallel_loop3A_427 = arith.maximumf %parallel_loop3A_414, %parallel_loop3A_416 : vector<16xf32>
      %parallel_loop3A_428 = arith.maximumf %parallel_loop3A_418, %parallel_loop3A_420 : vector<16xf32>
      %parallel_loop3A_429 = arith.maximumf %parallel_loop3A_421, %parallel_loop3A_422 : vector<16xf32>
      %parallel_loop3A_430 = arith.maximumf %parallel_loop3A_423, %parallel_loop3A_424 : vector<16xf32>
      %parallel_loop3A_431 = arith.maximumf %parallel_loop3A_425, %parallel_loop3A_426 : vector<16xf32>
      %parallel_loop3A_432 = arith.maximumf %parallel_loop3A_427, %parallel_loop3A_428 : vector<16xf32>
      %parallel_loop3A_433 = arith.maximumf %parallel_loop3A_429, %parallel_loop3A_430 : vector<16xf32>
      %parallel_loop3A_434 = arith.maximumf %parallel_loop3A_431, %parallel_loop3A_432 : vector<16xf32>
      %parallel_loop3A_435 = arith.maximumf %parallel_loop3A_433, %parallel_loop3A_434 : vector<16xf32>
      %parallel_loop3A_436 = arith.constant 13312 : i32
      %parallel_loop3A_437 = arith.addi %parallel_loop3A_436, %parallel_loop3A_51 : i32
      %parallel_loop3A_438 = arith.index_cast %parallel_loop3A_437 : i32 to index
      %parallel_loop3A_439 = tpu.vector_load %arg7[%parallel_loop3A_438] {strides = array<i32>} : memref<16384xf32, #tpu.memory_space<vmem>>, vector<16xf32>,
      tpu.vector_store %arg7[%parallel_loop3A_438], %parallel_loop3A_435 {strides = array<i32>} : memref<16384xf32, #tpu.memory_space<vmem>>, vector<16xf32>,
      %parallel_loop3A_440 = arith.constant 60000 : i32
      %parallel_loop3A_441 = vector.broadcast %parallel_loop3A_440 : i32 to vector<16xi32>
      %parallel_loop3A_442 = arith.addi %parallel_loop3A_441, %parallel_loop3A_61 : vector<16xi32>
      %parallel_loop3A_443 = tpu.vector_load_idx %arg5[%parallel_loop3A_442] : memref<80000xf32, #tpu.memory_space<vmem>>[vector<16xi32>], vector<16xf32>,
      %parallel_loop3A_444 = arith.addi %parallel_loop3A_441, %parallel_loop3A_65 : vector<16xi32>
      %parallel_loop3A_445 = tpu.vector_load_idx %arg5[%parallel_loop3A_444] : memref<80000xf32, #tpu.memory_space<vmem>>[vector<16xi32>], vector<16xf32>,
      %parallel_loop3A_446 = arith.addi %parallel_loop3A_441, %parallel_loop3A_69 : vector<16xi32>
      %parallel_loop3A_447 = tpu.vector_load_idx %arg5[%parallel_loop3A_446] : memref<80000xf32, #tpu.memory_space<vmem>>[vector<16xi32>], vector<16xf32>,
      %parallel_loop3A_448 = arith.addi %parallel_loop3A_441, %parallel_loop3A_73 : vector<16xi32>
      %parallel_loop3A_449 = tpu.vector_load_idx %arg5[%parallel_loop3A_448] : memref<80000xf32, #tpu.memory_space<vmem>>[vector<16xi32>], vector<16xf32>,
      %parallel_loop3A_450 = arith.addi %parallel_loop3A_441, %parallel_loop3A_77 : vector<16xi32>
      %parallel_loop3A_451 = tpu.vector_load_idx %arg5[%parallel_loop3A_450] : memref<80000xf32, #tpu.memory_space<vmem>>[vector<16xi32>], vector<16xf32>,
      %parallel_loop3A_452 = arith.addi %parallel_loop3A_441, %parallel_loop3A_81 : vector<16xi32>
      %parallel_loop3A_453 = tpu.vector_load_idx %arg5[%parallel_loop3A_452] : memref<80000xf32, #tpu.memory_space<vmem>>[vector<16xi32>], vector<16xf32>,
      %parallel_loop3A_454 = arith.addi %parallel_loop3A_441, %parallel_loop3A_85 : vector<16xi32>
      %parallel_loop3A_455 = tpu.vector_load_idx %arg5[%parallel_loop3A_454] : memref<80000xf32, #tpu.memory_space<vmem>>[vector<16xi32>], vector<16xf32>,
      %parallel_loop3A_456 = arith.addi %parallel_loop3A_441, %parallel_loop3A_89 : vector<16xi32>
      %parallel_loop3A_457 = tpu.vector_load_idx %arg5[%parallel_loop3A_456] : memref<80000xf32, #tpu.memory_space<vmem>>[vector<16xi32>], vector<16xf32>,
      %parallel_loop3A_458 = arith.addi %parallel_loop3A_441, %parallel_loop3A_93 : vector<16xi32>
      %parallel_loop3A_459 = tpu.vector_load_idx %arg5[%parallel_loop3A_458] : memref<80000xf32, #tpu.memory_space<vmem>>[vector<16xi32>], vector<16xf32>,
      %parallel_loop3A_460 = arith.addi %parallel_loop3A_441, %parallel_loop3A_97 : vector<16xi32>
      %parallel_loop3A_461 = tpu.vector_load_idx %arg5[%parallel_loop3A_460] : memref<80000xf32, #tpu.memory_space<vmem>>[vector<16xi32>], vector<16xf32>,
      %parallel_loop3A_462 = arith.addi %parallel_loop3A_441, %parallel_loop3A_101 : vector<16xi32>
      %parallel_loop3A_463 = tpu.vector_load_idx %arg5[%parallel_loop3A_462] : memref<80000xf32, #tpu.memory_space<vmem>>[vector<16xi32>], vector<16xf32>,
      %parallel_loop3A_464 = arith.addi %parallel_loop3A_441, %parallel_loop3A_105 : vector<16xi32>
      %parallel_loop3A_465 = tpu.vector_load_idx %arg5[%parallel_loop3A_464] : memref<80000xf32, #tpu.memory_space<vmem>>[vector<16xi32>], vector<16xf32>,
      %parallel_loop3A_466 = arith.addi %parallel_loop3A_441, %parallel_loop3A_109 : vector<16xi32>
      %parallel_loop3A_467 = tpu.vector_load_idx %arg5[%parallel_loop3A_466] : memref<80000xf32, #tpu.memory_space<vmem>>[vector<16xi32>], vector<16xf32>,
      %parallel_loop3A_468 = arith.addi %parallel_loop3A_441, %parallel_loop3A_113 : vector<16xi32>
      %parallel_loop3A_469 = tpu.vector_load_idx %arg5[%parallel_loop3A_468] : memref<80000xf32, #tpu.memory_space<vmem>>[vector<16xi32>], vector<16xf32>,
      %parallel_loop3A_470 = arith.addi %parallel_loop3A_441, %parallel_loop3A_117 : vector<16xi32>
      %parallel_loop3A_471 = tpu.vector_load_idx %arg5[%parallel_loop3A_470] : memref<80000xf32, #tpu.memory_space<vmem>>[vector<16xi32>], vector<16xf32>,
      %parallel_loop3A_472 = arith.addi %parallel_loop3A_441, %parallel_loop3A_121 : vector<16xi32>
      %parallel_loop3A_473 = tpu.vector_load_idx %arg5[%parallel_loop3A_472] : memref<80000xf32, #tpu.memory_space<vmem>>[vector<16xi32>], vector<16xf32>,
      %parallel_loop3A_474 = arith.maximumf %parallel_loop3A_443, %parallel_loop3A_445 : vector<16xf32>
      %parallel_loop3A_475 = arith.maximumf %parallel_loop3A_447, %parallel_loop3A_449 : vector<16xf32>
      %parallel_loop3A_476 = arith.maximumf %parallel_loop3A_451, %parallel_loop3A_453 : vector<16xf32>
      %parallel_loop3A_477 = arith.maximumf %parallel_loop3A_455, %parallel_loop3A_457 : vector<16xf32>
      %parallel_loop3A_478 = arith.maximumf %parallel_loop3A_459, %parallel_loop3A_461 : vector<16xf32>
      %parallel_loop3A_479 = arith.maximumf %parallel_loop3A_463, %parallel_loop3A_465 : vector<16xf32>
      %parallel_loop3A_480 = arith.maximumf %parallel_loop3A_467, %parallel_loop3A_469 : vector<16xf32>
      %parallel_loop3A_481 = arith.maximumf %parallel_loop3A_471, %parallel_loop3A_473 : vector<16xf32>
      %parallel_loop3A_482 = arith.maximumf %parallel_loop3A_474, %parallel_loop3A_475 : vector<16xf32>
      %parallel_loop3A_483 = arith.maximumf %parallel_loop3A_476, %parallel_loop3A_477 : vector<16xf32>
      %parallel_loop3A_484 = arith.maximumf %parallel_loop3A_478, %parallel_loop3A_479 : vector<16xf32>
      %parallel_loop3A_485 = arith.maximumf %parallel_loop3A_480, %parallel_loop3A_481 : vector<16xf32>
      %parallel_loop3A_486 = arith.maximumf %parallel_loop3A_482, %parallel_loop3A_483 : vector<16xf32>
      %parallel_loop3A_487 = arith.maximumf %parallel_loop3A_484, %parallel_loop3A_485 : vector<16xf32>
      %parallel_loop3A_488 = arith.maximumf %parallel_loop3A_486, %parallel_loop3A_487 : vector<16xf32>
      %parallel_loop3A_489 = arith.constant 14336 : i32
      %parallel_loop3A_490 = arith.addi %parallel_loop3A_489, %parallel_loop3A_51 : i32
      %parallel_loop3A_491 = arith.index_cast %parallel_loop3A_490 : i32 to index
      %parallel_loop3A_492 = tpu.vector_load %arg7[%parallel_loop3A_491] {strides = array<i32>} : memref<16384xf32, #tpu.memory_space<vmem>>, vector<16xf32>,
      tpu.vector_store %arg7[%parallel_loop3A_491], %parallel_loop3A_488 {strides = array<i32>} : memref<16384xf32, #tpu.memory_space<vmem>>, vector<16xf32>,
      %parallel_loop3A_493 = arith.constant 70000 : i32
      %parallel_loop3A_494 = vector.broadcast %parallel_loop3A_493 : i32 to vector<16xi32>
      %parallel_loop3A_495 = arith.addi %parallel_loop3A_494, %parallel_loop3A_61 : vector<16xi32>
      %parallel_loop3A_496 = tpu.vector_load_idx %arg5[%parallel_loop3A_495] : memref<80000xf32, #tpu.memory_space<vmem>>[vector<16xi32>], vector<16xf32>,
      %parallel_loop3A_497 = arith.addi %parallel_loop3A_494, %parallel_loop3A_65 : vector<16xi32>
      %parallel_loop3A_498 = tpu.vector_load_idx %arg5[%parallel_loop3A_497] : memref<80000xf32, #tpu.memory_space<vmem>>[vector<16xi32>], vector<16xf32>,
      %parallel_loop3A_499 = arith.addi %parallel_loop3A_494, %parallel_loop3A_69 : vector<16xi32>
      %parallel_loop3A_500 = tpu.vector_load_idx %arg5[%parallel_loop3A_499] : memref<80000xf32, #tpu.memory_space<vmem>>[vector<16xi32>], vector<16xf32>,
      %parallel_loop3A_501 = arith.addi %parallel_loop3A_494, %parallel_loop3A_73 : vector<16xi32>
      %parallel_loop3A_502 = tpu.vector_load_idx %arg5[%parallel_loop3A_501] : memref<80000xf32, #tpu.memory_space<vmem>>[vector<16xi32>], vector<16xf32>,
      %parallel_loop3A_503 = arith.addi %parallel_loop3A_494, %parallel_loop3A_77 : vector<16xi32>
      %parallel_loop3A_504 = tpu.vector_load_idx %arg5[%parallel_loop3A_503] : memref<80000xf32, #tpu.memory_space<vmem>>[vector<16xi32>], vector<16xf32>,
      %parallel_loop3A_505 = arith.addi %parallel_loop3A_494, %parallel_loop3A_81 : vector<16xi32>
      %parallel_loop3A_506 = tpu.vector_load_idx %arg5[%parallel_loop3A_505] : memref<80000xf32, #tpu.memory_space<vmem>>[vector<16xi32>], vector<16xf32>,
      %parallel_loop3A_507 = arith.addi %parallel_loop3A_494, %parallel_loop3A_85 : vector<16xi32>
      %parallel_loop3A_508 = tpu.vector_load_idx %arg5[%parallel_loop3A_507] : memref<80000xf32, #tpu.memory_space<vmem>>[vector<16xi32>], vector<16xf32>,
      %parallel_loop3A_509 = arith.addi %parallel_loop3A_494, %parallel_loop3A_89 : vector<16xi32>
      %parallel_loop3A_510 = tpu.vector_load_idx %arg5[%parallel_loop3A_509] : memref<80000xf32, #tpu.memory_space<vmem>>[vector<16xi32>], vector<16xf32>,
      %parallel_loop3A_511 = arith.addi %parallel_loop3A_494, %parallel_loop3A_93 : vector<16xi32>
      %parallel_loop3A_512 = tpu.vector_load_idx %arg5[%parallel_loop3A_511] : memref<80000xf32, #tpu.memory_space<vmem>>[vector<16xi32>], vector<16xf32>,
      %parallel_loop3A_513 = arith.addi %parallel_loop3A_494, %parallel_loop3A_97 : vector<16xi32>
      %parallel_loop3A_514 = tpu.vector_load_idx %arg5[%parallel_loop3A_513] : memref<80000xf32, #tpu.memory_space<vmem>>[vector<16xi32>], vector<16xf32>,
      %parallel_loop3A_515 = arith.addi %parallel_loop3A_494, %parallel_loop3A_101 : vector<16xi32>
      %parallel_loop3A_516 = tpu.vector_load_idx %arg5[%parallel_loop3A_515] : memref<80000xf32, #tpu.memory_space<vmem>>[vector<16xi32>], vector<16xf32>,
      %parallel_loop3A_517 = arith.addi %parallel_loop3A_494, %parallel_loop3A_105 : vector<16xi32>
      %parallel_loop3A_518 = tpu.vector_load_idx %arg5[%parallel_loop3A_517] : memref<80000xf32, #tpu.memory_space<vmem>>[vector<16xi32>], vector<16xf32>,
      %parallel_loop3A_519 = arith.addi %parallel_loop3A_494, %parallel_loop3A_109 : vector<16xi32>
      %parallel_loop3A_520 = tpu.vector_load_idx %arg5[%parallel_loop3A_519] : memref<80000xf32, #tpu.memory_space<vmem>>[vector<16xi32>], vector<16xf32>,
      %parallel_loop3A_521 = arith.addi %parallel_loop3A_494, %parallel_loop3A_113 : vector<16xi32>
      %parallel_loop3A_522 = tpu.vector_load_idx %arg5[%parallel_loop3A_521] : memref<80000xf32, #tpu.memory_space<vmem>>[vector<16xi32>], vector<16xf32>,
      %parallel_loop3A_523 = arith.addi %parallel_loop3A_494, %parallel_loop3A_117 : vector<16xi32>
      %parallel_loop3A_524 = tpu.vector_load_idx %arg5[%parallel_loop3A_523] : memref<80000xf32, #tpu.memory_space<vmem>>[vector<16xi32>], vector<16xf32>,
      %parallel_loop3A_525 = arith.addi %parallel_loop3A_494, %parallel_loop3A_121 : vector<16xi32>
      %parallel_loop3A_526 = tpu.vector_load_idx %arg5[%parallel_loop3A_525] : memref<80000xf32, #tpu.memory_space<vmem>>[vector<16xi32>], vector<16xf32>,
      %parallel_loop3A_527 = arith.maximumf %parallel_loop3A_496, %parallel_loop3A_498 : vector<16xf32>
      %parallel_loop3A_528 = arith.maximumf %parallel_loop3A_500, %parallel_loop3A_502 : vector<16xf32>
      %parallel_loop3A_529 = arith.maximumf %parallel_loop3A_504, %parallel_loop3A_506 : vector<16xf32>
      %parallel_loop3A_530 = arith.maximumf %parallel_loop3A_508, %parallel_loop3A_510 : vector<16xf32>
      %parallel_loop3A_531 = arith.maximumf %parallel_loop3A_512, %parallel_loop3A_514 : vector<16xf32>
      %parallel_loop3A_532 = arith.maximumf %parallel_loop3A_516, %parallel_loop3A_518 : vector<16xf32>
      %parallel_loop3A_533 = arith.maximumf %parallel_loop3A_520, %parallel_loop3A_522 : vector<16xf32>
      %parallel_loop3A_534 = arith.maximumf %parallel_loop3A_524, %parallel_loop3A_526 : vector<16xf32>
      %parallel_loop3A_535 = arith.maximumf %parallel_loop3A_527, %parallel_loop3A_528 : vector<16xf32>
      %parallel_loop3A_536 = arith.maximumf %parallel_loop3A_529, %parallel_loop3A_530 : vector<16xf32>
      %parallel_loop3A_537 = arith.maximumf %parallel_loop3A_531, %parallel_loop3A_532 : vector<16xf32>
      %parallel_loop3A_538 = arith.maximumf %parallel_loop3A_533, %parallel_loop3A_534 : vector<16xf32>
      %parallel_loop3A_539 = arith.maximumf %parallel_loop3A_535, %parallel_loop3A_536 : vector<16xf32>
      %parallel_loop3A_540 = arith.maximumf %parallel_loop3A_537, %parallel_loop3A_538 : vector<16xf32>
      %parallel_loop3A_541 = arith.maximumf %parallel_loop3A_539, %parallel_loop3A_540 : vector<16xf32>
      %parallel_loop3A_542 = arith.constant 15360 : i32
      %parallel_loop3A_543 = arith.addi %parallel_loop3A_542, %parallel_loop3A_51 : i32
      %parallel_loop3A_544 = arith.index_cast %parallel_loop3A_543 : i32 to index
      %parallel_loop3A_545 = tpu.vector_load %arg7[%parallel_loop3A_544] {strides = array<i32>} : memref<16384xf32, #tpu.memory_space<vmem>>, vector<16xf32>,
      tpu.vector_store %arg7[%parallel_loop3A_544], %parallel_loop3A_541 {strides = array<i32>} : memref<16384xf32, #tpu.memory_space<vmem>>, vector<16xf32>,
    } {sc.loop_unroll_factor = 1 : i64, sc.parallel_access}
    %mul3A_45 = arith.constant 1024 : i32
    %mul3A_46 = arith.muli %mul3A_2, %mul3A_45 : i32
    %add3A_47 = arith.constant 2359296 : i32
    %add3A_48 = arith.addi %add3A_47, %mul3A_46 : i32
    "tpu.region"() ({
      %run_scoped3A = tpu.sem_alloc : memref<!tpu.dma_semaphore, #tpu.memory_space<semaphore_mem>>
      %dma_start3A_49 = arith.constant 8192 : i32
      %dma_start3A_50 = tpu.memref_slice %arg7[%dma_start3A_49] : memref<16384xf32, #tpu.memory_space<vmem>> -> memref<8192xf32, #tpu.memory_space<vmem>>
      %dma_start3A_51 = tpu.memref_slice %arg4[%add3A_48] : memref<2621440xf32, #tpu.memory_space<hbm>> -> memref<8192xf32, #tpu.memory_space<hbm>>
      %dma_start3A_52 = tpu.memref_slice %arg4[%add3A_48] : memref<2621440xf32, #tpu.memory_space<hbm>> -> memref<8192xf32, #tpu.memory_space<hbm>>
      %dma_start3A_53 = arith.constant 8192 : i32
      %dma_start3A_54 = tpu.memref_slice %arg7[%dma_start3A_53] : memref<16384xf32, #tpu.memory_space<vmem>> -> memref<8192xf32, #tpu.memory_space<vmem>>
      tpu.enqueue_dma source(%dma_start3A_54 : memref<8192xf32, #tpu.memory_space<vmem>>) target(%dma_start3A_52 : memref<8192xf32, #tpu.memory_space<hbm>>) target_semaphore(%run_scoped3A : memref<!tpu.dma_semaphore, #tpu.memory_space<semaphore_mem>>)
      %dma_wait3A_55 = arith.constant 8192 : i32
      %dma_wait3A_56 = tpu.memref_slice %arg7[%dma_wait3A_55] : memref<16384xf32, #tpu.memory_space<vmem>> -> memref<8192xf32, #tpu.memory_space<vmem>>
      %dma_wait3A_57 = tpu.memref_slice %arg4[%add3A_48] : memref<2621440xf32, #tpu.memory_space<hbm>> -> memref<8192xf32, #tpu.memory_space<hbm>>
      %dma_wait3A_58 = tpu.memref_slice %arg4[%add3A_48] : memref<2621440xf32, #tpu.memory_space<hbm>> -> memref<8192xf32, #tpu.memory_space<hbm>>
      %dma_wait3A_59 = arith.constant 8192 : i32
      %dma_wait3A_60 = tpu.memref_slice %arg7[%dma_wait3A_59] : memref<16384xf32, #tpu.memory_space<vmem>> -> memref<8192xf32, #tpu.memory_space<vmem>>
      tpu.wait_dma2 semaphore(%run_scoped3A : memref<!tpu.dma_semaphore, #tpu.memory_space<semaphore_mem>>) src(%dma_wait3A_60 : memref<8192xf32, #tpu.memory_space<vmem>>) dst(%dma_wait3A_58 : memref<8192xf32, #tpu.memory_space<hbm>>)
      tpu.yield
    }) : () -> ()
    return
  }
}

module attributes {stable_mosaic.version = 14 : i64} {
  func.func @body(%arg0: i32, %arg1: memref<256x256xf32, #tpu.memory_space<vmem>>, %arg2: memref<1x256x1024xf32, #tpu.memory_space<vmem>>, %arg3: memref<256x1024xf32, #tpu.memory_space<vmem>>, %arg4: memref<256x1xf32, #tpu.memory_space<vmem>>, %arg5: memref<256x1024xf32, #tpu.memory_space<vmem>>) attributes {dimension_semantics = [#tpu.dimension_semantics<arbitrary>], iteration_bounds = array<i64: 10>, scalar_prefetch = 0 : i64, scratch_operands = 0 : i64, tpu.core_type = #tpu.core_type<tc>, window_params = [{pipeline_mode = #tpu.pipeline_mode<synchronous>, transform_indices = @transform_0, window_bounds = array<i64: 256, 256>}, {transform_indices = @transform_1, window_bounds = array<i64: 1, 256, 1024>}, {transform_indices = @transform_2, window_bounds = array<i64: 256, 1024>}, {pipeline_mode = #tpu.pipeline_mode<synchronous>, transform_indices = @transform_3, window_bounds = array<i64: 256, 1>}, {transform_indices = @transform_4, window_bounds = array<i64: 256, 1024>}]} {
    %get3A = arith.constant 0 : index
    %get3A_0 = arith.constant 0 : index
    %get3A_1 = vector.load %arg3[%get3A, %get3A_0] : memref<256x1024xf32, #tpu.memory_space<vmem>>, vector<256x1024xf32>
    %get3A_2 = arith.constant 0 : index
    %get3A_3 = arith.constant 0 : index
    %get3A_4 = arith.constant 0 : index
    %get3A_5 = vector.load %arg2[%get3A_2, %get3A_3, %get3A_4] : memref<1x256x1024xf32, #tpu.memory_space<vmem>>, vector<1x256x1024xf32>
    %get3A_6 = vector.shape_cast %get3A_5 : vector<1x256x1024xf32> to vector<256x1024xf32>
    %add3A = arith.addf %get3A_1, %get3A_6 : vector<256x1024xf32>
    %get3A_7 = arith.constant 0 : index
    %get3A_8 = arith.constant 0 : index
    %get3A_9 = vector.load %arg1[%get3A_7, %get3A_8] : memref<256x256xf32, #tpu.memory_space<vmem>>, vector<256x256xf32>
    %dot_general3A = arith.constant dense<0.000000e+00> : vector<256x1024xf32>
    %dot_general3A_10 = tpu.matmul %get3A_9, %add3A, %dot_general3A {dimension_numbers = #tpu.dot_dimension_numbers<[1], [0], [0], [1], [0, 0, 1, 1], [], []>, transpose_lhs_hint = false} : vector<256x256xf32>, vector<256x1024xf32>, vector<256x1024xf32> -> vector<256x1024xf32>
    %get3A_11 = arith.constant 0 : index
    %get3A_12 = arith.constant 0 : index
    %get3A_13 = vector.load %arg4[%get3A_11, %get3A_12] : memref<256x1xf32, #tpu.memory_space<vmem>>, vector<256x1xf32>
    %add3A_14 = vector.broadcast %get3A_13 : vector<256x1xf32> to vector<256x1024xf32>
    %add3A_15 = arith.addf %dot_general3A_10, %add3A_14 : vector<256x1024xf32>
    %max3A = arith.constant 0.000000e+00 : f32
    %max3A_16 = vector.broadcast %max3A : f32 to vector<256x1024xf32>
    %max3A_17 = arith.maximumf %add3A_15, %max3A_16 : vector<256x1024xf32>
    %swap3A = arith.constant 0 : index
    %swap3A_18 = arith.constant 0 : index
    %swap3A_19 = vector.load %arg5[%swap3A, %swap3A_18] : memref<256x1024xf32, #tpu.memory_space<vmem>>, vector<256x1024xf32>
    tpu.vector_store %arg5[%swap3A, %swap3A_18], %max3A_17 {strides = array<i32>} : memref<256x1024xf32, #tpu.memory_space<vmem>>, vector<256x1024xf32>,
    return
  }
  func.func @transform_0(%arg0: i32) -> (i32, i32) {
    %c0_i32 = arith.constant 0 : i32
    %c0_i32_0 = arith.constant 0 : i32
    %c0_i32_1 = arith.constant 0 : i32
    return %c0_i32, %c0_i32_0 : i32, i32
  }
  func.func @transform_1(%arg0: i32) -> (i32, i32, i32) {
    %c0_i32 = arith.constant 0 : i32
    %c0_i32_0 = arith.constant 0 : i32
    %c0_i32_1 = arith.constant 0 : i32
    return %arg0, %c0_i32, %c0_i32_0 : i32, i32, i32
  }
  func.func @transform_2(%arg0: i32) -> (i32, i32) {
    %c0_i32 = arith.constant 0 : i32
    %c0_i32_0 = arith.constant 0 : i32
    return %c0_i32, %arg0 : i32, i32
  }
  func.func @transform_3(%arg0: i32) -> (i32, i32) {
    %c0_i32 = arith.constant 0 : i32
    %c0_i32_0 = arith.constant 0 : i32
    %c0_i32_1 = arith.constant 0 : i32
    return %c0_i32, %c0_i32_0 : i32, i32
  }
  func.func @transform_4(%arg0: i32) -> (i32, i32) {
    %c0_i32 = arith.constant 0 : i32
    %c0_i32_0 = arith.constant 0 : i32
    return %c0_i32, %arg0 : i32, i32
  }
}

</mosaic_0001>

<sc_bundles>
// kernel: kernel.4.cloned.1.call-start
scs
__scs_entry_jumppad:
0x0: {  	(pc) =	sbr.rel $0x88, $3  }
0x1: {  	(tag) =	ssettag $0x0;
	lr =	simm.s32 $0x1  }
0x2: {  	[smem:$0x3F9D] =	sst lr;
	_ =	strace $0xD0000000  }
0x3: {  	_ = 	snop  }
0x4: {  	_ = 	snop  }
0x5: {  	_ = 	snop  }
0x6: {  	_ = 	snop  }
0x7: {  	_ = 	snop  }
__scs_overlays_trampoline_lowered:
0x8: {  	[smem:$0x3FAC] =	sst s0  }
0x9: {  	[smem:$0x3FAD] =	sst s1  }
0xa: {  	[smem:$0x3FAE] =	sst s2  }
0xb: {  	[smem:$0x3FAF] =	sst s3  }
0xc: {  	[smem:$0x3FB0] =	sst s4  }
0xd: {  	[smem:$0x3FB1] =	sst s5  }
0xe: {  	[smem:$0x3FB2] =	sst s6  }
0xf: {  	[smem:$0x3FB3] =	sst s7  }
0x10: {  	[smem:$0x3FB4] =	sst s8  }
0x11: {  	[smem:$0x3FB5] =	sst s9;
	s0 =	simm.s32 @!p0 $0x0  }
0x12: {  	s1 =	sld [smem:$0x3F9B];
	s0 =	simm.s32 @p0 $0x1  }
0x13: {  	[smem:$0x3FB6] =	sst s0;
	s0 =	simm.s32 @!p1 $0x0  }
0x14: {  	s2 =	sld [smem:$0x3F9A];
	s0 =	simm.s32 @p1 $0x1  }
0x15: {  	[smem:$0x3FB7] =	sst s0;
	s0 =	simm.s32 @!p2 $0x0  }
0x16: {  	s3 =	sld [smem:$0x3FDB];
	s0 =	simm.s32 @p2 $0x1  }
0x17: {  	s4 =	simm.s32 $0x1BF5;
	[smem:$0x3FB9] =	sst s0  }
0x18: {  	s0 =	sld [smem:$0x3F9C];
	_ =	swait.ge [sflag:s4], $0x0  }
0x19: {  	s7 =	sld [smem:$0x3F9D]  }
0x1a: {  	s8 =	sadd.s32 $0xFFFFE003, lr  }
0x1b: {  	s9 =	sadd.s32 $0xFFFFFEF7, lr;
	s5 =	simm.s32 $0xFFFFFFFF;
	p2 =	slt.u32 s8, $0xFFFFF086  }
0x1c: {  	p1 =	slt.u32 s9, $0xF7A;
	s5 =	simm.s32 @!p2 $0x0  }
0x1d: {  	s5 =	simm.s32 @p1 $0x1;
	p0 =	seq.s32 s7, s2  }
0x1e: {  	s7 =	smul.u32 @!p0 $0xF7A, s2;
	p2 =	seq.s32 @!p0 s5, $0x0  }
0x1f: {  	s9 =	smul.u32 $0xF7A, s1;
	s8 =	simm.s32 @!p0 $0x1BF5;
	p2 =	por !p2, p0  }
0x20: {  	[sflag:s8] =	ssyncset.s32 @!p0 $0xFFFFF086;
	s6 =	sadd.s32 @!p0 s3, s7;
	s7 =	simm.s32 @!p0 $0x108  }
0x21: {  	s3 =	sadd.s32 s3, s9;
	s6 =	sadd.s32 @!p0 $0x88, s6;
	s7 =	simm.s32 @p2 $0x1082  }
0x22: {  	[simem:s7], [sflag:s8] =	dma.local @!p0 [hbm:s6], $0xF7A  }
0x23: {  	s9 =	sor.u32 $0xD0000000, s2;
	s6 =	simm.s32 $0x108;
	_ =	swait.ge @!p0 [sflag:s8], $0x0  }
0x24: {  	s3 =	sadd.s32 $0x88, s3;
	s6 =	simm.s32 @!p1 $0x1082;
	[sflag:s4] =	ssyncset.s32 $0xFFFFF086  }
0x25: {  	[simem:s6], [sflag:s4] =	dma.local [hbm:s3], $0xF7A  }
0x26: {  	[smem:$0x3F9D] =	sst s1;
	(tag) =	ssettag s2;
	_ =	strace s9  }
0x27: {  	s1 =	sld [smem:$0x3FAD]  }
0x28: {  	s2 =	sld [smem:$0x3FAE]  }
0x29: {  	s4 =	sld [smem:$0x3FB0]  }
0x2a: {  	p0 =	seq.s32 s5, $0x0;
	s5 =	sld [smem:$0x3FB1]  }
0x2b: {  	s6 =	sld [smem:$0x3FB2]  }
0x2c: {  	s7 =	sld [smem:$0x3FB3]  }
0x2d: {  	s3 =	simm.s32 $0x108;
	s8 =	sld [smem:$0x3FB4]  }
0x2e: {  	s3 =	simm.s32 @!p0 $0x1082;
	s9 =	sld [smem:$0x3FB5]  }
0x2f: {  	lr =	sadd.s32 s0, s3;
	s0 =	sld [smem:$0x3FAC]  }
0x30: {  	s3 =	sld [smem:$0x3FAF]  }
0x31: {  	[smem:$0x3FB8] =	sst s10  }
0x32: {  	s10 =	sld [smem:$0x3FB6];
	_ =	sdelay $0x3  }
0x33: {  	p0 =	seq.s32 s10, $0x1;
	s10 =	sld [smem:$0x3FB8];
	_ =	sdelay $0x3  }
0x34: {  	[smem:$0x3FB8] =	sst s10  }
0x35: {  	s10 =	sld [smem:$0x3FB7];
	_ =	sdelay $0x3  }
0x36: {  	p1 =	seq.s32 s10, $0x1;
	s10 =	sld [smem:$0x3FB8];
	_ =	sdelay $0x3  }
0x37: {  	[smem:$0x3FB8] =	sst s10  }
0x38: {  	s10 =	sld [smem:$0x3FB9]  }
0x39: {  	_ = 	snop;
	(pc) =	sbr.ind lr, $3  }
0x3a: {  	_ = 	snop  }
0x3b: {  	_ = 	snop  }
0x3c: {  	p2 =	seq.s32 s10, $0x1;
	s10 =	sld [smem:$0x3FB8]  }
0x3d: {  	_ =	shalt  }
0x3e: {  	_ =	shalt  }
0x3f: {  	_ =	shalt  }
0x40: {  	_ =	shalt  }
0x41: {  	_ =	shalt  }
0x42: {  	_ =	shalt  }
0x43: {  	_ =	shalt  }
0x44: {  	_ =	shalt  }
0x45: {  	_ =	shalt  }
0x46: {  	_ =	shalt  }
0x47: {  	_ =	shalt  }
0x48: {  	_ =	shalt  }
0x49: {  	_ =	shalt  }
0x4a: {  	_ =	shalt  }
0x4b: {  	_ =	shalt  }
0x4c: {  	_ =	shalt  }
0x4d: {  	_ =	shalt  }
0x4e: {  	_ =	shalt  }
0x4f: {  	_ =	shalt  }
0x50: {  	_ =	shalt  }
0x51: {  	_ =	shalt  }
0x52: {  	_ =	shalt  }
0x53: {  	_ =	shalt  }
0x54: {  	_ =	shalt  }
0x55: {  	_ =	shalt  }
0x56: {  	_ =	shalt  }
0x57: {  	_ =	shalt  }
0x58: {  	_ =	shalt  }
0x59: {  	_ =	shalt  }
0x5a: {  	_ =	shalt  }
0x5b: {  	_ =	shalt  }
0x5c: {  	_ =	shalt  }
0x5d: {  	_ =	shalt  }
0x5e: {  	_ =	shalt  }
0x5f: {  	_ =	shalt  }
0x60: {  	_ =	shalt  }
0x61: {  	_ =	shalt  }
0x62: {  	_ =	shalt  }
0x63: {  	_ =	shalt  }
0x64: {  	_ =	shalt  }
0x65: {  	_ =	shalt  }
0x66: {  	_ =	shalt  }
0x67: {  	_ =	shalt  }
0x68: {  	_ =	shalt  }
0x69: {  	_ =	shalt  }
0x6a: {  	_ =	shalt  }
0x6b: {  	_ =	shalt  }
0x6c: {  	_ =	shalt  }
0x6d: {  	_ =	shalt  }
0x6e: {  	_ =	shalt  }
0x6f: {  	_ =	shalt  }
0x70: {  	_ =	shalt  }
0x71: {  	_ =	shalt  }
0x72: {  	_ =	shalt  }
0x73: {  	_ =	shalt  }
0x74: {  	_ =	shalt  }
0x75: {  	_ =	shalt  }
0x76: {  	_ =	shalt  }
0x77: {  	_ =	shalt  }
0x78: {  	_ =	shalt  }
0x79: {  	_ =	shalt  }
0x7a: {  	_ =	shalt  }
0x7b: {  	_ =	shalt  }
0x7c: {  	_ =	shalt  }
0x7d: {  	_ =	shalt  }
0x7e: {  	_ =	shalt  }
0x7f: {  	_ =	shalt  }
0x80: {  	_ =	shalt  }
0x81: {  	_ =	shalt  }
0x82: {  	_ =	shalt  }
0x83: {  	_ =	shalt  }
0x84: {  	_ =	shalt  }
0x85: {  	_ =	shalt  }
0x86: {  	_ =	shalt  }
0x87: {  	_ =	shalt  }
.Lfunc_end0:
.L_simem_size_0:
called_computation_lowered:
.L_overlay_start_0:
0x88: {  	s2 =	sld [smem:$0x3FD9]  }
0x89: {  	s3 =	sld [smem:$0x3FFE];
	_ =	sdelay $0x1  }
0x8a: {  	s1 =	srdreg.scid  }
0x8b: {  	s0 =	sand.u32 $0x1, s1  }
0x8c: {  	s17 =	sshll.u32 s0, $0xA;
	s2 =	sadd.s32 s3, s2  }
0x8d: {  	s2 =	sadd.s32 s2, s17  }
0x8e: {  	[smem:$0x3FC4] =	sst s2  }
0x8f: {  	_ = 	snop  }
0x90: {  	s2 =	sld [smem:$0x3FD0];
	(tm) =	ssettm $0x1  }
0x91: {  	s18 =	sld [smem:$0x3FFB];
	_ =	sdelay $0x3  }
0x92: {  	_ =	strace s18  }
0x93: {  	s3 =	sld [smem:$0x3FFC];
	_ =	sdelay $0x3  }
0x94: {  	_ =	strace s3  }
0x95: {  	s3 =	sld [smem:$0x3FFD];
	_ =	sdelay $0x3  }
0x96: {  	_ =	strace s3  }
0x97: {  	_ =	strace $0x8FFFFFFF  }
0x98: {  	s19 =	sld [smem:$0x3FDB];
	_ =	sdelay $0x1  }
0x99: {  	s4 =	simm.s32 $_scs_section_size  }
0x9a: {  	s5 =	simm.s32 $_size__tile_overlayer_lowered;
	s6 =	simm.s32 $_tile_overlayer_lowered  }
0x9b: {  	s22 =	simm.s32 $0x1BFF;
	s21 =	sshll.u32 s6, $0x1;
	s3 =	sadd.s32 s4, s19  }
0x9c: {  	s7 =	simm.s32 $0x0;
	s20 =	sshll.u32 s5, $0x1;
	s5 =	sadd.s32 s21, s3  }
0x9d: {  	[timem:s7], [sflag:s22] =	dma.local [hbm:s5], s20  }
0x9e: {  	_ =	swait.ge [sflag:s22], s20  }
0x9f: {  	s4 =	ssub.s32 $0x0, s20;
	[sflag:s22] =	ssyncset.done $0x0  }
0xa0: {  	[sflag:s22] =	ssyncadd.s32 s4;
	_ =	sdelay $0x1  }
0xa1: {  	s23 =	simm.s32 $0x1B8B  }
0xa2: {  	_ =	swait.ge [sflag:s23], $0x1  }
0xa3: {  	[sflag:s23] =	ssyncset.done $0x0  }
0xa4: {  	s25 =	simm.s32 $0x1B8E;
	s24 =	sld [smem:$0x3FFE];
	[sflag:s23] =	ssyncadd.s32 $0xFFFFFFFF  }
0xa5: {  	s26 =	simm.s32 $execute0_lowered;
	[smem:$0x3FD2] =	sst s25  }
0xa6: {  	s5 =	sshll.u32 s26, $0x1;
	_ =	strace $0x80000046;
	[dreg:$0x1] =	wrdreg $0xFFFFFFFF  }
0xa7: {  	s28 =	simm.s32 $_size_execute0_lowered;
	s3 =	sadd.s32 s3, s5;
	[dreg:$0x0] =	wrdreg $0x0  }
0xa8: {  	s5 =	sshll.u32 s28, $0x1;
	[dreg:$0x2] =	wrdreg s3  }
0xa9: {  	[dreg:$0x3] =	wrdreg s5  }
0xaa: {  	[dreg:$0x4] =	wrdreg $0xC0  }
0xab: {  	_ =	task [dreg:s7], $0x5FFFF  }
0xac: {  	[dreg:$0x1] =	wrdreg $0xFFFFFFFF  }
0xad: {  	[dreg:$0x0] =	wrdreg $0x60  }
0xae: {  	[dreg:$0x2] =	wrdreg s2  }
0xaf: {  	[dreg:$0x3] =	wrdreg s24  }
0xb0: {  	[dreg:$0x4] =	wrdreg $0x9  }
0xb1: {  	_ =	task.clear_ibuf [dreg:s7], $0x5FFFF;
	_ =	strace $0x90000046  }
0xb2: {  	s29 =	simm.s32 $0x9;
	_ =	strace $0x80000048  }
0xb3: {  	_ =	swait.ge [sflag:s29], $0x1  }
0xb4: {  	[sflag:s29] =	ssyncadd.s32 $0xFFFFFFFF  }
0xb5: {  	_ =	strace $0x90000048  }
0xb6: {  	_ =	sfence  }
0xb7: {  	s30 =	sld [smem:$0x0];
	_ =	sdelay $0x2  }
0xb8: {  	s31 =	sshll.u32 s1, $0xD;
	s1 =	sshrl.u32 s1, $0x2  }
0xb9: {  	s3 =	sand.u32 $0x4000, s31;
	s1 =	sadd.s32 s1, s30  }
0xba: {  	s0 =	sor.u32 s3, s0;
	s1 =	sshll.u32 s1, $0x11  }
0xbb: {  	s0 =	sor.u32 s1, s0  }
0xbc: {  	s0 =	sadd.s32 $0x8F2B, s0  }
0xbd: {  	[sflag:s0] =	ssyncadd.remote.s32 $0x1  }
0xbe: {  	_ =	sfence.sel $0xFFFF  }
0xbf: {  	[dreg:$0x0] =	wrdreg $0xFFFFFFFF;
	(pc) =	sbr.abs _section_cstart, $3  }
0xc0: {  	[dreg:$0x1] =	wrdreg $0xFFFFFFFF  }
0xc1: {  	_ =	task.clear_ibuf [dreg:s7], $0x2FFFF;
	_ =	strace $0x9FFFFFFF  }
0xc2: {  	(tm) =	ssettm $0x7FFFFFFF  }
0xc3: {  	_ =	shalt  }
tec
execute0_lowered:
.L_overlay_start_1:
0x0: {  	(tag) =	ssettag $0x1  }
0x1: {  	s4 =	rddreg [dreg:$0x0];
	v0 =	vlaneseq.u32  }
0x2: {  	s6 =	rddreg [dreg:$0x1];
	s2 =	simm.s32 $0x0;
	v53 =	vmul.u32 $0x10, v0  }
0x3: {  	[smem:$0x7FF] =	sst s2  }
0x4: {  	s0 =	rddreg [dreg:$0x2];
	_ =	strace $0x80000047;
	v51 =	vor.u32 $0x1, v53;
	[tilespmem:$0x1FFE0] =	vst v53  }
0x5: {  	s3 =	srdreg.scid;
	v52 =	vor.u32 $0x2, v53;
	[tilespmem:$0x1FF60] =	vst v51  }
0x6: {  	s1 =	stileid.u32;
	s11 =	simm.s32 $0x13880;
	s12 =	simm.s32 $0x1;
	v54 =	vor.u32 $0x3, v53;
	[tilespmem:$0x1FF70] =	vst v52  }
0x7: {  	s13 =	simm.s32 $0x17880;
	s14 =	simm.s32 $0x2;
	s15 =	simm.s32 $0x1D880;
	v55 =	vor.u32 $0x4, v53;
	[tilespmem:$0x1FF80] =	vst v54  }
0x8: {  	s16 =	simm.s32 $0x0;
	s3 =	sand.u32 $0x1, s3;
	s5 =	sshll.u32 s1, $0x1;
	v6 =	vor.u32 $0xC, v53;
	[tilespmem:$0x1FF90] =	vst v55  }
0x9: {  	v1 =	vand.u32 $0x7, v0;
	s5 =	sor.u32 s3, s5;
	s7 =	ssub.s32 $0x2, s3;
	s3 =	sadd.s32 $0xC00, s6;
	v7 =	vor.u32 $0xD, v53;
	[tilespmem:$0x1FFA0] =	vst v6  }
0xa: {  	v1 =	vmul.u32 $0x10, v1;
	s8 =	smul.u32 $0x2710, s5;
	s5 =	sshll.u32 s5, $0xA;
	s9 =	sshrl.u32 s7, $0x1;
	v8 =	vor.u32 $0xE, v53;
	[tilespmem:$0x1FFB0] =	vst v7  }
0xb: {  	v57 =	vor.u32 $0x5, v53;
	v58 =	vor.u32 $0x6, v53;
	v9 =	vor.u32 $0xF, v53;
	s10 =	sadd.s32 s5, s6;
	s9 =	ssub.s32 s7, s9;
	s5 =	sadd.s32 $0x1400, s6;
	[tilespmem:$0x1FFC0] =	vst v8  }
0xc: {  	v59 =	vor.u32 $0x7, v53;
	v60 =	vor.u32 $0x8, v53;
	v56 =	vor.u32 $0xFFFFFF80, v1;
	s6 =	sadd.s32 $0x5400, s6;
	[tilespmem:$0x1FFD0] =	vst v9;
	s4 =	sadd.s32 s4, s8;
	s7 =	sadd.s32 $0x5C00, s10  }
0xd: {  	v61 =	vor.u32 $0x9, v53;
	v62 =	vor.u32 $0xA, v53;
	v63 =	vor.u32 $0xB, v53;
	s8 =	sadd.s32 $0x4DC00, s10;
	s9 =	smax.u32 s9, $0x1;
	s10 =	simm.s32 $0x3;
	[tilespmem:$0x1FFF0] =	vst v56  }
.LBB2_1:
0xe: {  	[tilespmem:s2], [sflag:$0x3] =	stream.linear.gather [hbm4b:s4+s2], $0x13880, $0x38;
	[tilespmem:$0x1F880] =	vst v63  }
0xf: {  	_ =	swait.ge [sflag:s10], $0x13880  }
0x10: {  	[sflag:s10] =	ssyncset.done $0x0  }
0x11: {  	p0 =	por $0x0, $0x0;
	s17 =	simm.s32 $0x0;
	[sflag:s10] =	ssyncadd.s32 $0xFFFEC780  }
0x12: {  	[tilespmem:s11], [sflag:$0x1] =	stream.linear.gather [hbm4b:s3+s2], $0x4000, $0x38;
	[tilespmem:$0x1F880] =	vst v63  }
.LBB2_2:
0x13: {  	p1 =	sne.s32 s17, $0x8  }
.Ltmp0:
0x14: {  	_ = 	snop;
	(pc) =	sbr.rel @p1 .LBB2_4-.Ltmp0, $4  }
0x15: {  	_ = 	snop  }
0x16: {  	_ =	swait.ge [sflag:s12], $0x4000  }
0x17: {  	[sflag:s12] =	ssyncset.done $0x0  }
0x18: {  	s18 =	sand.u32 $0x1, s17;
	[sflag:s12] =	ssyncadd.s32 $0xFFFFC000  }
.Ltmp1:
0x19: {  	(pc) =	sbr.rel .LBB2_5-.Ltmp1, $2  }
0x1a: {  	_ =	sdelay $0x2  }
0x1b: {  	[tilespmem:s13], [sflag:$0x1] =	stream.linear.gather [hbm4b:s6+s2], $0x3100, $0x38;
	[tilespmem:$0x1F880] =	vst v63  }
.LBB2_4:
0x1c: {  	p1 =	slt.u32 s17, $0x2  }
.Ltmp2:
0x1d: {  	_ = 	snop;
	(pc) =	sbr.rel @p1 .LBB2_6-.Ltmp2, $4  }
0x1e: {  	s19 =	sshll.u32 s18, $0xE  }
0x1f: {  	s20 =	sshll.u32 s17, $0xB;
	s19 =	sxor.u32 $0x4000, s19  }
0x20: {  	s20 =	sadd.s32 s20, s5;
	s19 =	sor.u32 $0x13880, s19  }
0x21: {  	[tilespmem:s19], [sflag:$0x1] =	stream.linear.gather [hbm4b:s20+s2], $0x4000, $0x38;
	[tilespmem:$0x1F880] =	vst v63  }
.LBB2_5:
0x22: {  	_ =	swait.ge [sflag:s14], $0x2000  }
0x23: {  	[sflag:s14] =	ssyncset.done $0x0  }
0x24: {  	[sflag:s14] =	ssyncadd.s32 $0xFFFFE000  }
.LBB2_6:
0x25: {  	s19 =	simm.s32 $0x1  }
0x26: {  	s19 =	simm.s32 @!p0 $0x0  }
0x27: {  	s20 =	sshll.u32 s19, $0xE  }
0x28: {  	v17 =	vor.u32 s20, v51  }
0x29: {  	v18 =	vor.u32 s20, v52  }
0x2a: {  	v19 =	vor.u32 s20, v54  }
0x2b: {  	v20 =	vor.u32 s20, v55  }
0x2c: {  	v21 =	vor.u32 s20, v57  }
0x2d: {  	v22 =	vor.u32 s20, v60;
	v31 =	vld.idx.msk [tilespmem:v17+s11+$0x0], $0xffff  }
0x2e: {  	v26 =	vor.u32 s20, v61;
	v23 =	vld.idx.msk [tilespmem:v18+s11+$0x0], $0xffff  }
0x2f: {  	v30 =	vor.u32 s20, v62;
	v27 =	vld.idx.msk [tilespmem:v19+s11+$0x0], $0xffff  }
0x30: {  	v17 =	vor.u32 s20, v58;
	v28 =	vld.idx.msk [tilespmem:v20+s11+$0x0], $0xffff  }
0x31: {  	v18 =	vor.u32 s20, v59;
	v29 =	vld.idx.msk [tilespmem:v21+s11+$0x0], $0xffff  }
0x32: {  	v19 =	vld.idx.msk [tilespmem:v22+s11+$0x0], $0xffff;
	v22 =	vor.u32 s20, v7  }
0x33: {  	v20 =	vld.idx.msk [tilespmem:v26+s11+$0x0], $0xffff  }
0x34: {  	v21 =	vld.idx.msk [tilespmem:v30+s11+$0x0], $0xffff  }
0x35: {  	v24 =	vld.idx.msk [tilespmem:v17+s11+$0x0], $0xffff  }
0x36: {  	v25 =	vld.idx.msk [tilespmem:v18+s11+$0x0], $0xffff  }
0x37: {  	v22 =	vld.idx.msk [tilespmem:v22+s11+$0x0], $0xffff  }
0x38: {  	v10 =	vld.idx.msk [tilespmem:v23+s2+$0x0], $0xffff  }
0x39: {  	v11 =	vld.idx.msk [tilespmem:v27+s2+$0x0], $0xffff  }
0x3a: {  	v35 =	vld.idx.msk [tilespmem:v28+s2+$0x0], $0xffff  }
0x3b: {  	v17 =	vor.u32 s20, v63;
	v36 =	vld.idx.msk [tilespmem:v29+s2+$0x0], $0xffff  }
0x3c: {  	v18 =	vor.u32 s20, v6;
	v39 =	vld.idx.msk [tilespmem:v19+s2+$0x0], $0xffff  }
0x3d: {  	v32 =	vor.u32 s20, v8;
	v40 =	vld.idx.msk [tilespmem:v20+s2+$0x0], $0xffff  }
0x3e: {  	v33 =	vor.u32 s20, v9;
	v26 =	vor.u32 s20, v53;
	v41 =	vld.idx.msk [tilespmem:v21+s2+$0x0], $0xffff  }
0x3f: {  	v34 =	vand.u32 v56, v26;
	v47 =	vld.idx.msk [tilespmem:v31+s2+$0x0], $0xffff  }
0x40: {  	v30 =	vld.idx.msk [tilespmem:v17+s11+$0x0], $0xffff  }
0x41: {  	v26 =	vld.idx.msk [tilespmem:v18+s11+$0x0], $0xffff  }
0x42: {  	v18 =	vld.idx.msk [tilespmem:v32+s11+$0x0], $0xffff  }
0x43: {  	v17 =	vld.idx.msk [tilespmem:v33+s11+$0x0], $0xffff  }
0x44: {  	v32 =	vld.idx.msk [tilespmem:v34+s11+$0x0], $0xffff  }
0x45: {  	v37 =	vld.idx.msk [tilespmem:v24+s2+$0x0], $0xffff  }
0x46: {  	v38 =	vld.idx.msk [tilespmem:v25+s2+$0x0], $0xffff  }
0x47: {  	v44 =	vld.idx.msk [tilespmem:v22+s2+$0x0], $0xffff  }
0x48: {  	v42 =	vld.idx.msk [tilespmem:v30+s2+$0x0], $0xffff  }
0x49: {  	v43 =	vld.idx.msk [tilespmem:v26+s2+$0x0], $0xffff  }
0x4a: {  	v45 =	vld.idx.msk [tilespmem:v18+s2+$0x0], $0xffff  }
0x4b: {  	v46 =	vld.idx.msk [tilespmem:v17+s2+$0x0], $0xffff  }
0x4c: {  	v48 =	vld.idx.msk [tilespmem:v32+s2+$0x0], $0xffff;
	_ =	sdelay $0x1  }
0x4d: {  	v50 =	vadd.s32 $0x2710, v31;
	v33 =	vmax.f32 v10, v11  }
0x4e: {  	v12 =	vmax.f32 v35, v36;
	v14 =	vmax.f32 v39, v40;
	v13 =	vmax.f32 v37, v38  }
0x4f: {  	v49 =	vadd.s32 $0x2710, v32;
	v34 =	vmax.f32 v12, v13;
	v42 =	vmax.f32 v41, v42  }
0x50: {  	s18 =	sshll.u32 s18, $0xD;
	s31 =	simm.s32 $0x0;
	v44 =	vmax.f32 v43, v44;
	v46 =	vmax.f32 v45, v46;
	v48 =	vmax.f32 v48, v47  }
0x51: {  	s18 =	sadd.s32 $0x1B880, s18;
	s21 =	sand.u32 $0x380, s31;
	v36 =	vmax.f32 v14, v42;
	v33 =	vmax.f32 v48, v33;
	v53 =	vmax.f32 v44, v46  }
0x52: {  	s19 =	sand.u32 $0x70, s31;
	s21 =	sadd.s32 s21, s18;
	v0 =	vadd.s32 $0x2710, v23;
	v33 =	vmax.f32 v33, v34;
	v56 =	vmax.f32 v36, v53  }
0x53: {  	s19 =	sadd.s32 s19, s21;
	v1 =	vadd.s32 $0x2710, v27;
	v33 =	vmax.f32 v33, v56  }
0x54: {  	v2 =	vadd.s32 $0x2710, v28;
	[tilespmem:s19+$0x0] =	vst v33  }
0x55: {  	v4 =	vadd.s32 $0x2710, v29;
	v3 =	vld.idx.msk [tilespmem:v49+s2+$0x0], $0xffff  }
0x56: {  	v6 =	vadd.s32 $0x2710, v24;
	v5 =	vld.idx.msk [tilespmem:v50+s2+$0x0], $0xffff  }
0x57: {  	v7 =	vadd.s32 $0x2710, v25;
	v35 =	vld.idx.msk [tilespmem:v0+s2+$0x0], $0xffff  }
0x58: {  	v8 =	vadd.s32 $0x2710, v19;
	v34 =	vld.idx.msk [tilespmem:v1+s2+$0x0], $0xffff  }
0x59: {  	v9 =	vadd.s32 $0x2710, v20;
	v33 =	vld.idx.msk [tilespmem:v2+s2+$0x0], $0xffff  }
0x5a: {  	v10 =	vadd.s32 $0x2710, v21;
	v37 =	vld.idx.msk [tilespmem:v4+s2+$0x0], $0xffff  }
0x5b: {  	v11 =	vadd.s32 $0x2710, v30;
	v39 =	vld.idx.msk [tilespmem:v6+s2+$0x0], $0xffff  }
0x5c: {  	v12 =	vadd.s32 $0x2710, v26;
	v40 =	vld.idx.msk [tilespmem:v7+s2+$0x0], $0xffff  }
0x5d: {  	v13 =	vadd.s32 $0x2710, v22;
	v41 =	vld.idx.msk [tilespmem:v8+s2+$0x0], $0xffff  }
0x5e: {  	v14 =	vadd.s32 $0x2710, v18;
	v42 =	vld.idx.msk [tilespmem:v9+s2+$0x0], $0xffff  }
0x5f: {  	v53 =	vadd.s32 $0x2710, v17;
	v43 =	vld.idx.msk [tilespmem:v10+s2+$0x0], $0xffff  }
0x60: {  	v44 =	vld.idx.msk [tilespmem:v11+s2+$0x0], $0xffff  }
0x61: {  	v45 =	vld.idx.msk [tilespmem:v12+s2+$0x0], $0xffff  }
0x62: {  	v46 =	vld.idx.msk [tilespmem:v13+s2+$0x0], $0xffff  }
0x63: {  	v47 =	vld.idx.msk [tilespmem:v14+s2+$0x0], $0xffff  }
0x64: {  	v48 =	vld.idx.msk [tilespmem:v53+s2+$0x0], $0xffff;
	_ =	sdelay $0x1  }
0x65: {  	v56 =	vadd.s32 $0x4E20, v32;
	v0 =	vadd.s32 $0x4E20, v31  }
0x66: {  	v36 =	vmax.f32 v3, v5;
	v34 =	vmax.f32 v35, v34;
	v33 =	vmax.f32 v33, v37  }
0x67: {  	v1 =	vmax.f32 v39, v40;
	v2 =	vmax.f32 v41, v42;
	v3 =	vmax.f32 v43, v44  }
0x68: {  	v4 =	vmax.f32 v45, v46;
	v34 =	vmax.f32 v36, v34;
	v5 =	vmax.f32 v47, v48  }
0x69: {  	v33 =	vmax.f32 v33, v1;
	v6 =	vmax.f32 v2, v3;
	v7 =	vmax.f32 v4, v5  }
0x6a: {  	v9 =	vadd.s32 $0x4E20, v23;
	v33 =	vmax.f32 v34, v33;
	v8 =	vmax.f32 v6, v7  }
0x6b: {  	v10 =	vadd.s32 $0x4E20, v27;
	v33 =	vmax.f32 v33, v8  }
0x6c: {  	v11 =	vadd.s32 $0x4E20, v28;
	[tilespmem:s19+$0x400] =	vst v33  }
0x6d: {  	v13 =	vadd.s32 $0x4E20, v29;
	v12 =	vld.idx.msk [tilespmem:v56+s2+$0x0], $0xffff  }
0x6e: {  	v53 =	vadd.s32 $0x4E20, v24;
	v14 =	vld.idx.msk [tilespmem:v0+s2+$0x0], $0xffff  }
0x6f: {  	v1 =	vadd.s32 $0x4E20, v20;
	v35 =	vld.idx.msk [tilespmem:v9+s2+$0x0], $0xffff  }
0x70: {  	v2 =	vadd.s32 $0x4E20, v21;
	v34 =	vld.idx.msk [tilespmem:v10+s2+$0x0], $0xffff  }
0x71: {  	v3 =	vadd.s32 $0x4E20, v30;
	v33 =	vld.idx.msk [tilespmem:v11+s2+$0x0], $0xffff  }
0x72: {  	v4 =	vadd.s32 $0x4E20, v26;
	v37 =	vld.idx.msk [tilespmem:v13+s2+$0x0], $0xffff  }
0x73: {  	v5 =	vadd.s32 $0x4E20, v22;
	v39 =	vld.idx.msk [tilespmem:v53+s2+$0x0], $0xffff  }
0x74: {  	v6 =	vadd.s32 $0x4E20, v18;
	v42 =	vld.idx.msk [tilespmem:v1+s2+$0x0], $0xffff  }
0x75: {  	v7 =	vadd.s32 $0x4E20, v17;
	v43 =	vld.idx.msk [tilespmem:v2+s2+$0x0], $0xffff  }
0x76: {  	v56 =	vadd.s32 $0x4E20, v25;
	v44 =	vld.idx.msk [tilespmem:v3+s2+$0x0], $0xffff  }
0x77: {  	v0 =	vadd.s32 $0x4E20, v19;
	v45 =	vld.idx.msk [tilespmem:v4+s2+$0x0], $0xffff  }
0x78: {  	v46 =	vld.idx.msk [tilespmem:v5+s2+$0x0], $0xffff  }
0x79: {  	v47 =	vld.idx.msk [tilespmem:v6+s2+$0x0], $0xffff  }
0x7a: {  	v48 =	vld.idx.msk [tilespmem:v7+s2+$0x0], $0xffff  }
0x7b: {  	v40 =	vld.idx.msk [tilespmem:v56+s2+$0x0], $0xffff  }
0x7c: {  	v41 =	vld.idx.msk [tilespmem:v0+s2+$0x0], $0xffff;
	_ =	sdelay $0x1  }
0x7d: {  	v8 =	vadd.s32 $0x7530, v32;
	v9 =	vadd.s32 $0x7530, v31  }
0x7e: {  	v36 =	vmax.f32 v12, v14;
	v34 =	vmax.f32 v35, v34;
	v33 =	vmax.f32 v33, v37  }
0x7f: {  	v12 =	vmax.f32 v43, v44;
	v13 =	vmax.f32 v45, v46;
	v34 =	vmax.f32 v36, v34  }
0x80: {  	v14 =	vmax.f32 v47, v48;
	v10 =	vmax.f32 v39, v40;
	v11 =	vmax.f32 v41, v42  }
0x81: {  	v44 =	vmax.f32 v13, v14;
	v33 =	vmax.f32 v33, v10;
	v43 =	vmax.f32 v11, v12  }
0x82: {  	v46 =	vadd.s32 $0x7530, v23;
	v33 =	vmax.f32 v34, v33;
	v45 =	vmax.f32 v43, v44  }
0x83: {  	v47 =	vadd.s32 $0x7530, v27;
	v33 =	vmax.f32 v33, v45  }
0x84: {  	v48 =	vadd.s32 $0x7530, v28;
	[tilespmem:s19+$0x800] =	vst v33  }
0x85: {  	v56 =	vadd.s32 $0x7530, v29;
	v53 =	vld.idx.msk [tilespmem:v8+s2+$0x0], $0xffff  }
0x86: {  	v1 =	vadd.s32 $0x7530, v24;
	v0 =	vld.idx.msk [tilespmem:v9+s2+$0x0], $0xffff  }
0x87: {  	v2 =	vadd.s32 $0x7530, v25;
	v35 =	vld.idx.msk [tilespmem:v46+s2+$0x0], $0xffff  }
0x88: {  	v3 =	vadd.s32 $0x7530, v19;
	v34 =	vld.idx.msk [tilespmem:v47+s2+$0x0], $0xffff  }
0x89: {  	v4 =	vadd.s32 $0x7530, v20;
	v33 =	vld.idx.msk [tilespmem:v48+s2+$0x0], $0xffff  }
0x8a: {  	v5 =	vadd.s32 $0x7530, v21;
	v37 =	vld.idx.msk [tilespmem:v56+s2+$0x0], $0xffff  }
0x8b: {  	v6 =	vadd.s32 $0x7530, v30;
	v39 =	vld.idx.msk [tilespmem:v1+s2+$0x0], $0xffff  }
0x8c: {  	v7 =	vadd.s32 $0x7530, v26;
	v40 =	vld.idx.msk [tilespmem:v2+s2+$0x0], $0xffff  }
0x8d: {  	v10 =	vadd.s32 $0x7530, v17;
	v41 =	vld.idx.msk [tilespmem:v3+s2+$0x0], $0xffff  }
0x8e: {  	v8 =	vadd.s32 $0x7530, v22;
	v42 =	vld.idx.msk [tilespmem:v4+s2+$0x0], $0xffff  }
0x8f: {  	v9 =	vadd.s32 $0x7530, v18;
	v43 =	vld.idx.msk [tilespmem:v5+s2+$0x0], $0xffff  }
0x90: {  	v44 =	vld.idx.msk [tilespmem:v6+s2+$0x0], $0xffff  }
0x91: {  	v45 =	vld.idx.msk [tilespmem:v7+s2+$0x0], $0xffff  }
0x92: {  	v48 =	vld.idx.msk [tilespmem:v10+s2+$0x0], $0xffff  }
0x93: {  	v46 =	vld.idx.msk [tilespmem:v8+s2+$0x0], $0xffff  }
0x94: {  	v47 =	vld.idx.msk [tilespmem:v9+s2+$0x0], $0xffff;
	_ =	sdelay $0x1  }
0x95: {  	v11 =	vadd.s32 $0x9C40, v32;
	v12 =	vadd.s32 $0x9C40, v31  }
0x96: {  	v36 =	vmax.f32 v53, v0;
	v34 =	vmax.f32 v35, v34;
	v33 =	vmax.f32 v33, v37  }
0x97: {  	v13 =	vmax.f32 v39, v40;
	v14 =	vmax.f32 v41, v42;
	v44 =	vmax.f32 v43, v44  }
0x98: {  	v34 =	vmax.f32 v36, v34;
	v45 =	vmax.f32 v45, v46;
	v46 =	vmax.f32 v47, v48  }
0x99: {  	v33 =	vmax.f32 v33, v13;
	v47 =	vmax.f32 v14, v44;
	v48 =	vmax.f32 v45, v46  }
0x9a: {  	v56 =	vadd.s32 $0x9C40, v23;
	v33 =	vmax.f32 v34, v33;
	v53 =	vmax.f32 v47, v48  }
0x9b: {  	v33 =	vmax.f32 v33, v53  }
0x9c: {  	[tilespmem:s19+$0xC00] =	vst v33  }
0x9d: {  	v36 =	vld.idx.msk [tilespmem:v11+s2+$0x0], $0xffff  }
0x9e: {  	v40 =	vadd.s32 $0x9C40, v27;
	v35 =	vadd.s32 $0x9C40, v28;
	v37 =	vld.idx.msk [tilespmem:v12+s2+$0x0], $0xffff  }
0x9f: {  	s21 =	simm.s32 $0x10;
	v39 =	vadd.s32 $0x9C40, v29;
	v34 =	vadd.s32 $0x9C40, v25;
	v33 =	vadd.s32 $0x9C40, v24;
	v38 =	vld.idx.msk [tilespmem:v56+s2+$0x0], $0xffff  }
.LBB2_7:
0xa0: {  	_ =	sdelay $0x2  }
0xa1: {  	v40 =	vld.idx.msk [tilespmem:v40+s2+$0x0], $0xffff;
	v41 =	vadd.s32 $0x9C40, v19  }
0xa2: {  	v43 =	vld.idx.msk [tilespmem:v35+s2+$0x0], $0xffff;
	v56 =	vadd.s32 $0x9C40, v20  }
0xa3: {  	v39 =	vld.idx.msk [tilespmem:v39+s2+$0x0], $0xffff;
	v42 =	vadd.s32 $0x9C40, v21  }
0xa4: {  	v44 =	vld.idx.msk [tilespmem:v33+s2+$0x0], $0xffff;
	v0 =	vadd.s32 $0x9C40, v30  }
0xa5: {  	v45 =	vld.idx.msk [tilespmem:v34+s2+$0x0], $0xffff;
	v1 =	vadd.s32 $0x9C40, v26  }
0xa6: {  	v46 =	vadd.s32 $0x9C40, v22;
	v41 =	vld.idx.msk [tilespmem:v41+s2+$0x0], $0xffff  }
0xa7: {  	v2 =	vadd.s32 $0x9C40, v18;
	v47 =	vld.idx.msk [tilespmem:v56+s2+$0x0], $0xffff  }
0xa8: {  	v3 =	vadd.s32 $0x9C40, v17;
	s20 =	sadd.s32 $0x100, s20;
	v48 =	vld.idx.msk [tilespmem:v42+s2+$0x0], $0xffff  }
0xa9: {  	v49 =	vor.u32 s20, v51;
	v50 =	vld.idx.msk [tilespmem:v0+s2+$0x0], $0xffff  }
0xaa: {  	v4 =	vor.u32 s20, v52;
	v51 =	vld.idx.msk [tilespmem:v1+s2+$0x0], $0xffff  }
0xab: {  	v5 =	vor.u32 s20, v54;
	v46 =	vld.idx.msk [tilespmem:v46+s2+$0x0], $0xffff  }
0xac: {  	v6 =	vor.u32 s20, v55;
	v53 =	vld.idx.msk [tilespmem:v2+s2+$0x0], $0xffff  }
0xad: {  	v7 =	vor.u32 s20, v57;
	v55 =	vld.idx.msk [tilespmem:v3+s2+$0x0], $0xffff  }
0xae: {  	v42 =	vld.idx.msk [tilespmem:v49+s11+$0x0], $0xffff  }
0xaf: {  	v0 =	vor.u32 s20, v58;
	v33 =	vld.idx.msk [tilespmem:v4+s11+$0x0], $0xffff  }
0xb0: {  	v56 =	vor.u32 s20, v59;
	v1 =	vor.u32 s20, v60;
	v2 =	vor.u32 s20, v61;
	v34 =	vld.idx.msk [tilespmem:v5+s11+$0x0], $0xffff  }
0xb1: {  	v3 =	vor.u32 s20, v62;
	v38 =	vmax.f32 v38, v40;
	v39 =	vmax.f32 v43, v39;
	v35 =	vld.idx.msk [tilespmem:v6+s11+$0x0], $0xffff  }
0xb2: {  	v4 =	vadd.s32 $0xC350, v32;
	v5 =	vadd.s32 $0xC350, v31;
	v6 =	vmax.f32 v36, v37;
	v36 =	vld.idx.msk [tilespmem:v7+s11+$0x0], $0xffff  }
0xb3: {  	v7 =	vmax.f32 v44, v45;
	v49 =	vld [tilespmem:$0x1FFC0];
	v41 =	vmax.f32 v41, v47;
	v50 =	vmax.f32 v48, v50  }
0xb4: {  	v37 =	vld.idx.msk [tilespmem:v0+s11+$0x0], $0xffff;
	v51 =	vmax.f32 v51, v46;
	v53 =	vmax.f32 v53, v55;
	v54 =	vmax.f32 v6, v38  }
0xb5: {  	v38 =	vld.idx.msk [tilespmem:v56+s11+$0x0], $0xffff;
	v40 =	vmax.f32 v39, v7;
	v41 =	vmax.f32 v41, v50;
	v55 =	vmax.f32 v51, v53  }
0xb6: {  	v16 =	vmovc v57;
	v57 =	vadd.s32 $0xC350, v23;
	v39 =	vld.idx.msk [tilespmem:v1+s11+$0x0], $0xffff;
	v56 =	vmax.f32 v54, v40;
	v41 =	vmax.f32 v41, v55  }
0xb7: {  	v10 =	vmov v58;
	v58 =	vadd.s32 $0xC350, v27;
	v40 =	vld.idx.msk [tilespmem:v2+s11+$0x0], $0xffff;
	v44 =	vmax.f32 v56, v41  }
0xb8: {  	v11 =	vmov v59;
	v59 =	vadd.s32 $0xC350, v28;
	v41 =	vld.idx.msk [tilespmem:v3+s11+$0x0], $0xffff;
	[tilespmem:s19+$0x1000] =	vst v44  }
0xb9: {  	v12 =	vmov v60;
	v60 =	vadd.s32 $0xC350, v29;
	v46 =	vld.idx.msk [tilespmem:v4+s2+$0x0], $0xffff  }
0xba: {  	v13 =	vmov v61;
	v61 =	vadd.s32 $0xC350, v24;
	v50 =	vld.idx.msk [tilespmem:v5+s2+$0x0], $0xffff  }
0xbb: {  	v0 =	vadd.s32 $0xC350, v25;
	v43 =	vld.idx.msk [tilespmem:v57+s2+$0x0], $0xffff  }
0xbc: {  	v1 =	vadd.s32 $0xC350, v19;
	v51 =	vld.idx.msk [tilespmem:v58+s2+$0x0], $0xffff  }
0xbd: {  	v6 =	vadd.s32 $0xC350, v30;
	v52 =	vld.idx.msk [tilespmem:v59+s2+$0x0], $0xffff  }
0xbe: {  	v47 =	vld.idx.msk [tilespmem:v60+s2+$0x0], $0xffff  }
0xbf: {  	v7 =	vadd.s32 $0xC350, v26;
	v54 =	vld.idx.msk [tilespmem:v61+s2+$0x0], $0xffff  }
0xc0: {  	v55 =	vld.idx.msk [tilespmem:v0+s2+$0x0], $0xffff  }
0xc1: {  	v56 =	vld.idx.msk [tilespmem:v1+s2+$0x0], $0xffff  }
0xc2: {  	v2 =	vadd.s32 $0xC350, v20;
	v60 =	vld.idx.msk [tilespmem:v6+s2+$0x0], $0xffff  }
0xc3: {  	v0 =	vld [tilespmem:$0x1FFA0]  }
0xc4: {  	v3 =	vadd.s32 $0xC350, v21;
	v61 =	vld.idx.msk [tilespmem:v7+s2+$0x0], $0xffff  }
0xc5: {  	v6 =	vld [tilespmem:$0x1FFB0]  }
0xc6: {  	v4 =	vadd.s32 $0xC350, v22;
	v1 =	vld [tilespmem:$0x1FFE0]  }
0xc7: {  	v5 =	vadd.s32 $0xC350, v18;
	v57 =	vld.idx.msk [tilespmem:v2+s2+$0x0], $0xffff  }
0xc8: {  	v58 =	vadd.s32 $0xC350, v17;
	v2 =	vld [tilespmem:$0x1FFF0]  }
0xc9: {  	v59 =	vor.u32 s20, v63;
	v53 =	vld.idx.msk [tilespmem:v3+s2+$0x0], $0xffff  }
0xca: {  	v7 =	vor.u32 s20, v6;
	v6 =	vld [tilespmem:$0x1FFD0]  }
0xcb: {  	v15 =	vmov v63;
	v48 =	vor.u32 s20, v0;
	v63 =	vld.idx.msk [tilespmem:v4+s2+$0x0], $0xffff  }
0xcc: {  	v0 =	vld.idx.msk [tilespmem:v5+s2+$0x0], $0xffff  }
0xcd: {  	v4 =	vor.u32 s20, v49;
	v5 =	vor.u32 s20, v1;
	v58 =	vld.idx.msk [tilespmem:v58+s2+$0x0], $0xffff  }
0xce: {  	v49 =	vld.idx.msk [tilespmem:v59+s11+$0x0], $0xffff;
	v50 =	vmax.f32 v46, v50;
	v43 =	vmax.f32 v43, v51;
	v2 =	vand.u32 v2, v5  }
0xcf: {  	v50 =	vmax.f32 v50, v43;
	v43 =	vld.idx.msk [tilespmem:v33+s2+$0x0], $0xffff;
	v1 =	vor.u32 s20, v6  }
0xd0: {  	v48 =	vld.idx.msk [tilespmem:v48+s11+$0x0], $0xffff  }
0xd1: {  	v14 =	vmov v62;
	v62 =	vadd.s32 $0xEA60, v31;
	v59 =	vadd.s32 $0xEA60, v32;
	v44 =	vld.idx.msk [tilespmem:v7+s11+$0x0], $0xffff  }
0xd2: {  	v47 =	vmax.f32 v52, v47;
	v5 =	vmax.f32 v53, v60;
	v45 =	vld.idx.msk [tilespmem:v4+s11+$0x0], $0xffff;
	v7 =	vmax.f32 v54, v55  }
0xd3: {  	v4 =	vmax.f32 v56, v57;
	v6 =	vmax.f32 v61, v63;
	v0 =	vmax.f32 v0, v58;
	v2 =	vld.idx.msk [tilespmem:v2+s11+$0x0], $0xffff  }
0xd4: {  	v51 =	vmax.f32 v4, v5;
	v0 =	vmax.f32 v6, v0;
	v46 =	vld.idx.msk [tilespmem:v1+s11+$0x0], $0xffff;
	v1 =	vmax.f32 v47, v7  }
0xd5: {  	v60 =	vadd.s32 $0xEA60, v27;
	v0 =	vmax.f32 v51, v0;
	v51 =	vld.idx.msk [tilespmem:v36+s2+$0x0], $0xffff;
	v1 =	vmax.f32 v50, v1  }
0xd6: {  	v61 =	vadd.s32 $0xEA60, v28;
	v47 =	vld.idx.msk [tilespmem:v34+s2+$0x0], $0xffff;
	v0 =	vmax.f32 v1, v0  }
0xd7: {  	v63 =	vadd.s32 $0xEA60, v29;
	v50 =	vld.idx.msk [tilespmem:v35+s2+$0x0], $0xffff;
	[tilespmem:s19+$0x1400] =	vst v0  }
0xd8: {  	v56 =	vadd.s32 $0xEA60, v24;
	v53 =	vld.idx.msk [tilespmem:v59+s2+$0x0], $0xffff  }
0xd9: {  	v4 =	vadd.s32 $0xEA60, v25;
	v55 =	vld.idx.msk [tilespmem:v62+s2+$0x0], $0xffff  }
0xda: {  	v5 =	vadd.s32 $0xEA60, v19;
	v1 =	vld.idx.msk [tilespmem:v60+s2+$0x0], $0xffff  }
0xdb: {  	v6 =	vadd.s32 $0xEA60, v20;
	v0 =	vld.idx.msk [tilespmem:v61+s2+$0x0], $0xffff  }
0xdc: {  	v3 =	vadd.s32 $0xEA60, v18;
	v54 =	vld.idx.msk [tilespmem:v63+s2+$0x0], $0xffff  }
0xdd: {  	v56 =	vld.idx.msk [tilespmem:v56+s2+$0x0], $0xffff  }
0xde: {  	v7 =	vadd.s32 $0xEA60, v23;
	v57 =	vld.idx.msk [tilespmem:v4+s2+$0x0], $0xffff  }
0xdf: {  	v61 =	vadd.s32 $0xEA60, v30;
	v58 =	vld.idx.msk [tilespmem:v5+s2+$0x0], $0xffff  }
0xe0: {  	v62 =	vadd.s32 $0xEA60, v26;
	v59 =	vld.idx.msk [tilespmem:v6+s2+$0x0], $0xffff  }
0xe1: {  	v63 =	vadd.s32 $0xEA60, v22;
	v3 =	vld.idx.msk [tilespmem:v3+s2+$0x0], $0xffff  }
0xe2: {  	v4 =	vadd.s32 $0xEA60, v17;
	v5 =	vld.idx.msk [tilespmem:v37+s2+$0x0], $0xffff  }
0xe3: {  	v52 =	vld.idx.msk [tilespmem:v7+s2+$0x0], $0xffff;
	v7 =	vadd.s32 $0xEA60, v21  }
0xe4: {  	v61 =	vld.idx.msk [tilespmem:v61+s2+$0x0], $0xffff  }
0xe5: {  	v62 =	vld.idx.msk [tilespmem:v62+s2+$0x0], $0xffff  }
0xe6: {  	v63 =	vld.idx.msk [tilespmem:v63+s2+$0x0], $0xffff  }
0xe7: {  	v4 =	vld.idx.msk [tilespmem:v4+s2+$0x0], $0xffff  }
0xe8: {  	v60 =	vld.idx.msk [tilespmem:v7+s2+$0x0], $0xffff  }
0xe9: {  	v6 =	vld.idx.msk [tilespmem:v38+s2+$0x0], $0xffff  }
0xea: {  	v8 =	vadd.s32 $0x11170, v32;
	v9 =	vadd.s32 $0x11170, v31;
	v31 =	vmovc v42;
	v32 =	vmov v2;
	v2 =	vld.idx.msk [tilespmem:v40+s2+$0x0], $0xffff  }
0xeb: {  	v42 =	vmax.f32 v53, v55;
	v0 =	vmax.f32 v0, v54;
	v53 =	vmax.f32 v56, v57;
	v56 =	vld.idx.msk [tilespmem:v49+s2+$0x0], $0xffff  }
0xec: {  	v54 =	vmax.f32 v58, v59;
	v7 =	vld.idx.msk [tilespmem:v39+s2+$0x0], $0xffff;
	v1 =	vmax.f32 v52, v1;
	v0 =	vmax.f32 v0, v53  }
0xed: {  	v52 =	vld.idx.msk [tilespmem:v41+s2+$0x0], $0xffff;
	v57 =	vmax.f32 v62, v63;
	v3 =	vmax.f32 v3, v4;
	v55 =	vmax.f32 v60, v61  }
0xee: {  	v53 =	vld.idx.msk [tilespmem:v44+s2+$0x0], $0xffff;
	v1 =	vmax.f32 v42, v1;
	v3 =	vmax.f32 v57, v3;
	v42 =	vmax.f32 v54, v55  }
0xef: {  	v0 =	vmax.f32 v1, v0;
	v1 =	vadd.s32 $0x11170, v27;
	v27 =	vmovc v34;
	v34 =	vld.idx.msk [tilespmem:v46+s2+$0x0], $0xffff;
	v42 =	vmax.f32 v42, v3  }
0xf0: {  	v4 =	vld.idx.msk [tilespmem:v48+s2+$0x0], $0xffff;
	v0 =	vmax.f32 v0, v42  }
0xf1: {  	v54 =	vadd.s32 $0x11170, v28;
	v3 =	vadd.s32 $0x11170, v23;
	v23 =	vmov v33;
	v33 =	vld.idx.msk [tilespmem:v45+s2+$0x0], $0xffff;
	[tilespmem:s19+$0x1800] =	vst v0  }
0xf2: {  	v8 =	vld.idx.msk [tilespmem:v8+s2+$0x0], $0xffff  }
0xf3: {  	v42 =	vadd.s32 $0x11170, v29;
	v9 =	vld.idx.msk [tilespmem:v9+s2+$0x0], $0xffff  }
0xf4: {  	v29 =	vmov v36;
	v36 =	vadd.s32 $0x11170, v24;
	v1 =	vld.idx.msk [tilespmem:v1+s2+$0x0], $0xffff  }
0xf5: {  	v5 =	vmax.f32 v5, v6;
	v24 =	vmov v37;
	v37 =	vadd.s32 $0x11170, v25;
	v6 =	vld.idx.msk [tilespmem:v32+s2+$0x0], $0xffff  }
0xf6: {  	v25 =	vmov v38;
	v38 =	vadd.s32 $0x11170, v19;
	v0 =	vld.idx.msk [tilespmem:v54+s2+$0x0], $0xffff  }
0xf7: {  	v19 =	vmov v39;
	v39 =	vadd.s32 $0x11170, v20;
	v3 =	vld.idx.msk [tilespmem:v3+s2+$0x0], $0xffff  }
0xf8: {  	v28 =	vmov v35;
	v54 =	vadd.s32 $0x11170, v21;
	v35 =	vld.idx.msk [tilespmem:v42+s2+$0x0], $0xffff  }
0xf9: {  	v21 =	vmov v41;
	v41 =	vadd.s32 $0x11170, v30;
	v36 =	vld.idx.msk [tilespmem:v36+s2+$0x0], $0xffff  }
0xfa: {  	v30 =	vmov v49;
	v49 =	vadd.s32 $0x11170, v18;
	v37 =	vld.idx.msk [tilespmem:v37+s2+$0x0], $0xffff  }
0xfb: {  	v42 =	vadd.s32 $0x11170, v26;
	v38 =	vld.idx.msk [tilespmem:v38+s2+$0x0], $0xffff  }
0xfc: {  	v26 =	vmov v48;
	v48 =	vadd.s32 $0x11170, v22;
	v39 =	vld.idx.msk [tilespmem:v39+s2+$0x0], $0xffff  }
0xfd: {  	v20 =	vmov v40;
	v40 =	vld.idx.msk [tilespmem:v54+s2+$0x0], $0xffff;
	v54 =	vadd.s32 $0x11170, v17  }
0xfe: {  	v41 =	vld.idx.msk [tilespmem:v41+s2+$0x0], $0xffff  }
0xff: {  	v43 =	vmax.f32 v43, v47;
	v22 =	vmov v44;
	v44 =	vld.idx.msk [tilespmem:v49+s2+$0x0], $0xffff  }
0x100: {  	v47 =	vmax.f32 v50, v51;
	v2 =	vmax.f32 v7, v2;
	v50 =	vmax.f32 v52, v56;
	v42 =	vld.idx.msk [tilespmem:v42+s2+$0x0], $0xffff  }
0x101: {  	v4 =	vmax.f32 v4, v53;
	v33 =	vmax.f32 v33, v34;
	v17 =	vmov v46;
	v46 =	vld.idx.msk [tilespmem:v48+s2+$0x0], $0xffff  }
0x102: {  	v2 =	vmax.f32 v2, v50;
	v18 =	vmov v45;
	v4 =	vmax.f32 v4, v33;
	v45 =	vld.idx.msk [tilespmem:v54+s2+$0x0], $0xffff  }
0x103: {  	v5 =	vmax.f32 v47, v5;
	v2 =	vmax.f32 v2, v4;
	v54 =	vld.idx.msk [tilespmem:v31+s2+$0x0], $0xffff  }
0x104: {  	v56 =	vmax.f32 v8, v9;
	v49 =	vadd.s32 $0x2710, v31;
	v1 =	vmax.f32 v3, v1  }
0x105: {  	v48 =	vadd.s32 $0x2710, v32;
	v0 =	vmax.f32 v0, v35;
	v37 =	vmax.f32 v36, v37  }
0x106: {  	v8 =	vmax.f32 v38, v39;
	v1 =	vmax.f32 v56, v1;
	v0 =	vmax.f32 v0, v37  }
0x107: {  	v9 =	vmax.f32 v40, v41;
	v38 =	vmax.f32 v42, v46;
	v39 =	vmax.f32 v44, v45  }
0x108: {  	v40 =	vmax.f32 v8, v9;
	v6 =	vmax.f32 v6, v54;
	v41 =	vmax.f32 v38, v39  }
0x109: {  	s22 =	sand.u32 $0x380, s21;
	v0 =	vmax.f32 v1, v0;
	v43 =	vmax.f32 v6, v43;
	v42 =	vmax.f32 v40, v41  }
0x10a: {  	s23 =	sand.u32 $0x70, s21;
	s22 =	sadd.s32 s22, s18;
	v45 =	vadd.s32 $0x2710, v23;
	v44 =	vmax.f32 v43, v5;
	v0 =	vmax.f32 v0, v42  }
0x10b: {  	v47 =	vadd.s32 $0x2710, v27;
	v46 =	vmax.f32 v44, v2;
	[tilespmem:s19+$0x1C00] =	vst v0;
	s19 =	sadd.s32 s23, s22  }
0x10c: {  	v50 =	vadd.s32 $0x2710, v28;
	[tilespmem:s19+$0x0] =	vst v46  }
0x10d: {  	v53 =	vadd.s32 $0x2710, v29;
	v2 =	vld.idx.msk [tilespmem:v48+s2+$0x0], $0xffff  }
0x10e: {  	v8 =	vadd.s32 $0x2710, v19;
	v56 =	vld.idx.msk [tilespmem:v49+s2+$0x0], $0xffff  }
0x10f: {  	v9 =	vadd.s32 $0x2710, v20;
	v3 =	vld.idx.msk [tilespmem:v45+s2+$0x0], $0xffff  }
0x110: {  	v43 =	vadd.s32 $0x2710, v24;
	v1 =	vld.idx.msk [tilespmem:v47+s2+$0x0], $0xffff  }
0x111: {  	v44 =	vadd.s32 $0x2710, v25;
	v0 =	vld.idx.msk [tilespmem:v50+s2+$0x0], $0xffff  }
0x112: {  	v46 =	vadd.s32 $0x2710, v30;
	v4 =	vld.idx.msk [tilespmem:v53+s2+$0x0], $0xffff  }
0x113: {  	v45 =	vadd.s32 $0x2710, v21;
	v8 =	vld.idx.msk [tilespmem:v8+s2+$0x0], $0xffff  }
0x114: {  	v47 =	vadd.s32 $0x2710, v26;
	v9 =	vld.idx.msk [tilespmem:v9+s2+$0x0], $0xffff  }
0x115: {  	v48 =	vadd.s32 $0x2710, v22;
	v6 =	vld.idx.msk [tilespmem:v43+s2+$0x0], $0xffff  }
0x116: {  	v49 =	vadd.s32 $0x2710, v18;
	v7 =	vld.idx.msk [tilespmem:v44+s2+$0x0], $0xffff  }
0x117: {  	v50 =	vadd.s32 $0x2710, v17;
	v34 =	vld.idx.msk [tilespmem:v46+s2+$0x0], $0xffff  }
0x118: {  	v33 =	vld.idx.msk [tilespmem:v45+s2+$0x0], $0xffff  }
0x119: {  	v35 =	vld.idx.msk [tilespmem:v47+s2+$0x0], $0xffff  }
0x11a: {  	v36 =	vld.idx.msk [tilespmem:v48+s2+$0x0], $0xffff  }
0x11b: {  	v37 =	vld.idx.msk [tilespmem:v49+s2+$0x0], $0xffff  }
0x11c: {  	v38 =	vld.idx.msk [tilespmem:v50+s2+$0x0], $0xffff;
	_ =	sdelay $0x1  }
0x11d: {  	v40 =	vadd.s32 $0x4E20, v31;
	v53 =	vadd.s32 $0x4E20, v32  }
0x11e: {  	v2 =	vmax.f32 v2, v56;
	v1 =	vmax.f32 v3, v1;
	v0 =	vmax.f32 v0, v4  }
0x11f: {  	v41 =	vmax.f32 v8, v9;
	v1 =	vmax.f32 v2, v1;
	v56 =	vmax.f32 v6, v7  }
0x120: {  	v42 =	vmax.f32 v33, v34;
	v43 =	vmax.f32 v35, v36;
	v44 =	vmax.f32 v37, v38  }
0x121: {  	v0 =	vmax.f32 v0, v56;
	v45 =	vmax.f32 v41, v42;
	v46 =	vmax.f32 v43, v44  }
0x122: {  	v48 =	vadd.s32 $0x4E20, v23;
	v0 =	vmax.f32 v1, v0;
	v47 =	vmax.f32 v45, v46  }
0x123: {  	v49 =	vadd.s32 $0x4E20, v27;
	v0 =	vmax.f32 v0, v47  }
0x124: {  	v50 =	vadd.s32 $0x4E20, v28;
	[tilespmem:s19+$0x400] =	vst v0  }
0x125: {  	v8 =	vadd.s32 $0x4E20, v19;
	v3 =	vld.idx.msk [tilespmem:v53+s2+$0x0], $0xffff  }
0x126: {  	v9 =	vadd.s32 $0x4E20, v20;
	v56 =	vld.idx.msk [tilespmem:v40+s2+$0x0], $0xffff  }
0x127: {  	v41 =	vadd.s32 $0x4E20, v24;
	v2 =	vld.idx.msk [tilespmem:v48+s2+$0x0], $0xffff  }
0x128: {  	v42 =	vadd.s32 $0x4E20, v25;
	v1 =	vld.idx.msk [tilespmem:v49+s2+$0x0], $0xffff  }
0x129: {  	v43 =	vadd.s32 $0x4E20, v21;
	v0 =	vld.idx.msk [tilespmem:v50+s2+$0x0], $0xffff  }
0x12a: {  	v44 =	vadd.s32 $0x4E20, v30;
	v8 =	vld.idx.msk [tilespmem:v8+s2+$0x0], $0xffff  }
0x12b: {  	v45 =	vadd.s32 $0x4E20, v26;
	v9 =	vld.idx.msk [tilespmem:v9+s2+$0x0], $0xffff  }
0x12c: {  	v46 =	vadd.s32 $0x4E20, v22;
	v6 =	vld.idx.msk [tilespmem:v41+s2+$0x0], $0xffff  }
0x12d: {  	v47 =	vadd.s32 $0x4E20, v18;
	v7 =	vld.idx.msk [tilespmem:v42+s2+$0x0], $0xffff  }
0x12e: {  	v53 =	vadd.s32 $0x4E20, v29;
	v33 =	vld.idx.msk [tilespmem:v43+s2+$0x0], $0xffff  }
0x12f: {  	v48 =	vadd.s32 $0x4E20, v17;
	v34 =	vld.idx.msk [tilespmem:v44+s2+$0x0], $0xffff  }
0x130: {  	v35 =	vld.idx.msk [tilespmem:v45+s2+$0x0], $0xffff  }
0x131: {  	v36 =	vld.idx.msk [tilespmem:v46+s2+$0x0], $0xffff  }
0x132: {  	v37 =	vld.idx.msk [tilespmem:v47+s2+$0x0], $0xffff  }
0x133: {  	v4 =	vld.idx.msk [tilespmem:v53+s2+$0x0], $0xffff  }
0x134: {  	v38 =	vld.idx.msk [tilespmem:v48+s2+$0x0], $0xffff;
	_ =	sdelay $0x1  }
0x135: {  	v49 =	vadd.s32 $0x7530, v32;
	v50 =	vadd.s32 $0x7530, v31  }
0x136: {  	v3 =	vmax.f32 v3, v56;
	v1 =	vmax.f32 v2, v1;
	v56 =	vmax.f32 v8, v9  }
0x137: {  	v53 =	vmax.f32 v6, v7;
	v34 =	vmax.f32 v33, v34;
	v1 =	vmax.f32 v3, v1  }
0x138: {  	v36 =	vmax.f32 v35, v36;
	v0 =	vmax.f32 v0, v4;
	v37 =	vmax.f32 v37, v38  }
0x139: {  	v38 =	vmax.f32 v56, v34;
	v0 =	vmax.f32 v0, v53;
	v41 =	vmax.f32 v36, v37  }
0x13a: {  	v43 =	vadd.s32 $0x7530, v23;
	v0 =	vmax.f32 v1, v0;
	v42 =	vmax.f32 v38, v41  }
0x13b: {  	v44 =	vadd.s32 $0x7530, v27;
	v0 =	vmax.f32 v0, v42  }
0x13c: {  	v45 =	vadd.s32 $0x7530, v28;
	[tilespmem:s19+$0x800] =	vst v0  }
0x13d: {  	v47 =	vadd.s32 $0x7530, v29;
	v46 =	vld.idx.msk [tilespmem:v49+s2+$0x0], $0xffff  }
0x13e: {  	v8 =	vadd.s32 $0x7530, v19;
	v48 =	vld.idx.msk [tilespmem:v50+s2+$0x0], $0xffff  }
0x13f: {  	v9 =	vadd.s32 $0x7530, v20;
	v2 =	vld.idx.msk [tilespmem:v43+s2+$0x0], $0xffff  }
0x140: {  	v56 =	vadd.s32 $0x7530, v30;
	v1 =	vld.idx.msk [tilespmem:v44+s2+$0x0], $0xffff  }
0x141: {  	v40 =	vadd.s32 $0x7530, v26;
	v0 =	vld.idx.msk [tilespmem:v45+s2+$0x0], $0xffff  }
0x142: {  	v53 =	vadd.s32 $0x7530, v21;
	v4 =	vld.idx.msk [tilespmem:v47+s2+$0x0], $0xffff  }
0x143: {  	v41 =	vadd.s32 $0x7530, v22;
	v8 =	vld.idx.msk [tilespmem:v8+s2+$0x0], $0xffff  }
0x144: {  	v42 =	vadd.s32 $0x7530, v18;
	v9 =	vld.idx.msk [tilespmem:v9+s2+$0x0], $0xffff  }
0x145: {  	v49 =	vadd.s32 $0x7530, v24;
	v34 =	vld.idx.msk [tilespmem:v56+s2+$0x0], $0xffff  }
0x146: {  	v50 =	vadd.s32 $0x7530, v25;
	v35 =	vld.idx.msk [tilespmem:v40+s2+$0x0], $0xffff  }
0x147: {  	v43 =	vadd.s32 $0x7530, v17;
	v33 =	vld.idx.msk [tilespmem:v53+s2+$0x0], $0xffff  }
0x148: {  	v36 =	vld.idx.msk [tilespmem:v41+s2+$0x0], $0xffff  }
0x149: {  	v37 =	vld.idx.msk [tilespmem:v42+s2+$0x0], $0xffff  }
0x14a: {  	v6 =	vld.idx.msk [tilespmem:v49+s2+$0x0], $0xffff  }
0x14b: {  	v7 =	vld.idx.msk [tilespmem:v50+s2+$0x0], $0xffff  }
0x14c: {  	v38 =	vld.idx.msk [tilespmem:v43+s2+$0x0], $0xffff;
	_ =	sdelay $0x1  }
0x14d: {  	v39 =	vadd.s32 $0x9C40, v32;
	v41 =	vadd.s32 $0x9C40, v31  }
0x14e: {  	v3 =	vmax.f32 v46, v48;
	v1 =	vmax.f32 v2, v1;
	v0 =	vmax.f32 v0, v4  }
0x14f: {  	v45 =	vmax.f32 v8, v9;
	v46 =	vmax.f32 v33, v34;
	v1 =	vmax.f32 v3, v1  }
0x150: {  	v47 =	vmax.f32 v35, v36;
	v44 =	vmax.f32 v6, v7;
	v48 =	vmax.f32 v37, v38  }
0x151: {  	v51 =	vld [tilespmem:$0x1FF60];
	v49 =	vmax.f32 v45, v46;
	v0 =	vmax.f32 v0, v44;
	v50 =	vmax.f32 v47, v48  }
0x152: {  	p1 =	sne.s32 s21, $0x3F0;
	v52 =	vld [tilespmem:$0x1FF70];
	v56 =	vadd.s32 $0x9C40, v23;
	v0 =	vmax.f32 v1, v0;
	v53 =	vmax.f32 v49, v50  }
.Ltmp3:
0x153: {  	v55 =	vld [tilespmem:$0x1FF90];
	v0 =	vmax.f32 v0, v53;
	(pc) =	sbr.rel @p1 .LBB2_7-.Ltmp3, $4  }
0x154: {  	v54 =	vld [tilespmem:$0x1FF80];
	[tilespmem:s19+$0xC00] =	vst v0  }
0x155: {  	v59 =	vmov v11;
	v58 =	vmov v10;
	v36 =	vld.idx.msk [tilespmem:v39+s2+$0x0], $0xffff  }
0x156: {  	v63 =	vmovc v15;
	v62 =	vmovc v14;
	v61 =	vmov v13;
	v40 =	vadd.s32 $0x9C40, v27;
	v33 =	vadd.s32 $0x9C40, v24;
	v37 =	vld.idx.msk [tilespmem:v41+s2+$0x0], $0xffff  }
0x157: {  	s21 =	sadd.s32 $0x10, s21;
	v60 =	vmovc v12;
	v57 =	vmovc v16;
	v34 =	vadd.s32 $0x9C40, v25;
	v35 =	vadd.s32 $0x9C40, v28;
	v39 =	vadd.s32 $0x9C40, v29;
	v38 =	vld.idx.msk [tilespmem:v56+s2+$0x0], $0xffff  }
0x158: {  	_ =	sdelay $0x3  }
0x159: {  	v0 =	vld.idx.msk [tilespmem:v40+s2+$0x0], $0xffff;
	v1 =	vadd.s32 $0x9C40, v19  }
0x15a: {  	v2 =	vld.idx.msk [tilespmem:v35+s2+$0x0], $0xffff;
	v3 =	vadd.s32 $0x9C40, v20  }
0x15b: {  	v4 =	vld.idx.msk [tilespmem:v39+s2+$0x0], $0xffff;
	v5 =	vadd.s32 $0x9C40, v21  }
0x15c: {  	v6 =	vld.idx.msk [tilespmem:v33+s2+$0x0], $0xffff;
	v7 =	vadd.s32 $0x9C40, v30  }
0x15d: {  	v8 =	vld.idx.msk [tilespmem:v34+s2+$0x0], $0xffff;
	v9 =	vadd.s32 $0x9C40, v26  }
0x15e: {  	v42 =	vadd.s32 $0x9C40, v22;
	v1 =	vld.idx.msk [tilespmem:v1+s2+$0x0], $0xffff  }
0x15f: {  	v43 =	vadd.s32 $0x9C40, v18;
	v3 =	vld.idx.msk [tilespmem:v3+s2+$0x0], $0xffff  }
0x160: {  	v44 =	vadd.s32 $0x9C40, v17;
	v5 =	vld.idx.msk [tilespmem:v5+s2+$0x0], $0xffff  }
0x161: {  	v7 =	vld.idx.msk [tilespmem:v7+s2+$0x0], $0xffff  }
0x162: {  	v9 =	vld.idx.msk [tilespmem:v9+s2+$0x0], $0xffff  }
0x163: {  	v33 =	vld.idx.msk [tilespmem:v42+s2+$0x0], $0xffff  }
0x164: {  	v34 =	vld.idx.msk [tilespmem:v43+s2+$0x0], $0xffff  }
0x165: {  	v35 =	vld.idx.msk [tilespmem:v44+s2+$0x0], $0xffff;
	_ =	sdelay $0x1  }
0x166: {  	v45 =	vadd.s32 $0xC350, v32;
	v46 =	vadd.s32 $0xC350, v31  }
0x167: {  	v36 =	vmax.f32 v36, v37;
	v0 =	vmax.f32 v38, v0;
	v2 =	vmax.f32 v2, v4  }
0x168: {  	v4 =	vmax.f32 v6, v8;
	v0 =	vmax.f32 v36, v0;
	v1 =	vmax.f32 v1, v3  }
0x169: {  	v47 =	vmax.f32 v5, v7;
	v5 =	vmax.f32 v9, v33;
	v6 =	vmax.f32 v34, v35  }
0x16a: {  	v2 =	vmax.f32 v2, v4;
	v1 =	vmax.f32 v1, v47;
	v48 =	vmax.f32 v5, v6  }
0x16b: {  	v49 =	vadd.s32 $0xC350, v23;
	v0 =	vmax.f32 v0, v2;
	v1 =	vmax.f32 v1, v48  }
0x16c: {  	v50 =	vadd.s32 $0xC350, v27;
	v0 =	vmax.f32 v0, v1  }
0x16d: {  	v53 =	vadd.s32 $0xC350, v28;
	[tilespmem:s19+$0x1000] =	vst v0  }
0x16e: {  	v4 =	vadd.s32 $0xC350, v29;
	v56 =	vld.idx.msk [tilespmem:v45+s2+$0x0], $0xffff  }
0x16f: {  	v7 =	vadd.s32 $0xC350, v25;
	v5 =	vld.idx.msk [tilespmem:v46+s2+$0x0], $0xffff  }
0x170: {  	v8 =	vadd.s32 $0xC350, v19;
	v2 =	vld.idx.msk [tilespmem:v49+s2+$0x0], $0xffff  }
0x171: {  	v9 =	vadd.s32 $0xC350, v20;
	v1 =	vld.idx.msk [tilespmem:v50+s2+$0x0], $0xffff  }
0x172: {  	v44 =	vadd.s32 $0xC350, v21;
	v0 =	vld.idx.msk [tilespmem:v53+s2+$0x0], $0xffff  }
0x173: {  	v6 =	vadd.s32 $0xC350, v24;
	v4 =	vld.idx.msk [tilespmem:v4+s2+$0x0], $0xffff  }
0x174: {  	v47 =	vadd.s32 $0xC350, v22;
	v7 =	vld.idx.msk [tilespmem:v7+s2+$0x0], $0xffff  }
0x175: {  	v48 =	vadd.s32 $0xC350, v18;
	v8 =	vld.idx.msk [tilespmem:v8+s2+$0x0], $0xffff  }
0x176: {  	v45 =	vadd.s32 $0xC350, v30;
	v9 =	vld.idx.msk [tilespmem:v9+s2+$0x0], $0xffff  }
0x177: {  	v46 =	vadd.s32 $0xC350, v26;
	v33 =	vld.idx.msk [tilespmem:v44+s2+$0x0], $0xffff  }
0x178: {  	v49 =	vadd.s32 $0xC350, v17;
	v6 =	vld.idx.msk [tilespmem:v6+s2+$0x0], $0xffff  }
0x179: {  	v36 =	vld.idx.msk [tilespmem:v47+s2+$0x0], $0xffff  }
0x17a: {  	v37 =	vld.idx.msk [tilespmem:v48+s2+$0x0], $0xffff  }
0x17b: {  	v34 =	vld.idx.msk [tilespmem:v45+s2+$0x0], $0xffff  }
0x17c: {  	v35 =	vld.idx.msk [tilespmem:v46+s2+$0x0], $0xffff  }
0x17d: {  	v38 =	vld.idx.msk [tilespmem:v49+s2+$0x0], $0xffff;
	_ =	sdelay $0x1  }
0x17e: {  	v50 =	vadd.s32 $0xEA60, v32;
	v53 =	vadd.s32 $0xEA60, v31  }
0x17f: {  	v3 =	vmax.f32 v56, v5;
	v1 =	vmax.f32 v2, v1;
	v0 =	vmax.f32 v0, v4  }
0x180: {  	v4 =	vmax.f32 v8, v9;
	v56 =	vmax.f32 v6, v7;
	v1 =	vmax.f32 v3, v1  }
0x181: {  	v5 =	vmax.f32 v33, v34;
	v6 =	vmax.f32 v35, v36;
	v7 =	vmax.f32 v37, v38  }
0x182: {  	v0 =	vmax.f32 v0, v56;
	v35 =	vmax.f32 v4, v5;
	v36 =	vmax.f32 v6, v7  }
0x183: {  	v0 =	vmax.f32 v1, v0;
	v38 =	vadd.s32 $0xEA60, v23;
	v37 =	vmax.f32 v35, v36  }
0x184: {  	v41 =	vadd.s32 $0xEA60, v27;
	v0 =	vmax.f32 v0, v37  }
0x185: {  	v42 =	vadd.s32 $0xEA60, v28;
	[tilespmem:s19+$0x1400] =	vst v0  }
0x186: {  	v8 =	vadd.s32 $0xEA60, v19;
	v43 =	vld.idx.msk [tilespmem:v50+s2+$0x0], $0xffff  }
0x187: {  	v9 =	vadd.s32 $0xEA60, v20;
	v5 =	vld.idx.msk [tilespmem:v53+s2+$0x0], $0xffff  }
0x188: {  	v44 =	vadd.s32 $0xEA60, v21;
	v2 =	vld.idx.msk [tilespmem:v38+s2+$0x0], $0xffff  }
0x189: {  	v45 =	vadd.s32 $0xEA60, v30;
	v1 =	vld.idx.msk [tilespmem:v41+s2+$0x0], $0xffff  }
0x18a: {  	v46 =	vadd.s32 $0xEA60, v26;
	v0 =	vld.idx.msk [tilespmem:v42+s2+$0x0], $0xffff  }
0x18b: {  	v47 =	vadd.s32 $0xEA60, v22;
	v8 =	vld.idx.msk [tilespmem:v8+s2+$0x0], $0xffff  }
0x18c: {  	v48 =	vadd.s32 $0xEA60, v18;
	v9 =	vld.idx.msk [tilespmem:v9+s2+$0x0], $0xffff  }
0x18d: {  	v4 =	vadd.s32 $0xEA60, v29;
	v33 =	vld.idx.msk [tilespmem:v44+s2+$0x0], $0xffff  }
0x18e: {  	v6 =	vadd.s32 $0xEA60, v24;
	v34 =	vld.idx.msk [tilespmem:v45+s2+$0x0], $0xffff  }
0x18f: {  	v7 =	vadd.s32 $0xEA60, v25;
	v35 =	vld.idx.msk [tilespmem:v46+s2+$0x0], $0xffff  }
0x190: {  	v49 =	vadd.s32 $0xEA60, v17;
	v36 =	vld.idx.msk [tilespmem:v47+s2+$0x0], $0xffff  }
0x191: {  	v37 =	vld.idx.msk [tilespmem:v48+s2+$0x0], $0xffff  }
0x192: {  	v4 =	vld.idx.msk [tilespmem:v4+s2+$0x0], $0xffff  }
0x193: {  	v6 =	vld.idx.msk [tilespmem:v6+s2+$0x0], $0xffff  }
0x194: {  	v7 =	vld.idx.msk [tilespmem:v7+s2+$0x0], $0xffff  }
0x195: {  	v38 =	vld.idx.msk [tilespmem:v49+s2+$0x0], $0xffff;
	_ =	sdelay $0x1  }
0x196: {  	v50 =	vadd.s32 $0x11170, v32;
	v53 =	vadd.s32 $0x11170, v31  }
0x197: {  	v3 =	vmax.f32 v43, v5;
	v1 =	vmax.f32 v2, v1;
	v5 =	vmax.f32 v33, v34  }
0x198: {  	v0 =	vmax.f32 v0, v4;
	v56 =	vmax.f32 v6, v7;
	v4 =	vmax.f32 v8, v9  }
0x199: {  	v6 =	vmax.f32 v35, v36;
	v7 =	vmax.f32 v37, v38;
	v1 =	vmax.f32 v3, v1  }
0x19a: {  	v0 =	vmax.f32 v0, v56;
	v39 =	vmax.f32 v4, v5;
	v40 =	vmax.f32 v6, v7  }
0x19b: {  	v42 =	vadd.s32 $0x11170, v23;
	v0 =	vmax.f32 v1, v0;
	v41 =	vmax.f32 v39, v40  }
0x19c: {  	v43 =	vadd.s32 $0x11170, v27;
	v0 =	vmax.f32 v0, v41  }
0x19d: {  	v44 =	vadd.s32 $0x11170, v28;
	[tilespmem:s19+$0x1800] =	vst v0  }
0x19e: {  	v8 =	vadd.s32 $0x11170, v19;
	v45 =	vld.idx.msk [tilespmem:v50+s2+$0x0], $0xffff  }
0x19f: {  	v9 =	vadd.s32 $0x11170, v20;
	v5 =	vld.idx.msk [tilespmem:v53+s2+$0x0], $0xffff  }
0x1a0: {  	v19 =	vadd.s32 $0x11170, v21;
	v2 =	vld.idx.msk [tilespmem:v42+s2+$0x0], $0xffff  }
0x1a1: {  	v46 =	vadd.s32 $0x11170, v30;
	v1 =	vld.idx.msk [tilespmem:v43+s2+$0x0], $0xffff  }
0x1a2: {  	v47 =	vadd.s32 $0x11170, v26;
	v0 =	vld.idx.msk [tilespmem:v44+s2+$0x0], $0xffff  }
0x1a3: {  	v48 =	vadd.s32 $0x11170, v22;
	v8 =	vld.idx.msk [tilespmem:v8+s2+$0x0], $0xffff  }
0x1a4: {  	v18 =	vadd.s32 $0x11170, v18;
	v9 =	vld.idx.msk [tilespmem:v9+s2+$0x0], $0xffff  }
0x1a5: {  	v4 =	vadd.s32 $0x11170, v29;
	v19 =	vld.idx.msk [tilespmem:v19+s2+$0x0], $0xffff  }
0x1a6: {  	v6 =	vadd.s32 $0x11170, v24;
	v20 =	vld.idx.msk [tilespmem:v46+s2+$0x0], $0xffff  }
0x1a7: {  	v7 =	vadd.s32 $0x11170, v25;
	v21 =	vld.idx.msk [tilespmem:v47+s2+$0x0], $0xffff  }
0x1a8: {  	v17 =	vadd.s32 $0x11170, v17;
	v22 =	vld.idx.msk [tilespmem:v48+s2+$0x0], $0xffff  }
0x1a9: {  	v18 =	vld.idx.msk [tilespmem:v18+s2+$0x0], $0xffff  }
0x1aa: {  	v4 =	vld.idx.msk [tilespmem:v4+s2+$0x0], $0xffff  }
0x1ab: {  	v6 =	vld.idx.msk [tilespmem:v6+s2+$0x0], $0xffff  }
0x1ac: {  	v7 =	vld.idx.msk [tilespmem:v7+s2+$0x0], $0xffff  }
0x1ad: {  	v17 =	vld.idx.msk [tilespmem:v17+s2+$0x0], $0xffff;
	_ =	sdelay $0x2  }
0x1ae: {  	v3 =	vmax.f32 v45, v5;
	v1 =	vmax.f32 v2, v1;
	v5 =	vmax.f32 v19, v20  }
0x1af: {  	v0 =	vmax.f32 v0, v4;
	v49 =	vmax.f32 v6, v7;
	v4 =	vmax.f32 v8, v9  }
0x1b0: {  	v6 =	vmax.f32 v21, v22;
	v7 =	vmax.f32 v18, v17;
	v1 =	vmax.f32 v3, v1  }
0x1b1: {  	v0 =	vmax.f32 v0, v49;
	v50 =	vmax.f32 v4, v5;
	v53 =	vmax.f32 v6, v7  }
0x1b2: {  	v0 =	vmax.f32 v1, v0;
	v56 =	vmax.f32 v50, v53  }
0x1b3: {  	v0 =	vmax.f32 v0, v56  }
0x1b4: {  	s20 =	sshll.u32 s17, $0xF;
	s17 =	sadd.s32 $0x1, s17;
	[tilespmem:s19+$0x1C00] =	vst v0  }
0x1b5: {  	p1 =	sne.s32 s17, $0x9;
	v53 =	vld [tilespmem:$0x1FFE0]  }
.Ltmp4:
0x1b6: {  	v56 =	vld [tilespmem:$0x1FFF0];
	(pc) =	sbr.rel @p1 .LBB2_2-.Ltmp4, $4  }
0x1b7: {  	v6 =	vld [tilespmem:$0x1FFA0]  }
0x1b8: {  	v7 =	vld [tilespmem:$0x1FFB0]  }
0x1b9: {  	p0 =	por !p0, !p0;
	s31 =	sadd.s32 s20, s7;
	v8 =	vld [tilespmem:$0x1FFC0]  }
0x1ba: {  	[hbm4b:s31+s2] =	stream.linear.scatter [tilespmem:s18], [sflag:$0x2], $0x2000, $0x38;
	v9 =	vld [tilespmem:$0x1FFD0]  }
0x1bb: {  	_ =	swait.ge [sflag:s12], $0x3100  }
0x1bc: {  	[sflag:s12] =	ssyncset.done $0x0  }
0x1bd: {  	[sflag:s12] =	ssyncadd.s32 $0xFFFFCF00  }
0x1be: {  	s17 =	simm.s32 $0x4000;
	_ =	swait.ge [sflag:s14], $0x2000  }
0x1bf: {  	v0 =	vor.u32 s17, v51;
	[sflag:s14] =	ssyncset.done $0x0  }
0x1c0: {  	v1 =	vor.u32 s17, v52;
	[sflag:s14] =	ssyncadd.s32 $0xFFFFE000  }
0x1c1: {  	v2 =	vor.u32 s17, v54;
	_ =	swait.ge [sflag:s14], $0x2000  }
0x1c2: {  	v3 =	vor.u32 s17, v55;
	[sflag:s14] =	ssyncset.done $0x0  }
0x1c3: {  	v4 =	vor.u32 s17, v57;
	[sflag:s14] =	ssyncadd.s32 $0xFFFFE000  }
0x1c4: {  	v37 =	vor.u32 s17, v58;
	v31 =	vld.idx.msk [tilespmem:v0+s11+$0x0], $0xffff  }
0x1c5: {  	v38 =	vor.u32 s17, v59;
	v23 =	vld.idx.msk [tilespmem:v1+s11+$0x0], $0xffff  }
0x1c6: {  	v5 =	vor.u32 s17, v60;
	v27 =	vld.idx.msk [tilespmem:v2+s11+$0x0], $0xffff  }
0x1c7: {  	v39 =	vor.u32 s17, v61;
	v28 =	vld.idx.msk [tilespmem:v3+s11+$0x0], $0xffff  }
0x1c8: {  	v40 =	vor.u32 s17, v62;
	v29 =	vld.idx.msk [tilespmem:v4+s11+$0x0], $0xffff  }
0x1c9: {  	v41 =	vor.u32 s17, v63;
	v24 =	vld.idx.msk [tilespmem:v37+s11+$0x0], $0xffff  }
0x1ca: {  	v42 =	vor.u32 s17, v6;
	v25 =	vld.idx.msk [tilespmem:v38+s11+$0x0], $0xffff  }
0x1cb: {  	v43 =	vor.u32 s17, v7;
	v19 =	vld.idx.msk [tilespmem:v5+s11+$0x0], $0xffff  }
0x1cc: {  	v44 =	vor.u32 s17, v8;
	v20 =	vld.idx.msk [tilespmem:v39+s11+$0x0], $0xffff  }
0x1cd: {  	v45 =	vor.u32 s17, v53;
	v46 =	vor.u32 s17, v9;
	v21 =	vld.idx.msk [tilespmem:v40+s11+$0x0], $0xffff  }
0x1ce: {  	v3 =	vand.u32 v56, v45;
	v30 =	vld.idx.msk [tilespmem:v41+s11+$0x0], $0xffff  }
0x1cf: {  	v26 =	vld.idx.msk [tilespmem:v42+s11+$0x0], $0xffff  }
0x1d0: {  	v22 =	vld.idx.msk [tilespmem:v43+s11+$0x0], $0xffff  }
0x1d1: {  	v18 =	vld.idx.msk [tilespmem:v44+s11+$0x0], $0xffff  }
0x1d2: {  	v17 =	vld.idx.msk [tilespmem:v46+s11+$0x0], $0xffff  }
0x1d3: {  	v32 =	vld.idx.msk [tilespmem:v3+s11+$0x0], $0xffff  }
0x1d4: {  	v0 =	vld.idx.msk [tilespmem:v23+s2+$0x0], $0xffff  }
0x1d5: {  	v47 =	vld.idx.msk [tilespmem:v27+s2+$0x0], $0xffff  }
0x1d6: {  	v48 =	vld.idx.msk [tilespmem:v28+s2+$0x0], $0xffff  }
0x1d7: {  	v49 =	vld.idx.msk [tilespmem:v29+s2+$0x0], $0xffff  }
0x1d8: {  	v50 =	vld.idx.msk [tilespmem:v24+s2+$0x0], $0xffff  }
0x1d9: {  	v44 =	vld.idx.msk [tilespmem:v25+s2+$0x0], $0xffff  }
0x1da: {  	v45 =	vld.idx.msk [tilespmem:v19+s2+$0x0], $0xffff  }
0x1db: {  	v46 =	vld.idx.msk [tilespmem:v20+s2+$0x0], $0xffff  }
0x1dc: {  	v8 =	vld.idx.msk [tilespmem:v21+s2+$0x0], $0xffff  }
0x1dd: {  	v9 =	vld.idx.msk [tilespmem:v30+s2+$0x0], $0xffff  }
0x1de: {  	v33 =	vld.idx.msk [tilespmem:v26+s2+$0x0], $0xffff  }
0x1df: {  	v34 =	vld.idx.msk [tilespmem:v22+s2+$0x0], $0xffff  }
0x1e0: {  	v35 =	vld.idx.msk [tilespmem:v18+s2+$0x0], $0xffff  }
0x1e1: {  	v36 =	vld.idx.msk [tilespmem:v17+s2+$0x0], $0xffff  }
0x1e2: {  	v37 =	vld.idx.msk [tilespmem:v31+s2+$0x0], $0xffff  }
0x1e3: {  	v38 =	vld.idx.msk [tilespmem:v32+s2+$0x0], $0xffff;
	_ =	sdelay $0x1  }
0x1e4: {  	v40 =	vadd.s32 $0x2710, v31;
	v39 =	vadd.s32 $0x2710, v32  }
0x1e5: {  	v0 =	vmax.f32 v0, v47;
	v47 =	vmax.f32 v48, v49;
	v48 =	vmax.f32 v50, v44  }
0x1e6: {  	v49 =	vmax.f32 v45, v46;
	v50 =	vmax.f32 v8, v9;
	v41 =	vmax.f32 v33, v34  }
0x1e7: {  	v42 =	vmax.f32 v35, v36;
	v1 =	vmax.f32 v47, v48;
	v43 =	vmax.f32 v38, v37  }
0x1e8: {  	v3 =	vmax.f32 v49, v50;
	v44 =	vmax.f32 v41, v42;
	v0 =	vmax.f32 v43, v0  }
0x1e9: {  	s18 =	simm.s32 $0x0;
	v46 =	vadd.s32 $0x2710, v23;
	v45 =	vmax.f32 v3, v44;
	v0 =	vmax.f32 v0, v1  }
0x1ea: {  	s17 =	sand.u32 $0x3F0, s18;
	v47 =	vadd.s32 $0x2710, v27;
	v0 =	vmax.f32 v0, v45  }
0x1eb: {  	v48 =	vadd.s32 $0x2710, v28;
	[tilespmem:s17+$0x1D880] =	vst v0  }
0x1ec: {  	v49 =	vadd.s32 $0x2710, v29;
	v3 =	vld.idx.msk [tilespmem:v39+s2+$0x0], $0xffff  }
0x1ed: {  	v41 =	vadd.s32 $0x2710, v25;
	v50 =	vld.idx.msk [tilespmem:v40+s2+$0x0], $0xffff  }
0x1ee: {  	v8 =	vadd.s32 $0x2710, v19;
	v2 =	vld.idx.msk [tilespmem:v46+s2+$0x0], $0xffff  }
0x1ef: {  	v9 =	vadd.s32 $0x2710, v20;
	v1 =	vld.idx.msk [tilespmem:v47+s2+$0x0], $0xffff  }
0x1f0: {  	v42 =	vadd.s32 $0x2710, v21;
	v0 =	vld.idx.msk [tilespmem:v48+s2+$0x0], $0xffff  }
0x1f1: {  	v44 =	vadd.s32 $0x2710, v26;
	v4 =	vld.idx.msk [tilespmem:v49+s2+$0x0], $0xffff  }
0x1f2: {  	v43 =	vadd.s32 $0x2710, v30;
	v7 =	vld.idx.msk [tilespmem:v41+s2+$0x0], $0xffff  }
0x1f3: {  	v45 =	vadd.s32 $0x2710, v22;
	v8 =	vld.idx.msk [tilespmem:v8+s2+$0x0], $0xffff  }
0x1f4: {  	v40 =	vadd.s32 $0x2710, v24;
	v9 =	vld.idx.msk [tilespmem:v9+s2+$0x0], $0xffff  }
0x1f5: {  	v46 =	vadd.s32 $0x2710, v18;
	v33 =	vld.idx.msk [tilespmem:v42+s2+$0x0], $0xffff  }
0x1f6: {  	v47 =	vadd.s32 $0x2710, v17;
	v35 =	vld.idx.msk [tilespmem:v44+s2+$0x0], $0xffff  }
0x1f7: {  	v34 =	vld.idx.msk [tilespmem:v43+s2+$0x0], $0xffff  }
0x1f8: {  	v36 =	vld.idx.msk [tilespmem:v45+s2+$0x0], $0xffff  }
0x1f9: {  	v6 =	vld.idx.msk [tilespmem:v40+s2+$0x0], $0xffff  }
0x1fa: {  	v37 =	vld.idx.msk [tilespmem:v46+s2+$0x0], $0xffff  }
0x1fb: {  	v38 =	vld.idx.msk [tilespmem:v47+s2+$0x0], $0xffff;
	_ =	sdelay $0x1  }
0x1fc: {  	v48 =	vadd.s32 $0x4E20, v32;
	v40 =	vadd.s32 $0x4E20, v31  }
0x1fd: {  	v3 =	vmax.f32 v3, v50;
	v1 =	vmax.f32 v2, v1;
	v0 =	vmax.f32 v0, v4  }
0x1fe: {  	v50 =	vmax.f32 v8, v9;
	v34 =	vmax.f32 v33, v34;
	v1 =	vmax.f32 v3, v1  }
0x1ff: {  	v36 =	vmax.f32 v35, v36;
	v49 =	vmax.f32 v6, v7;
	v41 =	vmax.f32 v37, v38  }
0x200: {  	v42 =	vmax.f32 v50, v34;
	v0 =	vmax.f32 v0, v49;
	v43 =	vmax.f32 v36, v41  }
0x201: {  	v45 =	vadd.s32 $0x4E20, v23;
	v0 =	vmax.f32 v1, v0;
	v44 =	vmax.f32 v42, v43  }
0x202: {  	v46 =	vadd.s32 $0x4E20, v27;
	v0 =	vmax.f32 v0, v44  }
0x203: {  	v47 =	vadd.s32 $0x4E20, v28;
	[tilespmem:s17+$0x1DC80] =	vst v0  }
0x204: {  	v38 =	vadd.s32 $0x4E20, v24;
	v48 =	vld.idx.msk [tilespmem:v48+s2+$0x0], $0xffff  }
0x205: {  	v39 =	vadd.s32 $0x4E20, v25;
	v50 =	vld.idx.msk [tilespmem:v40+s2+$0x0], $0xffff  }
0x206: {  	v8 =	vadd.s32 $0x4E20, v19;
	v2 =	vld.idx.msk [tilespmem:v45+s2+$0x0], $0xffff  }
0x207: {  	v9 =	vadd.s32 $0x4E20, v20;
	v1 =	vld.idx.msk [tilespmem:v46+s2+$0x0], $0xffff  }
0x208: {  	v49 =	vadd.s32 $0x4E20, v29;
	v0 =	vld.idx.msk [tilespmem:v47+s2+$0x0], $0xffff  }
0x209: {  	v41 =	vadd.s32 $0x4E20, v30;
	v6 =	vld.idx.msk [tilespmem:v38+s2+$0x0], $0xffff  }
0x20a: {  	v42 =	vadd.s32 $0x4E20, v26;
	v7 =	vld.idx.msk [tilespmem:v39+s2+$0x0], $0xffff  }
0x20b: {  	v43 =	vadd.s32 $0x4E20, v22;
	v8 =	vld.idx.msk [tilespmem:v8+s2+$0x0], $0xffff  }
0x20c: {  	v44 =	vadd.s32 $0x4E20, v18;
	v9 =	vld.idx.msk [tilespmem:v9+s2+$0x0], $0xffff  }
0x20d: {  	v40 =	vadd.s32 $0x4E20, v21;
	v4 =	vld.idx.msk [tilespmem:v49+s2+$0x0], $0xffff  }
0x20e: {  	v45 =	vadd.s32 $0x4E20, v17;
	v34 =	vld.idx.msk [tilespmem:v41+s2+$0x0], $0xffff  }
0x20f: {  	v35 =	vld.idx.msk [tilespmem:v42+s2+$0x0], $0xffff  }
0x210: {  	v36 =	vld.idx.msk [tilespmem:v43+s2+$0x0], $0xffff  }
0x211: {  	v37 =	vld.idx.msk [tilespmem:v44+s2+$0x0], $0xffff  }
0x212: {  	v33 =	vld.idx.msk [tilespmem:v40+s2+$0x0], $0xffff  }
0x213: {  	v38 =	vld.idx.msk [tilespmem:v45+s2+$0x0], $0xffff;
	_ =	sdelay $0x1  }
0x214: {  	v46 =	vadd.s32 $0x7530, v32;
	v47 =	vadd.s32 $0x7530, v31  }
0x215: {  	v3 =	vmax.f32 v48, v50;
	v1 =	vmax.f32 v2, v1;
	v48 =	vmax.f32 v6, v7  }
0x216: {  	v49 =	vmax.f32 v8, v9;
	v0 =	vmax.f32 v0, v4;
	v1 =	vmax.f32 v3, v1  }
0x217: {  	v50 =	vmax.f32 v33, v34;
	v33 =	vmax.f32 v35, v36;
	v34 =	vmax.f32 v37, v38  }
0x218: {  	v0 =	vmax.f32 v0, v48;
	v35 =	vmax.f32 v49, v50;
	v36 =	vmax.f32 v33, v34  }
0x219: {  	v0 =	vmax.f32 v1, v0;
	v38 =	vadd.s32 $0x7530, v23;
	v37 =	vmax.f32 v35, v36  }
0x21a: {  	v41 =	vadd.s32 $0x7530, v27;
	v0 =	vmax.f32 v0, v37  }
0x21b: {  	v42 =	vadd.s32 $0x7530, v28;
	[tilespmem:s17+$0x1E080] =	vst v0  }
0x21c: {  	v43 =	vadd.s32 $0x7530, v29;
	v3 =	vld.idx.msk [tilespmem:v46+s2+$0x0], $0xffff  }
0x21d: {  	v45 =	vadd.s32 $0x7530, v24;
	v44 =	vld.idx.msk [tilespmem:v47+s2+$0x0], $0xffff  }
0x21e: {  	v8 =	vadd.s32 $0x7530, v19;
	v2 =	vld.idx.msk [tilespmem:v38+s2+$0x0], $0xffff  }
0x21f: {  	v9 =	vadd.s32 $0x7530, v20;
	v1 =	vld.idx.msk [tilespmem:v41+s2+$0x0], $0xffff  }
0x220: {  	v48 =	vadd.s32 $0x7530, v30;
	v0 =	vld.idx.msk [tilespmem:v42+s2+$0x0], $0xffff  }
0x221: {  	v40 =	vadd.s32 $0x7530, v18;
	v4 =	vld.idx.msk [tilespmem:v43+s2+$0x0], $0xffff  }
0x222: {  	v49 =	vadd.s32 $0x7530, v26;
	v6 =	vld.idx.msk [tilespmem:v45+s2+$0x0], $0xffff  }
0x223: {  	v50 =	vadd.s32 $0x7530, v22;
	v8 =	vld.idx.msk [tilespmem:v8+s2+$0x0], $0xffff  }
0x224: {  	v46 =	vadd.s32 $0x7530, v25;
	v9 =	vld.idx.msk [tilespmem:v9+s2+$0x0], $0xffff  }
0x225: {  	v47 =	vadd.s32 $0x7530, v21;
	v34 =	vld.idx.msk [tilespmem:v48+s2+$0x0], $0xffff  }
0x226: {  	v41 =	vadd.s32 $0x7530, v17;
	v37 =	vld.idx.msk [tilespmem:v40+s2+$0x0], $0xffff  }
0x227: {  	v35 =	vld.idx.msk [tilespmem:v49+s2+$0x0], $0xffff  }
0x228: {  	v36 =	vld.idx.msk [tilespmem:v50+s2+$0x0], $0xffff  }
0x229: {  	v7 =	vld.idx.msk [tilespmem:v46+s2+$0x0], $0xffff  }
0x22a: {  	v33 =	vld.idx.msk [tilespmem:v47+s2+$0x0], $0xffff  }
0x22b: {  	v38 =	vld.idx.msk [tilespmem:v41+s2+$0x0], $0xffff;
	_ =	sdelay $0x1  }
0x22c: {  	v39 =	vadd.s32 $0x9C40, v32;
	v41 =	vadd.s32 $0x9C40, v31  }
0x22d: {  	v3 =	vmax.f32 v3, v44;
	v1 =	vmax.f32 v2, v1;
	v0 =	vmax.f32 v0, v4  }
0x22e: {  	v43 =	vmax.f32 v8, v9;
	v45 =	vmax.f32 v35, v36;
	v1 =	vmax.f32 v3, v1  }
0x22f: {  	v42 =	vmax.f32 v6, v7;
	v44 =	vmax.f32 v33, v34;
	v46 =	vmax.f32 v37, v38  }
0x230: {  	v0 =	vmax.f32 v0, v42;
	v47 =	vmax.f32 v43, v44;
	v48 =	vmax.f32 v45, v46  }
0x231: {  	v50 =	vadd.s32 $0x9C40, v23;
	v0 =	vmax.f32 v1, v0;
	v49 =	vmax.f32 v47, v48  }
0x232: {  	v0 =	vmax.f32 v0, v49  }
0x233: {  	[tilespmem:s17+$0x1E480] =	vst v0  }
0x234: {  	v36 =	vld.idx.msk [tilespmem:v39+s2+$0x0], $0xffff  }
0x235: {  	v40 =	vadd.s32 $0x9C40, v27;
	v35 =	vadd.s32 $0x9C40, v28;
	v37 =	vld.idx.msk [tilespmem:v41+s2+$0x0], $0xffff  }
0x236: {  	s19 =	simm.s32 $0x4100;
	v33 =	vadd.s32 $0x9C40, v24;
	v34 =	vadd.s32 $0x9C40, v25;
	v39 =	vadd.s32 $0x9C40, v29;
	v38 =	vld.idx.msk [tilespmem:v50+s2+$0x0], $0xffff  }
.LBB2_10:
0x237: {  	_ =	sdelay $0x2  }
0x238: {  	v0 =	vld.idx.msk [tilespmem:v40+s2+$0x0], $0xffff;
	v1 =	vadd.s32 $0x9C40, v19  }
0x239: {  	v2 =	vld.idx.msk [tilespmem:v35+s2+$0x0], $0xffff;
	v3 =	vadd.s32 $0x9C40, v20  }
0x23a: {  	v4 =	vld.idx.msk [tilespmem:v39+s2+$0x0], $0xffff;
	v5 =	vadd.s32 $0x9C40, v21  }
0x23b: {  	v6 =	vld.idx.msk [tilespmem:v33+s2+$0x0], $0xffff;
	v7 =	vadd.s32 $0x9C40, v30  }
0x23c: {  	v8 =	vld.idx.msk [tilespmem:v34+s2+$0x0], $0xffff;
	v9 =	vadd.s32 $0x9C40, v26  }
0x23d: {  	v48 =	vadd.s32 $0x9C40, v22;
	v1 =	vld.idx.msk [tilespmem:v1+s2+$0x0], $0xffff  }
0x23e: {  	v49 =	vadd.s32 $0x9C40, v18;
	v3 =	vld.idx.msk [tilespmem:v3+s2+$0x0], $0xffff  }
0x23f: {  	v50 =	vadd.s32 $0x9C40, v17;
	v5 =	vld.idx.msk [tilespmem:v5+s2+$0x0], $0xffff  }
0x240: {  	v46 =	vor.u32 s19, v57;
	v7 =	vld.idx.msk [tilespmem:v7+s2+$0x0], $0xffff  }
0x241: {  	v57 =	vor.u32 s19, v59;
	v9 =	vld.idx.msk [tilespmem:v9+s2+$0x0], $0xffff  }
0x242: {  	v51 =	vor.u32 s19, v51;
	v43 =	vld.idx.msk [tilespmem:v48+s2+$0x0], $0xffff  }
0x243: {  	v52 =	vor.u32 s19, v52;
	v45 =	vld.idx.msk [tilespmem:v49+s2+$0x0], $0xffff  }
0x244: {  	v41 =	vor.u32 s19, v54;
	v47 =	vld.idx.msk [tilespmem:v50+s2+$0x0], $0xffff  }
0x245: {  	v44 =	vor.u32 s19, v55;
	v48 =	vor.u32 s19, v60;
	v60 =	vmax.f32 v36, v37;
	v36 =	vld.idx.msk [tilespmem:v46+s11+$0x0], $0xffff  }
0x246: {  	v55 =	vor.u32 s19, v58;
	v0 =	vmax.f32 v38, v0;
	v38 =	vld.idx.msk [tilespmem:v57+s11+$0x0], $0xffff  }
0x247: {  	v59 =	vadd.s32 $0xC350, v31;
	v58 =	vor.u32 s19, v62;
	v42 =	vld.idx.msk [tilespmem:v51+s11+$0x0], $0xffff  }
0x248: {  	v49 =	vor.u32 s19, v61;
	v50 =	vadd.s32 $0xC350, v32;
	v2 =	vmax.f32 v2, v4;
	v33 =	vld.idx.msk [tilespmem:v52+s11+$0x0], $0xffff  }
0x249: {  	v61 =	vmax.f32 v6, v8;
	v0 =	vmax.f32 v60, v0;
	v34 =	vld.idx.msk [tilespmem:v41+s11+$0x0], $0xffff;
	v1 =	vmax.f32 v1, v3  }
0x24a: {  	v35 =	vld.idx.msk [tilespmem:v44+s11+$0x0], $0xffff;
	v62 =	vmax.f32 v5, v7;
	v43 =	vmax.f32 v9, v43;
	v45 =	vmax.f32 v45, v47  }
0x24b: {  	v2 =	vmax.f32 v2, v61;
	v37 =	vld.idx.msk [tilespmem:v55+s11+$0x0], $0xffff;
	v1 =	vmax.f32 v1, v62;
	v46 =	vmax.f32 v43, v45  }
0x24c: {  	v0 =	vmax.f32 v0, v2;
	v41 =	vld.idx.msk [tilespmem:v58+s11+$0x0], $0xffff;
	v47 =	vadd.s32 $0xC350, v23;
	v1 =	vmax.f32 v1, v46  }
0x24d: {  	v39 =	vld.idx.msk [tilespmem:v48+s11+$0x0], $0xffff;
	v48 =	vadd.s32 $0xC350, v27;
	v0 =	vmax.f32 v0, v1  }
0x24e: {  	v40 =	vld.idx.msk [tilespmem:v49+s11+$0x0], $0xffff;
	v49 =	vadd.s32 $0xC350, v28;
	[tilespmem:s17+$0x1E880] =	vst v0  }
0x24f: {  	v3 =	vld.idx.msk [tilespmem:v50+s2+$0x0], $0xffff  }
0x250: {  	v51 =	vadd.s32 $0xC350, v24;
	v5 =	vld.idx.msk [tilespmem:v59+s2+$0x0], $0xffff  }
0x251: {  	v52 =	vadd.s32 $0xC350, v25;
	v2 =	vld.idx.msk [tilespmem:v47+s2+$0x0], $0xffff  }
0x252: {  	v8 =	vadd.s32 $0xC350, v19;
	v1 =	vld.idx.msk [tilespmem:v48+s2+$0x0], $0xffff  }
0x253: {  	v9 =	vadd.s32 $0xC350, v20;
	v0 =	vld.idx.msk [tilespmem:v49+s2+$0x0], $0xffff  }
0x254: {  	v60 =	vmov v17;
	v48 =	vadd.s32 $0xC350, v17;
	v17 =	vld [tilespmem:$0x1FFA0]  }
0x255: {  	v54 =	vadd.s32 $0xC350, v21;
	v6 =	vld.idx.msk [tilespmem:v51+s2+$0x0], $0xffff  }
0x256: {  	v7 =	vld.idx.msk [tilespmem:v52+s2+$0x0], $0xffff;
	v59 =	vadd.s32 $0xC350, v18  }
0x257: {  	v8 =	vld.idx.msk [tilespmem:v8+s2+$0x0], $0xffff  }
0x258: {  	v57 =	vadd.s32 $0xC350, v26;
	v9 =	vld.idx.msk [tilespmem:v9+s2+$0x0], $0xffff  }
0x259: {  	v44 =	vor.u32 s19, v17;
	v17 =	vld [tilespmem:$0x1FFB0]  }
0x25a: {  	v58 =	vadd.s32 $0xC350, v22;
	v43 =	vld.idx.msk [tilespmem:v54+s2+$0x0], $0xffff  }
0x25b: {  	v50 =	vadd.s32 $0xC350, v29;
	v47 =	vld.idx.msk [tilespmem:v59+s2+$0x0], $0xffff  }
0x25c: {  	v55 =	vadd.s32 $0xC350, v30;
	v59 =	vmov v18;
	v18 =	vld [tilespmem:$0x1FFD0]  }
0x25d: {  	v51 =	vld.idx.msk [tilespmem:v57+s2+$0x0], $0xffff  }
0x25e: {  	v49 =	vor.u32 s19, v63;
	v45 =	vor.u32 s19, v17;
	v17 =	vld [tilespmem:$0x1FFC0]  }
0x25f: {  	v52 =	vld.idx.msk [tilespmem:v58+s2+$0x0], $0xffff  }
0x260: {  	v4 =	vld.idx.msk [tilespmem:v50+s2+$0x0], $0xffff  }
0x261: {  	v50 =	vld.idx.msk [tilespmem:v55+s2+$0x0], $0xffff;
	v63 =	vor.u32 s19, v18  }
0x262: {  	v55 =	vld.idx.msk [tilespmem:v48+s2+$0x0], $0xffff  }
0x263: {  	v49 =	vld.idx.msk [tilespmem:v49+s11+$0x0], $0xffff;
	v61 =	vor.u32 s19, v17  }
0x264: {  	v62 =	vor.u32 s19, v53;
	v3 =	vmax.f32 v3, v5;
	v48 =	vld.idx.msk [tilespmem:v44+s11+$0x0], $0xffff  }
0x265: {  	v1 =	vmax.f32 v2, v1;
	v17 =	vmov v53;
	v53 =	vand.u32 v56, v62;
	v44 =	vld.idx.msk [tilespmem:v45+s11+$0x0], $0xffff  }
0x266: {  	v57 =	vadd.s32 $0xEA60, v31;
	v1 =	vmax.f32 v3, v1;
	v0 =	vmax.f32 v0, v4;
	v46 =	vld.idx.msk [tilespmem:v63+s11+$0x0], $0xffff  }
0x267: {  	v18 =	vmovc v56;
	v56 =	vadd.s32 $0xEA60, v32;
	v62 =	vmax.f32 v8, v9;
	v63 =	vmax.f32 v43, v50;
	v50 =	vld.idx.msk [tilespmem:v33+s2+$0x0], $0xffff  }
0x268: {  	v43 =	vmax.f32 v51, v52;
	v8 =	vmax.f32 v47, v55;
	v45 =	vld.idx.msk [tilespmem:v61+s11+$0x0], $0xffff;
	v61 =	vmax.f32 v6, v7  }
0x269: {  	v55 =	vld.idx.msk [tilespmem:v35+s2+$0x0], $0xffff;
	v51 =	vmax.f32 v62, v63;
	v52 =	vmax.f32 v43, v8;
	v0 =	vmax.f32 v0, v61  }
0x26a: {  	v54 =	vadd.s32 $0xEA60, v23;
	v6 =	vld.idx.msk [tilespmem:v53+s11+$0x0], $0xffff;
	v53 =	vmax.f32 v51, v52;
	v0 =	vmax.f32 v1, v0  }
0x26b: {  	v58 =	vadd.s32 $0xEA60, v27;
	v47 =	vld.idx.msk [tilespmem:v36+s2+$0x0], $0xffff;
	v0 =	vmax.f32 v0, v53  }
0x26c: {  	v43 =	vld.idx.msk [tilespmem:v34+s2+$0x0], $0xffff;
	v62 =	vadd.s32 $0xEA60, v29;
	[tilespmem:s17+$0x1EC80] =	vst v0  }
0x26d: {  	v63 =	vadd.s32 $0xEA60, v24;
	v3 =	vld.idx.msk [tilespmem:v56+s2+$0x0], $0xffff  }
0x26e: {  	v8 =	vadd.s32 $0xEA60, v25;
	v5 =	vld.idx.msk [tilespmem:v57+s2+$0x0], $0xffff  }
0x26f: {  	v9 =	vadd.s32 $0xEA60, v19;
	v2 =	vld.idx.msk [tilespmem:v54+s2+$0x0], $0xffff  }
0x270: {  	[tilespmem:$0x1FF40] =	vst v50;
	v50 =	vadd.s32 $0xEA60, v20;
	v1 =	vld.idx.msk [tilespmem:v58+s2+$0x0], $0xffff  }
0x271: {  	v51 =	vadd.s32 $0xEA60, v60;
	v4 =	vld.idx.msk [tilespmem:v62+s2+$0x0], $0xffff  }
0x272: {  	v7 =	vld.idx.msk [tilespmem:v63+s2+$0x0], $0xffff  }
0x273: {  	v61 =	vadd.s32 $0xEA60, v28;
	v8 =	vld.idx.msk [tilespmem:v8+s2+$0x0], $0xffff  }
0x274: {  	v53 =	vadd.s32 $0xEA60, v21;
	v9 =	vld.idx.msk [tilespmem:v9+s2+$0x0], $0xffff  }
0x275: {  	v62 =	vadd.s32 $0xEA60, v26;
	v52 =	vld.idx.msk [tilespmem:v50+s2+$0x0], $0xffff  }
0x276: {  	v63 =	vadd.s32 $0xEA60, v22;
	v58 =	vld.idx.msk [tilespmem:v51+s2+$0x0], $0xffff  }
0x277: {  	v50 =	vadd.s32 $0xEA60, v59;
	v51 =	vld.idx.msk [tilespmem:v37+s2+$0x0], $0xffff  }
0x278: {  	v0 =	vld.idx.msk [tilespmem:v61+s2+$0x0], $0xffff;
	v61 =	vadd.s32 $0xEA60, v30  }
0x279: {  	v53 =	vld.idx.msk [tilespmem:v53+s2+$0x0], $0xffff  }
0x27a: {  	[tilespmem:$0x1FF50] =	vst v55;
	v55 =	vld.idx.msk [tilespmem:v62+s2+$0x0], $0xffff  }
0x27b: {  	v56 =	vld.idx.msk [tilespmem:v63+s2+$0x0], $0xffff  }
0x27c: {  	v57 =	vld.idx.msk [tilespmem:v50+s2+$0x0], $0xffff  }
0x27d: {  	v54 =	vld.idx.msk [tilespmem:v61+s2+$0x0], $0xffff  }
0x27e: {  	v50 =	vld.idx.msk [tilespmem:v38+s2+$0x0], $0xffff  }
0x27f: {  	v62 =	vadd.s32 $0x11170, v32;
	v63 =	vadd.s32 $0x11170, v31;
	v32 =	vmov v6;
	v6 =	vld.idx.msk [tilespmem:v40+s2+$0x0], $0xffff  }
0x280: {  	v3 =	vmax.f32 v3, v5;
	v1 =	vmax.f32 v2, v1;
	v2 =	vld.idx.msk [tilespmem:v41+s2+$0x0], $0xffff;
	v5 =	vmax.f32 v9, v52  }
0x281: {  	v61 =	vld.idx.msk [tilespmem:v39+s2+$0x0], $0xffff;
	v0 =	vmax.f32 v0, v4;
	v4 =	vmax.f32 v7, v8;
	v1 =	vmax.f32 v3, v1  }
0x282: {  	v8 =	vld.idx.msk [tilespmem:v49+s2+$0x0], $0xffff;
	v9 =	vmax.f32 v55, v56;
	v52 =	vmax.f32 v57, v58;
	v7 =	vmax.f32 v53, v54  }
0x283: {  	v3 =	vld.idx.msk [tilespmem:v48+s2+$0x0], $0xffff;
	v0 =	vmax.f32 v0, v4;
	v52 =	vmax.f32 v9, v52;
	v4 =	vmax.f32 v5, v7  }
0x284: {  	v31 =	vmovc v42;
	v0 =	vmax.f32 v1, v0;
	v1 =	vadd.s32 $0x11170, v27;
	v9 =	vld.idx.msk [tilespmem:v46+s2+$0x0], $0xffff;
	v42 =	vmax.f32 v4, v52  }
0x285: {  	v7 =	vld.idx.msk [tilespmem:v44+s2+$0x0], $0xffff;
	v0 =	vmax.f32 v0, v42  }
0x286: {  	v5 =	vld.idx.msk [tilespmem:v45+s2+$0x0], $0xffff;
	v4 =	vadd.s32 $0x11170, v23;
	[tilespmem:s17+$0x1F080] =	vst v0  }
0x287: {  	v23 =	vmov v33;
	v52 =	vadd.s32 $0x11170, v28;
	v33 =	vld.idx.msk [tilespmem:v62+s2+$0x0], $0xffff  }
0x288: {  	v28 =	vmov v35;
	v42 =	vadd.s32 $0x11170, v29;
	v35 =	vld.idx.msk [tilespmem:v63+s2+$0x0], $0xffff  }
0x289: {  	v29 =	vmov v36;
	v36 =	vadd.s32 $0x11170, v24;
	v1 =	vld.idx.msk [tilespmem:v1+s2+$0x0], $0xffff  }
0x28a: {  	v50 =	vmax.f32 v51, v50;
	v24 =	vmov v37;
	v37 =	vadd.s32 $0x11170, v25;
	v51 =	vld.idx.msk [tilespmem:v32+s2+$0x0], $0xffff  }
0x28b: {  	v25 =	vmov v38;
	v38 =	vadd.s32 $0x11170, v19;
	v4 =	vld.idx.msk [tilespmem:v4+s2+$0x0], $0xffff  }
0x28c: {  	v0 =	vld.idx.msk [tilespmem:v52+s2+$0x0], $0xffff;
	v52 =	vadd.s32 $0x11170, v20  }
0x28d: {  	v27 =	vmov v34;
	v20 =	vmov v40;
	v40 =	vadd.s32 $0x11170, v21;
	v34 =	vld.idx.msk [tilespmem:v42+s2+$0x0], $0xffff  }
0x28e: {  	v36 =	vld.idx.msk [tilespmem:v36+s2+$0x0], $0xffff  }
0x28f: {  	v21 =	vmov v41;
	v41 =	vadd.s32 $0x11170, v30;
	v37 =	vld.idx.msk [tilespmem:v37+s2+$0x0], $0xffff  }
0x290: {  	v42 =	vadd.s32 $0x11170, v26;
	v38 =	vld.idx.msk [tilespmem:v38+s2+$0x0], $0xffff  }
0x291: {  	v19 =	vmov v39;
	v26 =	vmov v48;
	v48 =	vadd.s32 $0x11170, v22;
	v39 =	vld.idx.msk [tilespmem:v52+s2+$0x0], $0xffff  }
0x292: {  	v52 =	vadd.s32 $0x11170, v59;
	v40 =	vld.idx.msk [tilespmem:v40+s2+$0x0], $0xffff  }
0x293: {  	v59 =	vadd.s32 $0x11170, v60;
	v60 =	vld [tilespmem:$0x1FF40]  }
0x294: {  	v41 =	vld.idx.msk [tilespmem:v41+s2+$0x0], $0xffff  }
0x295: {  	v42 =	vld.idx.msk [tilespmem:v42+s2+$0x0], $0xffff  }
0x296: {  	v53 =	vmov v17;
	v17 =	vmov v46;
	v46 =	vld.idx.msk [tilespmem:v48+s2+$0x0], $0xffff  }
0x297: {  	v6 =	vmax.f32 v61, v6;
	v2 =	vmax.f32 v2, v8;
	v22 =	vmov v44;
	v44 =	vld.idx.msk [tilespmem:v52+s2+$0x0], $0xffff  }
0x298: {  	v3 =	vmax.f32 v3, v7;
	v5 =	vmax.f32 v5, v9;
	v43 =	vmax.f32 v60, v43;
	v60 =	vld [tilespmem:$0x1FF50]  }
0x299: {  	v56 =	vmovc v18;
	v18 =	vmov v45;
	v2 =	vmax.f32 v6, v2;
	v3 =	vmax.f32 v3, v5;
	v45 =	vld.idx.msk [tilespmem:v59+s2+$0x0], $0xffff  }
0x29a: {  	v30 =	vmovc v49;
	v49 =	vadd.s32 $0x2710, v31;
	v2 =	vmax.f32 v2, v3;
	v1 =	vmax.f32 v4, v1;
	v52 =	vld.idx.msk [tilespmem:v31+s2+$0x0], $0xffff  }
0x29b: {  	v48 =	vadd.s32 $0x2710, v32;
	v0 =	vmax.f32 v0, v34;
	v36 =	vmax.f32 v36, v37  }
0x29c: {  	v0 =	vmax.f32 v0, v36;
	v8 =	vmax.f32 v38, v39;
	v9 =	vmax.f32 v40, v41  }
0x29d: {  	v37 =	vmax.f32 v42, v46;
	v39 =	vmax.f32 v8, v9;
	v47 =	vmax.f32 v60, v47  }
0x29e: {  	v38 =	vmax.f32 v44, v45;
	v47 =	vmax.f32 v47, v50;
	v50 =	vmax.f32 v33, v35  }
0x29f: {  	v8 =	vmax.f32 v51, v52;
	v40 =	vmax.f32 v37, v38;
	v1 =	vmax.f32 v50, v1  }
0x2a0: {  	v42 =	vmax.f32 v8, v43;
	v41 =	vmax.f32 v39, v40;
	v0 =	vmax.f32 v1, v0  }
0x2a1: {  	s18 =	sadd.s32 $0x10, s18;
	v44 =	vadd.s32 $0x2710, v23;
	v43 =	vmax.f32 v42, v47;
	v0 =	vmax.f32 v0, v41  }
0x2a2: {  	v46 =	vadd.s32 $0x2710, v27;
	v45 =	vmax.f32 v43, v2;
	[tilespmem:s17+$0x1F480] =	vst v0;
	s17 =	sand.u32 $0x3F0, s18  }
0x2a3: {  	v47 =	vadd.s32 $0x2710, v28;
	[tilespmem:s17+$0x1D880] =	vst v45  }
0x2a4: {  	v40 =	vadd.s32 $0x2710, v24;
	v2 =	vld.idx.msk [tilespmem:v48+s2+$0x0], $0xffff  }
0x2a5: {  	v8 =	vadd.s32 $0x2710, v19;
	v50 =	vld.idx.msk [tilespmem:v49+s2+$0x0], $0xffff  }
0x2a6: {  	v9 =	vadd.s32 $0x2710, v20;
	v3 =	vld.idx.msk [tilespmem:v44+s2+$0x0], $0xffff  }
0x2a7: {  	v42 =	vadd.s32 $0x2710, v21;
	v1 =	vld.idx.msk [tilespmem:v46+s2+$0x0], $0xffff  }
0x2a8: {  	v43 =	vadd.s32 $0x2710, v30;
	v0 =	vld.idx.msk [tilespmem:v47+s2+$0x0], $0xffff  }
0x2a9: {  	v41 =	vadd.s32 $0x2710, v25;
	v6 =	vld.idx.msk [tilespmem:v40+s2+$0x0], $0xffff  }
0x2aa: {  	v45 =	vadd.s32 $0x2710, v22;
	v8 =	vld.idx.msk [tilespmem:v8+s2+$0x0], $0xffff  }
0x2ab: {  	v48 =	vadd.s32 $0x2710, v29;
	v9 =	vld.idx.msk [tilespmem:v9+s2+$0x0], $0xffff  }
0x2ac: {  	v44 =	vadd.s32 $0x2710, v26;
	v33 =	vld.idx.msk [tilespmem:v42+s2+$0x0], $0xffff  }
0x2ad: {  	v46 =	vadd.s32 $0x2710, v18;
	v34 =	vld.idx.msk [tilespmem:v43+s2+$0x0], $0xffff  }
0x2ae: {  	v47 =	vadd.s32 $0x2710, v17;
	v7 =	vld.idx.msk [tilespmem:v41+s2+$0x0], $0xffff  }
0x2af: {  	v36 =	vld.idx.msk [tilespmem:v45+s2+$0x0], $0xffff  }
0x2b0: {  	v4 =	vld.idx.msk [tilespmem:v48+s2+$0x0], $0xffff  }
0x2b1: {  	v35 =	vld.idx.msk [tilespmem:v44+s2+$0x0], $0xffff  }
0x2b2: {  	v37 =	vld.idx.msk [tilespmem:v46+s2+$0x0], $0xffff  }
0x2b3: {  	v38 =	vld.idx.msk [tilespmem:v47+s2+$0x0], $0xffff;
	_ =	sdelay $0x1  }
0x2b4: {  	v40 =	vadd.s32 $0x4E20, v31;
	v48 =	vadd.s32 $0x4E20, v32  }
0x2b5: {  	v2 =	vmax.f32 v2, v50;
	v1 =	vmax.f32 v3, v1;
	v50 =	vmax.f32 v8, v9  }
0x2b6: {  	v34 =	vmax.f32 v33, v34;
	v1 =	vmax.f32 v2, v1;
	v49 =	vmax.f32 v6, v7  }
0x2b7: {  	v0 =	vmax.f32 v0, v4;
	v36 =	vmax.f32 v35, v36;
	v41 =	vmax.f32 v37, v38  }
0x2b8: {  	v42 =	vmax.f32 v50, v34;
	v0 =	vmax.f32 v0, v49;
	v43 =	vmax.f32 v36, v41  }
0x2b9: {  	v45 =	vadd.s32 $0x4E20, v23;
	v0 =	vmax.f32 v1, v0;
	v44 =	vmax.f32 v42, v43  }
0x2ba: {  	v46 =	vadd.s32 $0x4E20, v27;
	v0 =	vmax.f32 v0, v44  }
0x2bb: {  	v47 =	vadd.s32 $0x4E20, v28;
	[tilespmem:s17+$0x1DC80] =	vst v0  }
0x2bc: {  	v38 =	vadd.s32 $0x4E20, v24;
	v48 =	vld.idx.msk [tilespmem:v48+s2+$0x0], $0xffff  }
0x2bd: {  	v39 =	vadd.s32 $0x4E20, v25;
	v50 =	vld.idx.msk [tilespmem:v40+s2+$0x0], $0xffff  }
0x2be: {  	v8 =	vadd.s32 $0x4E20, v19;
	v2 =	vld.idx.msk [tilespmem:v45+s2+$0x0], $0xffff  }
0x2bf: {  	v9 =	vadd.s32 $0x4E20, v20;
	v1 =	vld.idx.msk [tilespmem:v46+s2+$0x0], $0xffff  }
0x2c0: {  	v49 =	vadd.s32 $0x4E20, v29;
	v0 =	vld.idx.msk [tilespmem:v47+s2+$0x0], $0xffff  }
0x2c1: {  	v41 =	vadd.s32 $0x4E20, v30;
	v6 =	vld.idx.msk [tilespmem:v38+s2+$0x0], $0xffff  }
0x2c2: {  	v42 =	vadd.s32 $0x4E20, v26;
	v7 =	vld.idx.msk [tilespmem:v39+s2+$0x0], $0xffff  }
0x2c3: {  	v43 =	vadd.s32 $0x4E20, v22;
	v8 =	vld.idx.msk [tilespmem:v8+s2+$0x0], $0xffff  }
0x2c4: {  	v44 =	vadd.s32 $0x4E20, v18;
	v9 =	vld.idx.msk [tilespmem:v9+s2+$0x0], $0xffff  }
0x2c5: {  	v40 =	vadd.s32 $0x4E20, v21;
	v4 =	vld.idx.msk [tilespmem:v49+s2+$0x0], $0xffff  }
0x2c6: {  	v45 =	vadd.s32 $0x4E20, v17;
	v34 =	vld.idx.msk [tilespmem:v41+s2+$0x0], $0xffff  }
0x2c7: {  	v35 =	vld.idx.msk [tilespmem:v42+s2+$0x0], $0xffff  }
0x2c8: {  	v36 =	vld.idx.msk [tilespmem:v43+s2+$0x0], $0xffff  }
0x2c9: {  	v37 =	vld.idx.msk [tilespmem:v44+s2+$0x0], $0xffff  }
0x2ca: {  	v33 =	vld.idx.msk [tilespmem:v40+s2+$0x0], $0xffff  }
0x2cb: {  	v38 =	vld.idx.msk [tilespmem:v45+s2+$0x0], $0xffff;
	_ =	sdelay $0x1  }
0x2cc: {  	v46 =	vadd.s32 $0x7530, v32;
	v47 =	vadd.s32 $0x7530, v31  }
0x2cd: {  	v3 =	vmax.f32 v48, v50;
	v1 =	vmax.f32 v2, v1;
	v48 =	vmax.f32 v6, v7  }
0x2ce: {  	v49 =	vmax.f32 v8, v9;
	v0 =	vmax.f32 v0, v4;
	v1 =	vmax.f32 v3, v1  }
0x2cf: {  	v50 =	vmax.f32 v33, v34;
	v33 =	vmax.f32 v35, v36;
	v34 =	vmax.f32 v37, v38  }
0x2d0: {  	v0 =	vmax.f32 v0, v48;
	v35 =	vmax.f32 v49, v50;
	v36 =	vmax.f32 v33, v34  }
0x2d1: {  	v0 =	vmax.f32 v1, v0;
	v38 =	vadd.s32 $0x7530, v23;
	v37 =	vmax.f32 v35, v36  }
0x2d2: {  	v41 =	vadd.s32 $0x7530, v27;
	v0 =	vmax.f32 v0, v37  }
0x2d3: {  	v42 =	vadd.s32 $0x7530, v28;
	[tilespmem:s17+$0x1E080] =	vst v0  }
0x2d4: {  	v43 =	vadd.s32 $0x7530, v29;
	v3 =	vld.idx.msk [tilespmem:v46+s2+$0x0], $0xffff  }
0x2d5: {  	v45 =	vadd.s32 $0x7530, v24;
	v44 =	vld.idx.msk [tilespmem:v47+s2+$0x0], $0xffff  }
0x2d6: {  	v8 =	vadd.s32 $0x7530, v19;
	v2 =	vld.idx.msk [tilespmem:v38+s2+$0x0], $0xffff  }
0x2d7: {  	v9 =	vadd.s32 $0x7530, v20;
	v1 =	vld.idx.msk [tilespmem:v41+s2+$0x0], $0xffff  }
0x2d8: {  	v48 =	vadd.s32 $0x7530, v30;
	v0 =	vld.idx.msk [tilespmem:v42+s2+$0x0], $0xffff  }
0x2d9: {  	v40 =	vadd.s32 $0x7530, v18;
	v4 =	vld.idx.msk [tilespmem:v43+s2+$0x0], $0xffff  }
0x2da: {  	v49 =	vadd.s32 $0x7530, v26;
	v6 =	vld.idx.msk [tilespmem:v45+s2+$0x0], $0xffff  }
0x2db: {  	v50 =	vadd.s32 $0x7530, v22;
	v8 =	vld.idx.msk [tilespmem:v8+s2+$0x0], $0xffff  }
0x2dc: {  	v46 =	vadd.s32 $0x7530, v25;
	v9 =	vld.idx.msk [tilespmem:v9+s2+$0x0], $0xffff  }
0x2dd: {  	v47 =	vadd.s32 $0x7530, v21;
	v34 =	vld.idx.msk [tilespmem:v48+s2+$0x0], $0xffff  }
0x2de: {  	v41 =	vadd.s32 $0x7530, v17;
	v37 =	vld.idx.msk [tilespmem:v40+s2+$0x0], $0xffff  }
0x2df: {  	v35 =	vld.idx.msk [tilespmem:v49+s2+$0x0], $0xffff  }
0x2e0: {  	v36 =	vld.idx.msk [tilespmem:v50+s2+$0x0], $0xffff  }
0x2e1: {  	v7 =	vld.idx.msk [tilespmem:v46+s2+$0x0], $0xffff  }
0x2e2: {  	v33 =	vld.idx.msk [tilespmem:v47+s2+$0x0], $0xffff  }
0x2e3: {  	v38 =	vld.idx.msk [tilespmem:v41+s2+$0x0], $0xffff;
	_ =	sdelay $0x1  }
0x2e4: {  	v39 =	vadd.s32 $0x9C40, v32;
	v41 =	vadd.s32 $0x9C40, v31  }
0x2e5: {  	v3 =	vmax.f32 v3, v44;
	v1 =	vmax.f32 v2, v1;
	v0 =	vmax.f32 v0, v4  }
0x2e6: {  	v43 =	vmax.f32 v8, v9;
	v45 =	vmax.f32 v35, v36;
	v1 =	vmax.f32 v3, v1  }
0x2e7: {  	v42 =	vmax.f32 v6, v7;
	v44 =	vmax.f32 v33, v34;
	v46 =	vmax.f32 v37, v38  }
0x2e8: {  	v55 =	vld [tilespmem:$0x1FF90];
	v0 =	vmax.f32 v0, v42;
	v47 =	vmax.f32 v43, v44;
	v48 =	vmax.f32 v45, v46  }
0x2e9: {  	p0 =	sne.s32 s19, $0x7000;
	v54 =	vld [tilespmem:$0x1FF80];
	v50 =	vadd.s32 $0x9C40, v23;
	v0 =	vmax.f32 v1, v0;
	v49 =	vmax.f32 v47, v48  }
.Ltmp5:
0x2ea: {  	v52 =	vld [tilespmem:$0x1FF70];
	v0 =	vmax.f32 v0, v49;
	(pc) =	sbr.rel @p0 .LBB2_10-.Ltmp5, $4  }
0x2eb: {  	v51 =	vld [tilespmem:$0x1FF60];
	[tilespmem:s17+$0x1E480] =	vst v0  }
0x2ec: {  	v58 =	vmov v10;
	v57 =	vmov v16;
	v36 =	vld.idx.msk [tilespmem:v39+s2+$0x0], $0xffff  }
0x2ed: {  	v61 =	vmovc v13;
	v62 =	vmovc v14;
	v63 =	vmov v15;
	v40 =	vadd.s32 $0x9C40, v27;
	v35 =	vadd.s32 $0x9C40, v28;
	v37 =	vld.idx.msk [tilespmem:v41+s2+$0x0], $0xffff  }
0x2ee: {  	s19 =	sadd.s32 $0x100, s19;
	v59 =	vmovc v11;
	v60 =	vmovc v12;
	v33 =	vadd.s32 $0x9C40, v24;
	v34 =	vadd.s32 $0x9C40, v25;
	v39 =	vadd.s32 $0x9C40, v29;
	v38 =	vld.idx.msk [tilespmem:v50+s2+$0x0], $0xffff  }
0x2ef: {  	_ =	sdelay $0x3  }
0x2f0: {  	v0 =	vld.idx.msk [tilespmem:v40+s2+$0x0], $0xffff;
	v1 =	vadd.s32 $0x9C40, v19  }
0x2f1: {  	v2 =	vld.idx.msk [tilespmem:v35+s2+$0x0], $0xffff;
	v3 =	vadd.s32 $0x9C40, v20  }
0x2f2: {  	v4 =	vld.idx.msk [tilespmem:v39+s2+$0x0], $0xffff;
	v5 =	vadd.s32 $0x9C40, v21  }
0x2f3: {  	v6 =	vld.idx.msk [tilespmem:v33+s2+$0x0], $0xffff;
	v7 =	vadd.s32 $0x9C40, v30  }
0x2f4: {  	v8 =	vld.idx.msk [tilespmem:v34+s2+$0x0], $0xffff;
	v9 =	vadd.s32 $0x9C40, v26  }
0x2f5: {  	v12 =	vadd.s32 $0x9C40, v22;
	v1 =	vld.idx.msk [tilespmem:v1+s2+$0x0], $0xffff  }
0x2f6: {  	v13 =	vadd.s32 $0x9C40, v18;
	v3 =	vld.idx.msk [tilespmem:v3+s2+$0x0], $0xffff  }
0x2f7: {  	v14 =	vadd.s32 $0x9C40, v17;
	v5 =	vld.idx.msk [tilespmem:v5+s2+$0x0], $0xffff  }
0x2f8: {  	v7 =	vld.idx.msk [tilespmem:v7+s2+$0x0], $0xffff  }
0x2f9: {  	v9 =	vld.idx.msk [tilespmem:v9+s2+$0x0], $0xffff  }
0x2fa: {  	v33 =	vld.idx.msk [tilespmem:v12+s2+$0x0], $0xffff  }
0x2fb: {  	v34 =	vld.idx.msk [tilespmem:v13+s2+$0x0], $0xffff  }
0x2fc: {  	v35 =	vld.idx.msk [tilespmem:v14+s2+$0x0], $0xffff;
	_ =	sdelay $0x1  }
0x2fd: {  	v15 =	vadd.s32 $0xC350, v32;
	v16 =	vadd.s32 $0xC350, v31  }
0x2fe: {  	v36 =	vmax.f32 v36, v37;
	v0 =	vmax.f32 v38, v0;
	v2 =	vmax.f32 v2, v4  }
0x2ff: {  	v4 =	vmax.f32 v6, v8;
	v0 =	vmax.f32 v36, v0;
	v1 =	vmax.f32 v1, v3  }
0x300: {  	v41 =	vmax.f32 v5, v7;
	v5 =	vmax.f32 v9, v33;
	v6 =	vmax.f32 v34, v35  }
0x301: {  	v2 =	vmax.f32 v2, v4;
	v1 =	vmax.f32 v1, v41;
	v42 =	vmax.f32 v5, v6  }
0x302: {  	v43 =	vadd.s32 $0xC350, v23;
	v0 =	vmax.f32 v0, v2;
	v1 =	vmax.f32 v1, v42  }
0x303: {  	v44 =	vadd.s32 $0xC350, v27;
	v0 =	vmax.f32 v0, v1  }
0x304: {  	v45 =	vadd.s32 $0xC350, v28;
	[tilespmem:s17+$0x1E880] =	vst v0  }
0x305: {  	v4 =	vadd.s32 $0xC350, v29;
	v46 =	vld.idx.msk [tilespmem:v15+s2+$0x0], $0xffff  }
0x306: {  	v7 =	vadd.s32 $0xC350, v25;
	v5 =	vld.idx.msk [tilespmem:v16+s2+$0x0], $0xffff  }
0x307: {  	v8 =	vadd.s32 $0xC350, v19;
	v2 =	vld.idx.msk [tilespmem:v43+s2+$0x0], $0xffff  }
0x308: {  	v9 =	vadd.s32 $0xC350, v20;
	v1 =	vld.idx.msk [tilespmem:v44+s2+$0x0], $0xffff  }
0x309: {  	v47 =	vadd.s32 $0xC350, v21;
	v0 =	vld.idx.msk [tilespmem:v45+s2+$0x0], $0xffff  }
0x30a: {  	v48 =	vadd.s32 $0xC350, v30;
	v4 =	vld.idx.msk [tilespmem:v4+s2+$0x0], $0xffff  }
0x30b: {  	v49 =	vadd.s32 $0xC350, v26;
	v7 =	vld.idx.msk [tilespmem:v7+s2+$0x0], $0xffff  }
0x30c: {  	v50 =	vadd.s32 $0xC350, v22;
	v8 =	vld.idx.msk [tilespmem:v8+s2+$0x0], $0xffff  }
0x30d: {  	v12 =	vadd.s32 $0xC350, v18;
	v9 =	vld.idx.msk [tilespmem:v9+s2+$0x0], $0xffff  }
0x30e: {  	v6 =	vadd.s32 $0xC350, v24;
	v33 =	vld.idx.msk [tilespmem:v47+s2+$0x0], $0xffff  }
0x30f: {  	v13 =	vadd.s32 $0xC350, v17;
	v34 =	vld.idx.msk [tilespmem:v48+s2+$0x0], $0xffff  }
0x310: {  	v35 =	vld.idx.msk [tilespmem:v49+s2+$0x0], $0xffff  }
0x311: {  	v36 =	vld.idx.msk [tilespmem:v50+s2+$0x0], $0xffff  }
0x312: {  	v37 =	vld.idx.msk [tilespmem:v12+s2+$0x0], $0xffff  }
0x313: {  	v6 =	vld.idx.msk [tilespmem:v6+s2+$0x0], $0xffff  }
0x314: {  	v38 =	vld.idx.msk [tilespmem:v13+s2+$0x0], $0xffff;
	_ =	sdelay $0x1  }
0x315: {  	v14 =	vadd.s32 $0xEA60, v32;
	v15 =	vadd.s32 $0xEA60, v31  }
0x316: {  	v3 =	vmax.f32 v46, v5;
	v1 =	vmax.f32 v2, v1;
	v0 =	vmax.f32 v0, v4  }
0x317: {  	v4 =	vmax.f32 v8, v9;
	v5 =	vmax.f32 v33, v34;
	v16 =	vmax.f32 v6, v7  }
0x318: {  	v6 =	vmax.f32 v35, v36;
	v7 =	vmax.f32 v37, v38;
	v1 =	vmax.f32 v3, v1  }
0x319: {  	v38 =	vmax.f32 v4, v5;
	v0 =	vmax.f32 v0, v16;
	v41 =	vmax.f32 v6, v7  }
0x31a: {  	v43 =	vadd.s32 $0xEA60, v23;
	v0 =	vmax.f32 v1, v0;
	v42 =	vmax.f32 v38, v41  }
0x31b: {  	v44 =	vadd.s32 $0xEA60, v27;
	v0 =	vmax.f32 v0, v42  }
0x31c: {  	v45 =	vadd.s32 $0xEA60, v28;
	[tilespmem:s17+$0x1EC80] =	vst v0  }
0x31d: {  	v4 =	vadd.s32 $0xEA60, v29;
	v46 =	vld.idx.msk [tilespmem:v14+s2+$0x0], $0xffff  }
0x31e: {  	v8 =	vadd.s32 $0xEA60, v19;
	v5 =	vld.idx.msk [tilespmem:v15+s2+$0x0], $0xffff  }
0x31f: {  	v9 =	vadd.s32 $0xEA60, v20;
	v2 =	vld.idx.msk [tilespmem:v43+s2+$0x0], $0xffff  }
0x320: {  	v47 =	vadd.s32 $0xEA60, v21;
	v1 =	vld.idx.msk [tilespmem:v44+s2+$0x0], $0xffff  }
0x321: {  	v48 =	vadd.s32 $0xEA60, v30;
	v0 =	vld.idx.msk [tilespmem:v45+s2+$0x0], $0xffff  }
0x322: {  	v49 =	vadd.s32 $0xEA60, v26;
	v4 =	vld.idx.msk [tilespmem:v4+s2+$0x0], $0xffff  }
0x323: {  	v50 =	vadd.s32 $0xEA60, v22;
	v8 =	vld.idx.msk [tilespmem:v8+s2+$0x0], $0xffff  }
0x324: {  	v12 =	vadd.s32 $0xEA60, v18;
	v9 =	vld.idx.msk [tilespmem:v9+s2+$0x0], $0xffff  }
0x325: {  	v6 =	vadd.s32 $0xEA60, v24;
	v33 =	vld.idx.msk [tilespmem:v47+s2+$0x0], $0xffff  }
0x326: {  	v7 =	vadd.s32 $0xEA60, v25;
	v34 =	vld.idx.msk [tilespmem:v48+s2+$0x0], $0xffff  }
0x327: {  	v13 =	vadd.s32 $0xEA60, v17;
	v35 =	vld.idx.msk [tilespmem:v49+s2+$0x0], $0xffff  }
0x328: {  	v36 =	vld.idx.msk [tilespmem:v50+s2+$0x0], $0xffff  }
0x329: {  	v37 =	vld.idx.msk [tilespmem:v12+s2+$0x0], $0xffff  }
0x32a: {  	v6 =	vld.idx.msk [tilespmem:v6+s2+$0x0], $0xffff  }
0x32b: {  	v7 =	vld.idx.msk [tilespmem:v7+s2+$0x0], $0xffff  }
0x32c: {  	v38 =	vld.idx.msk [tilespmem:v13+s2+$0x0], $0xffff;
	_ =	sdelay $0x1  }
0x32d: {  	v14 =	vadd.s32 $0x11170, v32;
	v15 =	vadd.s32 $0x11170, v31  }
0x32e: {  	v3 =	vmax.f32 v46, v5;
	v1 =	vmax.f32 v2, v1;
	v0 =	vmax.f32 v0, v4  }
0x32f: {  	v4 =	vmax.f32 v8, v9;
	v5 =	vmax.f32 v33, v34;
	v16 =	vmax.f32 v6, v7  }
0x330: {  	v6 =	vmax.f32 v35, v36;
	v7 =	vmax.f32 v37, v38;
	v1 =	vmax.f32 v3, v1  }
0x331: {  	v34 =	vmax.f32 v4, v5;
	v0 =	vmax.f32 v0, v16;
	v35 =	vmax.f32 v6, v7  }
0x332: {  	v37 =	vadd.s32 $0x11170, v23;
	v0 =	vmax.f32 v1, v0;
	v36 =	vmax.f32 v34, v35  }
0x333: {  	v38 =	vadd.s32 $0x11170, v27;
	v0 =	vmax.f32 v0, v36  }
0x334: {  	v39 =	vadd.s32 $0x11170, v28;
	[tilespmem:s17+$0x1F080] =	vst v0  }
0x335: {  	v4 =	vadd.s32 $0x11170, v29;
	v40 =	vld.idx.msk [tilespmem:v14+s2+$0x0], $0xffff  }
0x336: {  	v8 =	vadd.s32 $0x11170, v19;
	v5 =	vld.idx.msk [tilespmem:v15+s2+$0x0], $0xffff  }
0x337: {  	v9 =	vadd.s32 $0x11170, v20;
	v2 =	vld.idx.msk [tilespmem:v37+s2+$0x0], $0xffff  }
0x338: {  	v41 =	vadd.s32 $0x11170, v21;
	v1 =	vld.idx.msk [tilespmem:v38+s2+$0x0], $0xffff  }
0x339: {  	v42 =	vadd.s32 $0x11170, v30;
	v0 =	vld.idx.msk [tilespmem:v39+s2+$0x0], $0xffff  }
0x33a: {  	v43 =	vadd.s32 $0x11170, v26;
	v4 =	vld.idx.msk [tilespmem:v4+s2+$0x0], $0xffff  }
0x33b: {  	v44 =	vadd.s32 $0x11170, v22;
	v8 =	vld.idx.msk [tilespmem:v8+s2+$0x0], $0xffff  }
0x33c: {  	v45 =	vadd.s32 $0x11170, v18;
	v9 =	vld.idx.msk [tilespmem:v9+s2+$0x0], $0xffff  }
0x33d: {  	v6 =	vadd.s32 $0x11170, v24;
	v19 =	vld.idx.msk [tilespmem:v41+s2+$0x0], $0xffff  }
0x33e: {  	v7 =	vadd.s32 $0x11170, v25;
	v20 =	vld.idx.msk [tilespmem:v42+s2+$0x0], $0xffff  }
0x33f: {  	v46 =	vadd.s32 $0x11170, v17;
	v21 =	vld.idx.msk [tilespmem:v43+s2+$0x0], $0xffff  }
0x340: {  	v22 =	vld.idx.msk [tilespmem:v44+s2+$0x0], $0xffff  }
0x341: {  	v18 =	vld.idx.msk [tilespmem:v45+s2+$0x0], $0xffff  }
0x342: {  	v6 =	vld.idx.msk [tilespmem:v6+s2+$0x0], $0xffff  }
0x343: {  	v7 =	vld.idx.msk [tilespmem:v7+s2+$0x0], $0xffff  }
0x344: {  	v17 =	vld.idx.msk [tilespmem:v46+s2+$0x0], $0xffff;
	_ =	sdelay $0x2  }
0x345: {  	v3 =	vmax.f32 v40, v5;
	v1 =	vmax.f32 v2, v1;
	v0 =	vmax.f32 v0, v4  }
0x346: {  	v4 =	vmax.f32 v8, v9;
	v5 =	vmax.f32 v19, v20;
	v47 =	vmax.f32 v6, v7  }
0x347: {  	v6 =	vmax.f32 v21, v22;
	v7 =	vmax.f32 v18, v17;
	v1 =	vmax.f32 v3, v1  }
0x348: {  	v48 =	vmax.f32 v4, v5;
	v0 =	vmax.f32 v0, v47;
	v49 =	vmax.f32 v6, v7  }
0x349: {  	v0 =	vmax.f32 v1, v0;
	v50 =	vmax.f32 v48, v49  }
0x34a: {  	s16 =	sadd.s32 $0x1, s16;
	v0 =	vmax.f32 v0, v50  }
0x34b: {  	p0 =	sne.s32 s16, s9;
	[tilespmem:s17+$0x1F480] =	vst v0  }
0x34c: {  	[hbm4b:s8+s2] =	stream.linear.scatter [tilespmem:s15], [sflag:$0x3], $0x2000, $0x38;
	[tilespmem:$0x1F880] =	vst v63  }
.Ltmp6:
0x34d: {  	_ =	swait.ge [sflag:s10], $0x2000;
	(pc) =	sbr.rel @p0 .LBB2_1-.Ltmp6, $4  }
0x34e: {  	v6 =	vld [tilespmem:$0x1FFA0]  }
0x34f: {  	v7 =	vld [tilespmem:$0x1FFB0]  }
0x350: {  	[sflag:s10] =	ssyncset.done $0x0;
	v8 =	vld [tilespmem:$0x1FFC0]  }
0x351: {  	v9 =	vld [tilespmem:$0x1FFD0];
	[sflag:s10] =	ssyncadd.s32 $0xFFFFE000  }
0x352: {  	_ =	sfence.sel $0x180000  }
0x353: {  	[bflag:$0x0] =	sbarrier.arrive $0xFFFF  }
0x354: {  	p0 =	sne.s32 s1, $0x0;
	_ =	strace $0x90000047  }
0x355: {  	s0 =	sadd.s32 @!p0 $0x100000, s0;
	[bflag:$0x2] =	sbarrier.arrive $0xFFFF  }
0x356: {  	[sflag:s0] =	ssyncadd.tile.s32 @!p0 $0x1;
	_ =	shalt  }
.Lfunc_end2:
_tile_overlayer_lowered:
.L_overlay_start_2:
0x357: {  	(tag) =	ssettag $0x2  }
0x358: {  	s0 =	rddreg [dreg:$0x0];
	s2 =	stileid.u32  }
0x359: {  	s1 =	rddreg [dreg:$0x1];
	p0 =	sne.s32 s2, $0x0  }
0x35a: {  	s3 =	rddreg [dreg:$0x2];
	[bflag:$0x3] =	sbarrier.arrive $0xFFFF;
	s2 =	simm.s32 @!p0 $0x1C03  }
0x35b: {  	[timem:s3], [sflag:s2] =	dma.local @!p0 [hbm:s0], s1  }
0x35c: {  	s0 =	simm.s32 @!p0 $0x3  }
0x35d: {  	_ =	swait.ge @!p0 [sflag:s0], s1  }
0x35e: {  	s1 =	ssub.s32 @!p0 $0x0, s1;
	[sflag:s0] =	ssyncset.done @!p0 $0x0  }
0x35f: {  	[sflag:s0] =	ssyncadd.s32 @!p0 s1  }
0x360: {  	[bflag:$0x3] =	sbarrier.arrive $0xFFFF  }
0x361: {  	_ =	shalt  }

</sc_bundles>
